<compile_context>
chip_gen: v7x
topology: tpu7x:2x2x1
jax: 0.10.2.dev20260603
libtpu: 0.0.44.dev20260713+nightly
codegen_flags: <defaults>
</compile_context>

<pallas_src>
import functools

import numpy as np
import jax
import jax.numpy as jnp
from jax import lax
from jax.experimental import pallas as pl
from jax.experimental.pallas import tpu as pltpu
from jax.experimental.pallas import tpu_sc as plsc

N, D, H, E, G = 10000, 128, 128, 320000, 128
NB = 5
NC, NS = 2, 16
NW = NC * NS
EPW = E // NW
CHUNK = 128
NCHUNK = 80
HALF = NCHUNK // 2
EPAD = NCHUNK * CHUNK - EPW
NPAD = N + 16
DUMMY = N + 8
ROWS_PT = 624
ROWS_REM = N - NS * ROWS_PT
BLK = 2000


@functools.lru_cache(maxsize=None)
def _make_edge_agg(width):
    mesh = plsc.VectorSubcoreMesh(
        core_axis_name="c", subcore_axis_name="s",
        num_cores=NC, num_subcores=NS)

    @functools.partial(
        pl.kernel, mesh=mesh,
        out_type=jax.ShapeDtypeStruct((NC, N, width), jnp.float32),
        scratch_types=[
            pltpu.VMEM((HALF, CHUNK), jnp.int32),
            pltpu.VMEM((HALF, CHUNK), jnp.int32),
            pltpu.VMEM((2, CHUNK, width), jnp.float32),
            pltpu.VMEM_SHARED((NPAD, width), jnp.float32),
            pltpu.SemaphoreType.DMA,
            pltpu.SemaphoreType.DMA,
            pltpu.SemaphoreType.DMA,
            pltpu.SemaphoreType.DMA,
        ],
    )
    def k(feat_hbm, src_hbm, dst_hbm, out_hbm, src_v, dst_v, rows_v, acc_sh,
          semg0, semg1, sems0, sems1):
        c = lax.axis_index("c")
        s = lax.axis_index("s")
        wid = c * NS + s
        pltpu.sync_copy(feat_hbm.at[pl.ds(s * ROWS_PT, ROWS_PT)],
                        acc_sh.at[pl.ds(s * ROWS_PT, ROWS_PT)])

        @pl.when(s == NS - 1)
        def _():
            pltpu.sync_copy(feat_hbm.at[pl.ds(NS * ROWS_PT, ROWS_REM)],
                            acc_sh.at[pl.ds(NS * ROWS_PT, ROWS_REM)])

        plsc.subcore_barrier()

        semg = (semg0, semg1)
        sems = (sems0, sems1)
        for h in range(2):
            pltpu.sync_copy(src_hbm.at[wid, pl.ds(h * HALF, HALF)], src_v)
            pltpu.sync_copy(dst_hbm.at[wid, pl.ds(h * HALF, HALF)], dst_v)
            for b in range(2):
                pltpu.async_copy(feat_hbm.at[src_v.at[b]], rows_v.at[b],
                                 semg[b])

            @pl.loop(0, HALF, step=2)
            def _(j):
                for b in range(2):
                    pltpu.make_async_copy(feat_hbm.at[src_v.at[j + b]],
                                          rows_v.at[b], semg[b]).wait()
                    pltpu.async_copy(rows_v.at[b],
                                     acc_sh.at[dst_v.at[j + b]], sems[b],
                                     add=True)

                    @pl.when(j + b + 2 < HALF)
                    def _():
                        pltpu.make_async_copy(rows_v.at[b],
                                              acc_sh.at[dst_v.at[0]],
                                              sems[b]).wait()
                        pltpu.async_copy(feat_hbm.at[src_v.at[j + b + 2]],
                                         rows_v.at[b], semg[b])

            for b in range(2):
                pltpu.make_async_copy(rows_v.at[b], acc_sh.at[dst_v.at[0]],
                                      sems[b]).wait()

        plsc.subcore_barrier()
        pltpu.sync_copy(acc_sh.at[pl.ds(s * ROWS_PT, ROWS_PT)],
                        out_hbm.at[c, pl.ds(s * ROWS_PT, ROWS_PT)])

        @pl.when(s == NS - 1)
        def _():
            pltpu.sync_copy(acc_sh.at[pl.ds(NS * ROWS_PT, ROWS_REM)],
                            out_hbm.at[c, pl.ds(NS * ROWS_PT, ROWS_REM)])

    return k


def _edge_agg_d(feat, src, dst):
    return _make_edge_agg(D)(feat, src, dst)


@functools.lru_cache(maxsize=None)
def _make_scalar_agg():
    mesh = plsc.VectorSubcoreMesh(
        core_axis_name="c", subcore_axis_name="s",
        num_cores=NC, num_subcores=NS)

    @functools.partial(
        pl.kernel, mesh=mesh,
        out_type=jax.ShapeDtypeStruct((NC * N,), jnp.float32),
        scratch_types=[
            pltpu.VMEM((NCHUNK, CHUNK), jnp.int32),
            pltpu.VMEM((NCHUNK, CHUNK), jnp.int32),
            pltpu.VMEM((4, CHUNK), jnp.float32),
            pltpu.VMEM((ROWS_PT + ROWS_REM,), jnp.float32),
            pltpu.VMEM_SHARED((NPAD,), jnp.float32),
            pltpu.VMEM_SHARED((N,), jnp.float32),
            pltpu.SemaphoreType.DMA,
            pltpu.SemaphoreType.DMA,
            pltpu.SemaphoreType.DMA,
            pltpu.SemaphoreType.DMA,
            pltpu.SemaphoreType.DMA,
            pltpu.SemaphoreType.DMA,
            pltpu.SemaphoreType.DMA,
            pltpu.SemaphoreType.DMA,
        ],
    )
    def k(p_hbm, src_hbm, dst_hbm, out_hbm, src_v, dst_v, vals_v, stage_v,
          acc_sh, p_sh, semg0, semg1, semg2, semg3, sems0, sems1, sems2,
          sems3):
        c = lax.axis_index("c")
        s = lax.axis_index("s")
        wid = c * NS + s
        ibase = pl.multiple_of(s * ROWS_PT, 16)
        pltpu.sync_copy(p_hbm.at[pl.ds(ibase, ROWS_PT)],
                        stage_v.at[pl.ds(0, ROWS_PT)])
        pltpu.sync_copy(stage_v.at[pl.ds(0, ROWS_PT)],
                        acc_sh.at[pl.ds(ibase, ROWS_PT)])
        pltpu.sync_copy(stage_v.at[pl.ds(0, ROWS_PT)],
                        p_sh.at[pl.ds(ibase, ROWS_PT)])

        @pl.when(s == NS - 1)
        def _():
            pltpu.sync_copy(p_hbm.at[pl.ds(NS * ROWS_PT, ROWS_REM)],
                            stage_v.at[pl.ds(ROWS_PT, ROWS_REM)])
            pltpu.sync_copy(stage_v.at[pl.ds(ROWS_PT, ROWS_REM)],
                            acc_sh.at[pl.ds(NS * ROWS_PT, ROWS_REM)])
            pltpu.sync_copy(stage_v.at[pl.ds(ROWS_PT, ROWS_REM)],
                            p_sh.at[pl.ds(NS * ROWS_PT, ROWS_REM)])

        pltpu.sync_copy(src_hbm.at[wid], src_v)
        pltpu.sync_copy(dst_hbm.at[wid], dst_v)
        plsc.subcore_barrier()

        semg = (semg0, semg1, semg2, semg3)
        sems = (sems0, sems1, sems2, sems3)
        for b in range(4):
            pltpu.async_copy(p_sh.at[src_v.at[b]], vals_v.at[b], semg[b])

        @pl.loop(0, NCHUNK, step=4)
        def _(j):
            for b in range(4):
                pltpu.make_async_copy(p_sh.at[src_v.at[j + b]],
                                      vals_v.at[b], semg[b]).wait()
                pltpu.async_copy(vals_v.at[b], acc_sh.at[dst_v.at[j + b]],
                                 sems[b], add=True)

                @pl.when(j + b + 4 < NCHUNK)
                def _():
                    pltpu.make_async_copy(vals_v.at[b],
                                          acc_sh.at[dst_v.at[0]],
                                          sems[b]).wait()
                    pltpu.async_copy(p_sh.at[src_v.at[j + b + 4]],
                                     vals_v.at[b], semg[b])

        for b in range(4):
            pltpu.make_async_copy(vals_v.at[b], acc_sh.at[dst_v.at[0]],
                                  sems[b]).wait()

        plsc.subcore_barrier()
        obase = pl.multiple_of(c * N + s * ROWS_PT, 16)
        pltpu.sync_copy(acc_sh.at[pl.ds(ibase, ROWS_PT)],
                        stage_v.at[pl.ds(0, ROWS_PT)])
        pltpu.sync_copy(stage_v.at[pl.ds(0, ROWS_PT)],
                        out_hbm.at[pl.ds(obase, ROWS_PT)])

        @pl.when(s == NS - 1)
        def _():
            obase2 = pl.multiple_of(c * N + NS * ROWS_PT, 16)
            pltpu.sync_copy(acc_sh.at[pl.ds(NS * ROWS_PT, ROWS_REM)],
                            stage_v.at[pl.ds(ROWS_PT, ROWS_REM)])
            pltpu.sync_copy(stage_v.at[pl.ds(ROWS_PT, ROWS_REM)],
                            out_hbm.at[pl.ds(obase2, ROWS_REM)])

    return k


def _edge_agg_p(p_flat, src, dst):
    return _make_scalar_agg()(p_flat, src, dst)


def _split2(a):
    hi = a.astype(jnp.bfloat16)
    lo = (a - hi.astype(jnp.float32)).astype(jnp.bfloat16)
    return hi, lo


def _dot2(a, b):
    ah, al = _split2(a)
    bh, bl = _split2(b)
    d = functools.partial(jnp.dot, preferred_element_type=jnp.float32)
    return d(ah, bh) + (d(ah, bl) + d(al, bh))


def _seg_dot(onehot_bf16, xh, xl):
    dg = functools.partial(lax.dot_general,
                           dimension_numbers=(((0,), (0,)), ((), ())),
                           preferred_element_type=jnp.float32)
    return dg(onehot_bf16, xh) + dg(onehot_bf16, xl)


def _mlp_body(x_ref, a0_ref, a1_ref, W1_ref, b1_ref, W2_ref,
              b2_ref, W3t_ref, x2_ref, p_ref):
    xb = x_ref[...]
    hb = a0_ref[0] + a1_ref[0] - xb
    h1 = jnp.maximum(_dot2(hb, W1_ref[...]) + b1_ref[...], 0.0)
    x2 = jnp.maximum(_dot2(h1, W2_ref[...]) + b2_ref[...], 0.0)
    x2_ref[...] = x2
    wh, wl = _split2(W3t_ref[...])
    xh, xl = _split2(x2)
    dg = functools.partial(lax.dot_general,
                           dimension_numbers=(((1,), (1,)), ((), ())),
                           preferred_element_type=jnp.float32)
    p_ref[...] = (dg(wh, xh) + (dg(wh, xl) + dg(wl, xh)))[None]


def _out_body(x_ref, p_ref, q0_ref, q1_ref, batch_ref, scal_ref,
              x2o_ref, m1_ref, m2_ref):
    i = pl.program_id(0)
    p = p_ref[0]
    t = q0_ref[0] + q1_ref[0] - p
    b3 = scal_ref[0, 0]
    w4 = scal_ref[0, 1]
    b4 = scal_ref[0, 2]
    h2 = jnp.maximum(t + b3, 0.0)
    z = h2 * w4 + b4
    sig = 1.0 / (1.0 + jnp.exp(-z))
    xb = x_ref[...]
    x2o = sig.reshape(BLK, 1) * xb
    x2o_ref[...] = x2o
    onehot = (batch_ref[...] ==
              lax.broadcasted_iota(jnp.int32, (BLK, G), 1)
              ).astype(jnp.bfloat16)
    xh, xl = _split2(xb)
    m1_part = _seg_dot(onehot, xh, xl)
    oh, ol = _split2(x2o)
    m2_part = _seg_dot(onehot, oh, ol)

    @pl.when(i == 0)
    def _():
        m1_ref[...] = m1_part
        m2_ref[...] = m2_part

    @pl.when(i != 0)
    def _():
        m1_ref[...] += m1_part
        m2_ref[...] += m2_part


def _mlp_call(x, agg, W1, b1r, W2, b2r, W3t):
    grid = (N // BLK,)
    return pl.pallas_call(
        _mlp_body,
        grid=grid,
        in_specs=[
            pl.BlockSpec((BLK, D), lambda i: (i, 0)),
            pl.BlockSpec((1, BLK, D), lambda i: (0, i, 0)),
            pl.BlockSpec((1, BLK, D), lambda i: (1, i, 0)),
            pl.BlockSpec((D, H), lambda i: (0, 0)),
            pl.BlockSpec((1, H), lambda i: (0, 0)),
            pl.BlockSpec((H, H), lambda i: (0, 0)),
            pl.BlockSpec((1, H), lambda i: (0, 0)),
            pl.BlockSpec((1, H), lambda i: (0, 0)),
        ],
        out_specs=[
            pl.BlockSpec((BLK, D), lambda i: (i, 0)),
            pl.BlockSpec((1, 1, BLK), lambda i: (i, 0, 0)),
        ],
        out_shape=[
            jax.ShapeDtypeStruct((N, D), jnp.float32),
            jax.ShapeDtypeStruct((NB, 1, BLK), jnp.float32),
        ],
    )(x, agg, agg, W1, b1r, W2, b2r, W3t)


def _out_call(x, p, q, batch2d, scal):
    grid = (N // BLK,)
    return pl.pallas_call(
        _out_body,
        grid=grid,
        in_specs=[
            pl.BlockSpec((BLK, D), lambda i: (i, 0)),
            pl.BlockSpec((1, 1, BLK), lambda i: (i, 0, 0)),
            pl.BlockSpec((1, 1, BLK), lambda i: (i, 0, 0)),
            pl.BlockSpec((1, 1, BLK), lambda i: (NB + i, 0, 0)),
            pl.BlockSpec((BLK, 1), lambda i: (i, 0)),
            pl.BlockSpec(memory_space=pltpu.MemorySpace.SMEM),
        ],
        out_specs=[
            pl.BlockSpec((BLK, D), lambda i: (i, 0)),
            pl.BlockSpec((G, D), lambda i: (0, 0)),
            pl.BlockSpec((G, D), lambda i: (0, 0)),
        ],
        out_shape=[
            jax.ShapeDtypeStruct((N, D), jnp.float32),
            jax.ShapeDtypeStruct((G, D), jnp.float32),
            jax.ShapeDtypeStruct((G, D), jnp.float32),
        ],
    )(x, p, q, q, batch2d, scal)


_PAD_SRC = np.broadcast_to(np.arange(EPAD, dtype=np.int32) % N,
                           (NW, EPAD))
_PAD_DST = np.broadcast_to(N + (np.arange(EPAD, dtype=np.int32) % 16),
                           (NW, EPAD))


def kernel(x, edge_index, batch, W1, b1, W2, b2, W3, b3, W4, b4):
    src = jnp.concatenate(
        [edge_index[0].astype(jnp.int32).reshape(NW, EPW),
         jnp.asarray(_PAD_SRC)], axis=1).reshape(NW, NCHUNK, CHUNK)
    dst = jnp.concatenate(
        [edge_index[1].astype(jnp.int32).reshape(NW, EPW),
         jnp.asarray(_PAD_DST)], axis=1).reshape(NW, NCHUNK, CHUNK)
    batch2d = batch.astype(jnp.int32).reshape(N, 1)
    agg = _edge_agg_d(x, src, dst)
    x2_hidden, p = _mlp_call(
        x, agg, W1, b1.reshape(1, H), W2, b2.reshape(1, H),
        W3.reshape(1, H))
    del x2_hidden
    q = _edge_agg_p(p.reshape(N), src, dst)
    q2 = q.reshape(NC * NB, 1, BLK)
    x2out, m1, m2 = _out_call(
        x, p, q2, batch2d,
        jnp.stack([b3[0], W4[0, 0], b4[0]]).reshape(1, 3))
    return (m1, m2, x, x2out)

# --- scband reference (transcript-rebuilt; emitter-appended) ---
"""Pipeline reference for scband-node-drop-1683627180531 (READ-ONLY COPY).

The authoritative reference and input builder live on the scoring server;
editing this copy changes nothing except your own understanding.
"""

import jax, jax.numpy as jnp
import numpy as np

N, D, H, E, G = 10000, 128, 128, 320000, 128


def _gin_conv(x, edge_index, W1, b1, W2, b2):
    # GINConv with default eps=0: out = MLP(x + sum_{j in N(i)} x_j)
    src, dst = edge_index[0], edge_index[1]
    agg = jnp.zeros(x.shape, x.dtype).at[dst].add(x[src])
    h = x + agg
    h = jnp.maximum(h @ W1 + b1, 0.0)
    return h @ W2 + b2


def setup_inputs(seed: int = 0):
    key = jax.random.key(seed)
    ks = jax.random.split(key, 12)
    x = jax.random.normal(ks[0], (N, D), jnp.float32)
    edge_index = jax.random.randint(ks[1], (2, E), 0, N)
    batch = jnp.sort(jax.random.randint(ks[2], (N,), 0, G))
    def lin(k, fi, fo):
        kw, kb = jax.random.split(k)
        bound = 1.0 / np.sqrt(fi)
        W = jax.random.uniform(kw, (fi, fo), jnp.float32, -bound, bound)
        b = jax.random.uniform(kb, (fo,), jnp.float32, -bound, bound)
        return W, b
    W1, b1 = lin(ks[3], D, H)
    W2, b2 = lin(ks[4], H, H)
    W3, b3 = lin(ks[5], H, 1)
    W4, b4 = lin(ks[6], 1, 1)
    return {"x": x, "edge_index": edge_index, "batch": batch,
            "W1": W1, "b1": b1, "W2": W2, "b2": b2,
            "W3": W3, "b3": b3, "W4": W4, "b4": b4}


def reference(x, edge_index, batch, W1, b1, W2, b2, W3, b3, W4, b4):
    x1 = x
    x2 = _gin_conv(x, edge_index, W1, b1, W2, b2)
    x2 = jnp.maximum(x2, 0.0)
    x2 = _gin_conv(x2, edge_index, W3, b3, W4, b4)
    x2 = jax.nn.sigmoid(x2)  # [N, 1]
    x2 = jnp.broadcast_to(x2, x.shape) * x
    m1 = jax.ops.segment_sum(x1, batch, num_segments=G)
    m2 = jax.ops.segment_sum(x2, batch, num_segments=G)
    return (m1, m2, x1, x2)

if __name__ == "__main__":
    import jax
    _d = setup_inputs()
    print(jax.jit(kernel)(*tuple(_d.values())))

</pallas_src>

<mosaic_0001>
#map = affine_map<(d0, d1) -> (0, 0)>
#map1 = affine_map<(d0, d1) -> (0, 0, 0)>
module attributes {stable_mosaic.version = 14 : i64} {
  func.func @k(%arg0: i32, %arg1: i32, %arg2: memref<10000x128xf32, #tpu.memory_space<hbm>>, %arg3: memref<32x80x128xi32, #tpu.memory_space<hbm>>, %arg4: memref<32x80x128xi32, #tpu.memory_space<hbm>>, %arg5: memref<2x10000x128xf32, #tpu.memory_space<hbm>>, %arg6: memref<40x128xi32, #tpu.memory_space<vmem>>, %arg7: memref<40x128xi32, #tpu.memory_space<vmem>>, %arg8: memref<2x128x128xf32, #tpu.memory_space<vmem>>, %arg9: memref<10016x128xf32, #tpu.memory_space<vmem_shared>>, %arg10: memref<!tpu.dma_semaphore, #tpu.memory_space<semaphore_mem>>, %arg11: memref<!tpu.dma_semaphore, #tpu.memory_space<semaphore_mem>>, %arg12: memref<!tpu.dma_semaphore, #tpu.memory_space<semaphore_mem>>, %arg13: memref<!tpu.dma_semaphore, #tpu.memory_space<semaphore_mem>>) attributes {dimension_semantics = [#tpu.dimension_semantics<core_parallel>, #tpu.dimension_semantics<subcore_parallel>], iteration_bounds = array<i64: 2, 16>, scalar_prefetch = 0 : i64, scratch_operands = 8 : i64, tpu.core_type = #tpu.core_type<sc_vector_subcore>, window_params = [{transform_indices = #map}, {transform_indices = #map1}, {transform_indices = #map1}, {transform_indices = #map1}]} {
    %mul3A = arith.constant 16 : i32
    %mul3A_0 = arith.muli %arg0, %mul3A : i32
    %add3A = arith.addi %mul3A_0, %arg1 : i32
    %mul3A_1 = arith.constant 624 : i32
    %mul3A_2 = arith.muli %arg1, %mul3A_1 : i32
    %mul3A_3 = arith.constant 624 : i32
    %mul3A_4 = arith.muli %arg1, %mul3A_3 : i32
    "tpu.region"() ({
      %run_scoped3A = tpu.sem_alloc : memref<!tpu.dma_semaphore, #tpu.memory_space<semaphore_mem>>
      %dma_start3A_120 = arith.constant 0 : i32
      %dma_start3A_121 = tpu.memref_slice %arg9[%mul3A_4, %dma_start3A_120] : memref<10016x128xf32, #tpu.memory_space<vmem_shared>> -> memref<624x128xf32, #tpu.memory_space<vmem_shared>>
      %dma_start3A_122 = arith.constant 0 : i32
      %dma_start3A_123 = tpu.memref_slice %arg2[%mul3A_2, %dma_start3A_122] : memref<10000x128xf32, #tpu.memory_space<hbm>> -> memref<624x128xf32, #tpu.memory_space<hbm>>
      tpu.enqueue_dma source(%dma_start3A_123 : memref<624x128xf32, #tpu.memory_space<hbm>>) target(%dma_start3A_121 : memref<624x128xf32, #tpu.memory_space<vmem_shared>>) target_semaphore(%run_scoped3A : memref<!tpu.dma_semaphore, #tpu.memory_space<semaphore_mem>>)
      %dma_wait3A_124 = arith.constant 0 : i32
      %dma_wait3A_125 = tpu.memref_slice %arg9[%mul3A_4, %dma_wait3A_124] : memref<10016x128xf32, #tpu.memory_space<vmem_shared>> -> memref<624x128xf32, #tpu.memory_space<vmem_shared>>
      %dma_wait3A_126 = arith.constant 0 : i32
      %dma_wait3A_127 = tpu.memref_slice %arg2[%mul3A_2, %dma_wait3A_126] : memref<10000x128xf32, #tpu.memory_space<hbm>> -> memref<624x128xf32, #tpu.memory_space<hbm>>
      tpu.wait_dma2 semaphore(%run_scoped3A : memref<!tpu.dma_semaphore, #tpu.memory_space<semaphore_mem>>) src(%dma_wait3A_127 : memref<624x128xf32, #tpu.memory_space<hbm>>) dst(%dma_wait3A_125 : memref<624x128xf32, #tpu.memory_space<vmem_shared>>)
      tpu.yield
    }) : () -> ()
    %eq3A = arith.constant 15 : i32
    %eq3A_5 = arith.cmpi eq, %arg1, %eq3A : i32
    %convert_element_type3A = arith.extui %eq3A_5 : i1 to i32
    %cond3A = arith.constant 0 : i32
    %cond3A_6 = arith.cmpi ne, %convert_element_type3A, %cond3A : i32
    scf.if %cond3A_6 {
      "tpu.region"() ({
        %run_scoped3A = tpu.sem_alloc : memref<!tpu.dma_semaphore, #tpu.memory_space<semaphore_mem>>
        %dma_start3A_120 = arith.constant 9984 : i32
        %dma_start3A_121 = arith.constant 0 : i32
        %dma_start3A_122 = tpu.memref_slice %arg9[%dma_start3A_120, %dma_start3A_121] : memref<10016x128xf32, #tpu.memory_space<vmem_shared>> -> memref<16x128xf32, #tpu.memory_space<vmem_shared>>
        %dma_start3A_123 = arith.constant 9984 : i32
        %dma_start3A_124 = arith.constant 0 : i32
        %dma_start3A_125 = tpu.memref_slice %arg2[%dma_start3A_123, %dma_start3A_124] : memref<10000x128xf32, #tpu.memory_space<hbm>> -> memref<16x128xf32, #tpu.memory_space<hbm>>
        tpu.enqueue_dma source(%dma_start3A_125 : memref<16x128xf32, #tpu.memory_space<hbm>>) target(%dma_start3A_122 : memref<16x128xf32, #tpu.memory_space<vmem_shared>>) target_semaphore(%run_scoped3A : memref<!tpu.dma_semaphore, #tpu.memory_space<semaphore_mem>>)
        %dma_wait3A_126 = arith.constant 9984 : i32
        %dma_wait3A_127 = arith.constant 0 : i32
        %dma_wait3A_128 = tpu.memref_slice %arg9[%dma_wait3A_126, %dma_wait3A_127] : memref<10016x128xf32, #tpu.memory_space<vmem_shared>> -> memref<16x128xf32, #tpu.memory_space<vmem_shared>>
        %dma_wait3A_129 = arith.constant 9984 : i32
        %dma_wait3A_130 = arith.constant 0 : i32
        %dma_wait3A_131 = tpu.memref_slice %arg2[%dma_wait3A_129, %dma_wait3A_130] : memref<10000x128xf32, #tpu.memory_space<hbm>> -> memref<16x128xf32, #tpu.memory_space<hbm>>
        tpu.wait_dma2 semaphore(%run_scoped3A : memref<!tpu.dma_semaphore, #tpu.memory_space<semaphore_mem>>) src(%dma_wait3A_131 : memref<16x128xf32, #tpu.memory_space<hbm>>) dst(%dma_wait3A_128 : memref<16x128xf32, #tpu.memory_space<vmem_shared>>)
        tpu.yield
      }) : () -> ()
    } else {
    }
    %barrier3A = arith.constant 0 : index
    tpu.barrier barrier_id(%barrier3A)
    "tpu.region"() ({
      %run_scoped3A = tpu.sem_alloc : memref<!tpu.dma_semaphore, #tpu.memory_space<semaphore_mem>>
      %dma_start3A_120 = arith.constant 0 : i32
      %dma_start3A_121 = arith.constant 0 : i32
      %dma_start3A_122 = tpu.memref_slice %arg3[%add3A, %dma_start3A_120, %dma_start3A_121] : memref<32x80x128xi32, #tpu.memory_space<hbm>> -> memref<1x40x128xi32, #tpu.memory_space<hbm>>
      %dma_start3A_123 = tpu.memref_squeeze %dma_start3A_122 : memref<1x40x128xi32, #tpu.memory_space<hbm>> -> memref<40x128xi32, #tpu.memory_space<hbm>>
      %dma_start3A_124 = arith.constant 0 : i32
      %dma_start3A_125 = arith.constant 0 : i32
      %dma_start3A_126 = tpu.memref_slice %arg3[%add3A, %dma_start3A_124, %dma_start3A_125] : memref<32x80x128xi32, #tpu.memory_space<hbm>> -> memref<1x40x128xi32, #tpu.memory_space<hbm>>
      %dma_start3A_127 = tpu.memref_squeeze %dma_start3A_126 : memref<1x40x128xi32, #tpu.memory_space<hbm>> -> memref<40x128xi32, #tpu.memory_space<hbm>>
      tpu.enqueue_dma source(%dma_start3A_127 : memref<40x128xi32, #tpu.memory_space<hbm>>) target(%arg6 : memref<40x128xi32, #tpu.memory_space<vmem>>) target_semaphore(%run_scoped3A : memref<!tpu.dma_semaphore, #tpu.memory_space<semaphore_mem>>)
      %dma_wait3A_128 = arith.constant 0 : i32
      %dma_wait3A_129 = arith.constant 0 : i32
      %dma_wait3A_130 = tpu.memref_slice %arg3[%add3A, %dma_wait3A_128, %dma_wait3A_129] : memref<32x80x128xi32, #tpu.memory_space<hbm>> -> memref<1x40x128xi32, #tpu.memory_space<hbm>>
      %dma_wait3A_131 = tpu.memref_squeeze %dma_wait3A_130 : memref<1x40x128xi32, #tpu.memory_space<hbm>> -> memref<40x128xi32, #tpu.memory_space<hbm>>
      %dma_wait3A_132 = arith.constant 0 : i32
      %dma_wait3A_133 = arith.constant 0 : i32
      %dma_wait3A_134 = tpu.memref_slice %arg3[%add3A, %dma_wait3A_132, %dma_wait3A_133] : memref<32x80x128xi32, #tpu.memory_space<hbm>> -> memref<1x40x128xi32, #tpu.memory_space<hbm>>
      %dma_wait3A_135 = tpu.memref_squeeze %dma_wait3A_134 : memref<1x40x128xi32, #tpu.memory_space<hbm>> -> memref<40x128xi32, #tpu.memory_space<hbm>>
      tpu.wait_dma2 semaphore(%run_scoped3A : memref<!tpu.dma_semaphore, #tpu.memory_space<semaphore_mem>>) src(%dma_wait3A_135 : memref<40x128xi32, #tpu.memory_space<hbm>>) dst(%arg6 : memref<40x128xi32, #tpu.memory_space<vmem>>)
      tpu.yield
    }) : () -> ()
    "tpu.region"() ({
      %run_scoped3A = tpu.sem_alloc : memref<!tpu.dma_semaphore, #tpu.memory_space<semaphore_mem>>
      %dma_start3A_120 = arith.constant 0 : i32
      %dma_start3A_121 = arith.constant 0 : i32
      %dma_start3A_122 = tpu.memref_slice %arg4[%add3A, %dma_start3A_120, %dma_start3A_121] : memref<32x80x128xi32, #tpu.memory_space<hbm>> -> memref<1x40x128xi32, #tpu.memory_space<hbm>>
      %dma_start3A_123 = tpu.memref_squeeze %dma_start3A_122 : memref<1x40x128xi32, #tpu.memory_space<hbm>> -> memref<40x128xi32, #tpu.memory_space<hbm>>
      %dma_start3A_124 = arith.constant 0 : i32
      %dma_start3A_125 = arith.constant 0 : i32
      %dma_start3A_126 = tpu.memref_slice %arg4[%add3A, %dma_start3A_124, %dma_start3A_125] : memref<32x80x128xi32, #tpu.memory_space<hbm>> -> memref<1x40x128xi32, #tpu.memory_space<hbm>>
      %dma_start3A_127 = tpu.memref_squeeze %dma_start3A_126 : memref<1x40x128xi32, #tpu.memory_space<hbm>> -> memref<40x128xi32, #tpu.memory_space<hbm>>
      tpu.enqueue_dma source(%dma_start3A_127 : memref<40x128xi32, #tpu.memory_space<hbm>>) target(%arg7 : memref<40x128xi32, #tpu.memory_space<vmem>>) target_semaphore(%run_scoped3A : memref<!tpu.dma_semaphore, #tpu.memory_space<semaphore_mem>>)
      %dma_wait3A_128 = arith.constant 0 : i32
      %dma_wait3A_129 = arith.constant 0 : i32
      %dma_wait3A_130 = tpu.memref_slice %arg4[%add3A, %dma_wait3A_128, %dma_wait3A_129] : memref<32x80x128xi32, #tpu.memory_space<hbm>> -> memref<1x40x128xi32, #tpu.memory_space<hbm>>
      %dma_wait3A_131 = tpu.memref_squeeze %dma_wait3A_130 : memref<1x40x128xi32, #tpu.memory_space<hbm>> -> memref<40x128xi32, #tpu.memory_space<hbm>>
      %dma_wait3A_132 = arith.constant 0 : i32
      %dma_wait3A_133 = arith.constant 0 : i32
      %dma_wait3A_134 = tpu.memref_slice %arg4[%add3A, %dma_wait3A_132, %dma_wait3A_133] : memref<32x80x128xi32, #tpu.memory_space<hbm>> -> memref<1x40x128xi32, #tpu.memory_space<hbm>>
      %dma_wait3A_135 = tpu.memref_squeeze %dma_wait3A_134 : memref<1x40x128xi32, #tpu.memory_space<hbm>> -> memref<40x128xi32, #tpu.memory_space<hbm>>
      tpu.wait_dma2 semaphore(%run_scoped3A : memref<!tpu.dma_semaphore, #tpu.memory_space<semaphore_mem>>) src(%dma_wait3A_135 : memref<40x128xi32, #tpu.memory_space<hbm>>) dst(%arg7 : memref<40x128xi32, #tpu.memory_space<vmem>>)
      tpu.yield
    }) : () -> ()
    %dma_start3A = arith.constant 0 : i32
    %dma_start3A_7 = arith.constant 0 : i32
    %dma_start3A_8 = arith.constant 0 : i32
    %dma_start3A_9 = arith.constant 0 : i32
    %dma_start3A_10 = tpu.memref_slice %arg8[%dma_start3A_7, %dma_start3A_8, %dma_start3A_9] : memref<2x128x128xf32, #tpu.memory_space<vmem>> -> memref<1x128x128xf32, #tpu.memory_space<vmem>>
    %dma_start3A_11 = tpu.memref_squeeze %dma_start3A_10 : memref<1x128x128xf32, #tpu.memory_space<vmem>> -> memref<128x128xf32, #tpu.memory_space<vmem>>
    %dma_start3A_12 = arith.constant 0 : i32
    %dma_start3A_13 = tpu.memref_slice %arg6[%dma_start3A, %dma_start3A_12] : memref<40x128xi32, #tpu.memory_space<vmem>> -> memref<1x128xi32, #tpu.memory_space<vmem>>
    %dma_start3A_14 = tpu.memref_squeeze %dma_start3A_13 : memref<1x128xi32, #tpu.memory_space<vmem>> -> memref<128xi32, #tpu.memory_space<vmem>>
    %dma_start3A_15 = arith.constant 0 : i32
    %dma_start3A_16 = arith.constant 0 : i32
    %dma_start3A_17 = tpu.memref_slice %arg2[%dma_start3A_15, %dma_start3A_16] : memref<10000x128xf32, #tpu.memory_space<hbm>> -> memref<10000x128xf32, #tpu.memory_space<hbm>>
    tpu.enqueue_indirect_dma source(%dma_start3A_17 : memref<10000x128xf32, #tpu.memory_space<hbm>>) target(%dma_start3A_11 : memref<128x128xf32, #tpu.memory_space<vmem>>) offsets(%dma_start3A_14 : memref<128xi32, #tpu.memory_space<vmem>>) semaphore(%arg10 : memref<!tpu.dma_semaphore, #tpu.memory_space<semaphore_mem>>)
    %dma_start3A_18 = arith.constant 1 : i32
    %dma_start3A_19 = arith.constant 1 : i32
    %dma_start3A_20 = arith.constant 0 : i32
    %dma_start3A_21 = arith.constant 0 : i32
    %dma_start3A_22 = tpu.memref_slice %arg8[%dma_start3A_19, %dma_start3A_20, %dma_start3A_21] : memref<2x128x128xf32, #tpu.memory_space<vmem>> -> memref<1x128x128xf32, #tpu.memory_space<vmem>>
    %dma_start3A_23 = tpu.memref_squeeze %dma_start3A_22 : memref<1x128x128xf32, #tpu.memory_space<vmem>> -> memref<128x128xf32, #tpu.memory_space<vmem>>
    %dma_start3A_24 = arith.constant 0 : i32
    %dma_start3A_25 = tpu.memref_slice %arg6[%dma_start3A_18, %dma_start3A_24] : memref<40x128xi32, #tpu.memory_space<vmem>> -> memref<1x128xi32, #tpu.memory_space<vmem>>
    %dma_start3A_26 = tpu.memref_squeeze %dma_start3A_25 : memref<1x128xi32, #tpu.memory_space<vmem>> -> memref<128xi32, #tpu.memory_space<vmem>>
    %dma_start3A_27 = arith.constant 0 : i32
    %dma_start3A_28 = arith.constant 0 : i32
    %dma_start3A_29 = tpu.memref_slice %arg2[%dma_start3A_27, %dma_start3A_28] : memref<10000x128xf32, #tpu.memory_space<hbm>> -> memref<10000x128xf32, #tpu.memory_space<hbm>>
    tpu.enqueue_indirect_dma source(%dma_start3A_29 : memref<10000x128xf32, #tpu.memory_space<hbm>>) target(%dma_start3A_23 : memref<128x128xf32, #tpu.memory_space<vmem>>) offsets(%dma_start3A_26 : memref<128xi32, #tpu.memory_space<vmem>>) semaphore(%arg11 : memref<!tpu.dma_semaphore, #tpu.memory_space<semaphore_mem>>)
    %scan3A = arith.constant 0 : i32
    %scan3A_30 = arith.constant 20 : i32
    %scan3A_31 = arith.addi %scan3A, %scan3A_30 : i32
    %scan3A_32 = arith.constant 1 : i32
    scf.for %scan3A_120 = %scan3A to %scan3A_31 step %scan3A_32  : i32 {
      %mul3A_121 = arith.constant 2 : i32
      %mul3A_122 = arith.muli %scan3A_120, %mul3A_121 : i32
      %add3A_123 = arith.constant 0 : i32
      %add3A_124 = arith.addi %add3A_123, %mul3A_122 : i32
      %add3A_125 = arith.constant 0 : i32
      %add3A_126 = arith.addi %add3A_124, %add3A_125 : i32
      %dma_wait3A_127 = arith.constant 0 : i32
      %dma_wait3A_128 = arith.constant 0 : i32
      %dma_wait3A_129 = arith.constant 0 : i32
      %dma_wait3A_130 = tpu.memref_slice %arg8[%dma_wait3A_127, %dma_wait3A_128, %dma_wait3A_129] : memref<2x128x128xf32, #tpu.memory_space<vmem>> -> memref<1x128x128xf32, #tpu.memory_space<vmem>>
      %dma_wait3A_131 = tpu.memref_squeeze %dma_wait3A_130 : memref<1x128x128xf32, #tpu.memory_space<vmem>> -> memref<128x128xf32, #tpu.memory_space<vmem>>
      %dma_wait3A_132 = arith.constant 0 : i32
      %dma_wait3A_133 = tpu.memref_slice %arg6[%add3A_126, %dma_wait3A_132] : memref<40x128xi32, #tpu.memory_space<vmem>> -> memref<1x128xi32, #tpu.memory_space<vmem>>
      %dma_wait3A_134 = tpu.memref_squeeze %dma_wait3A_133 : memref<1x128xi32, #tpu.memory_space<vmem>> -> memref<128xi32, #tpu.memory_space<vmem>>
      %dma_wait3A_135 = arith.constant 0 : i32
      %dma_wait3A_136 = arith.constant 0 : i32
      %dma_wait3A_137 = tpu.memref_slice %arg2[%dma_wait3A_135, %dma_wait3A_136] : memref<10000x128xf32, #tpu.memory_space<hbm>> -> memref<10000x128xf32, #tpu.memory_space<hbm>>
      tpu.wait_indirect_dma semaphore(%arg10 : memref<!tpu.dma_semaphore, #tpu.memory_space<semaphore_mem>>) src(%dma_wait3A_137 : memref<10000x128xf32, #tpu.memory_space<hbm>>) dst(%dma_wait3A_131 : memref<128x128xf32, #tpu.memory_space<vmem>>)
      %add3A_138 = arith.constant 0 : i32
      %add3A_139 = arith.addi %add3A_124, %add3A_138 : i32
      %dma_start3A_140 = arith.constant 0 : i32
      %dma_start3A_141 = arith.constant 0 : i32
      %dma_start3A_142 = arith.constant 0 : i32
      %dma_start3A_143 = tpu.memref_slice %arg8[%dma_start3A_140, %dma_start3A_141, %dma_start3A_142] : memref<2x128x128xf32, #tpu.memory_space<vmem>> -> memref<1x128x128xf32, #tpu.memory_space<vmem>>
      %dma_start3A_144 = tpu.memref_squeeze %dma_start3A_143 : memref<1x128x128xf32, #tpu.memory_space<vmem>> -> memref<128x128xf32, #tpu.memory_space<vmem>>
      %dma_start3A_145 = arith.constant 0 : i32
      %dma_start3A_146 = tpu.memref_slice %arg7[%add3A_139, %dma_start3A_145] : memref<40x128xi32, #tpu.memory_space<vmem>> -> memref<1x128xi32, #tpu.memory_space<vmem>>
      %dma_start3A_147 = tpu.memref_squeeze %dma_start3A_146 : memref<1x128xi32, #tpu.memory_space<vmem>> -> memref<128xi32, #tpu.memory_space<vmem>>
      %dma_start3A_148 = arith.constant 0 : i32
      %dma_start3A_149 = arith.constant 0 : i32
      %dma_start3A_150 = tpu.memref_slice %arg9[%dma_start3A_148, %dma_start3A_149] : memref<10016x128xf32, #tpu.memory_space<vmem_shared>> -> memref<10016x128xf32, #tpu.memory_space<vmem_shared>>
      tpu.enqueue_indirect_dma source(%dma_start3A_144 : memref<128x128xf32, #tpu.memory_space<vmem>>) target(%dma_start3A_150 : memref<10016x128xf32, #tpu.memory_space<vmem_shared>>) offsets(%dma_start3A_147 : memref<128xi32, #tpu.memory_space<vmem>>) semaphore(%arg12 : memref<!tpu.dma_semaphore, #tpu.memory_space<semaphore_mem>>) {add = true}
      %add3A_151 = arith.constant 0 : i32
      %add3A_152 = arith.addi %add3A_124, %add3A_151 : i32
      %add3A_153 = arith.constant 2 : i32
      %add3A_154 = arith.addi %add3A_152, %add3A_153 : i32
      %lt3A = arith.constant 40 : i32
      %lt3A_155 = arith.cmpi slt, %add3A_154, %lt3A : i32
      %convert_element_type3A_156 = arith.extui %lt3A_155 : i1 to i32
      %cond3A_157 = arith.constant 0 : i32
      %cond3A_158 = arith.cmpi ne, %convert_element_type3A_156, %cond3A_157 : i32
      scf.if %cond3A_158 {
        %dma_wait3A_194 = arith.constant 0 : i32
        %dma_wait3A_195 = arith.constant 0 : i32
        %dma_wait3A_196 = arith.constant 0 : i32
        %dma_wait3A_197 = arith.constant 0 : i32
        %dma_wait3A_198 = tpu.memref_slice %arg8[%dma_wait3A_194, %dma_wait3A_196, %dma_wait3A_197] : memref<2x128x128xf32, #tpu.memory_space<vmem>> -> memref<1x128x128xf32, #tpu.memory_space<vmem>>
        %dma_wait3A_199 = tpu.memref_squeeze %dma_wait3A_198 : memref<1x128x128xf32, #tpu.memory_space<vmem>> -> memref<128x128xf32, #tpu.memory_space<vmem>>
        %dma_wait3A_200 = arith.constant 0 : i32
        %dma_wait3A_201 = tpu.memref_slice %arg7[%dma_wait3A_195, %dma_wait3A_200] : memref<40x128xi32, #tpu.memory_space<vmem>> -> memref<1x128xi32, #tpu.memory_space<vmem>>
        %dma_wait3A_202 = tpu.memref_squeeze %dma_wait3A_201 : memref<1x128xi32, #tpu.memory_space<vmem>> -> memref<128xi32, #tpu.memory_space<vmem>>
        %dma_wait3A_203 = arith.constant 0 : i32
        %dma_wait3A_204 = arith.constant 0 : i32
        %dma_wait3A_205 = tpu.memref_slice %arg9[%dma_wait3A_203, %dma_wait3A_204] : memref<10016x128xf32, #tpu.memory_space<vmem_shared>> -> memref<10016x128xf32, #tpu.memory_space<vmem_shared>>
        tpu.wait_indirect_dma semaphore(%arg12 : memref<!tpu.dma_semaphore, #tpu.memory_space<semaphore_mem>>) src(%dma_wait3A_199 : memref<128x128xf32, #tpu.memory_space<vmem>>) dst(%dma_wait3A_205 : memref<10016x128xf32, #tpu.memory_space<vmem_shared>>)
        %add3A_206 = arith.constant 0 : i32
        %add3A_207 = arith.addi %add3A_124, %add3A_206 : i32
        %add3A_208 = arith.constant 2 : i32
        %add3A_209 = arith.addi %add3A_207, %add3A_208 : i32
        %dma_start3A_210 = arith.constant 0 : i32
        %dma_start3A_211 = arith.constant 0 : i32
        %dma_start3A_212 = arith.constant 0 : i32
        %dma_start3A_213 = tpu.memref_slice %arg8[%dma_start3A_210, %dma_start3A_211, %dma_start3A_212] : memref<2x128x128xf32, #tpu.memory_space<vmem>> -> memref<1x128x128xf32, #tpu.memory_space<vmem>>
        %dma_start3A_214 = tpu.memref_squeeze %dma_start3A_213 : memref<1x128x128xf32, #tpu.memory_space<vmem>> -> memref<128x128xf32, #tpu.memory_space<vmem>>
        %dma_start3A_215 = arith.constant 0 : i32
        %dma_start3A_216 = tpu.memref_slice %arg6[%add3A_209, %dma_start3A_215] : memref<40x128xi32, #tpu.memory_space<vmem>> -> memref<1x128xi32, #tpu.memory_space<vmem>>
        %dma_start3A_217 = tpu.memref_squeeze %dma_start3A_216 : memref<1x128xi32, #tpu.memory_space<vmem>> -> memref<128xi32, #tpu.memory_space<vmem>>
        %dma_start3A_218 = arith.constant 0 : i32
        %dma_start3A_219 = arith.constant 0 : i32
        %dma_start3A_220 = tpu.memref_slice %arg2[%dma_start3A_218, %dma_start3A_219] : memref<10000x128xf32, #tpu.memory_space<hbm>> -> memref<10000x128xf32, #tpu.memory_space<hbm>>
        tpu.enqueue_indirect_dma source(%dma_start3A_220 : memref<10000x128xf32, #tpu.memory_space<hbm>>) target(%dma_start3A_214 : memref<128x128xf32, #tpu.memory_space<vmem>>) offsets(%dma_start3A_217 : memref<128xi32, #tpu.memory_space<vmem>>) semaphore(%arg10 : memref<!tpu.dma_semaphore, #tpu.memory_space<semaphore_mem>>)
      } else {
      }
      %add3A_159 = arith.constant 1 : i32
      %add3A_160 = arith.addi %add3A_124, %add3A_159 : i32
      %dma_wait3A_161 = arith.constant 1 : i32
      %dma_wait3A_162 = arith.constant 0 : i32
      %dma_wait3A_163 = arith.constant 0 : i32
      %dma_wait3A_164 = tpu.memref_slice %arg8[%dma_wait3A_161, %dma_wait3A_162, %dma_wait3A_163] : memref<2x128x128xf32, #tpu.memory_space<vmem>> -> memref<1x128x128xf32, #tpu.memory_space<vmem>>
      %dma_wait3A_165 = tpu.memref_squeeze %dma_wait3A_164 : memref<1x128x128xf32, #tpu.memory_space<vmem>> -> memref<128x128xf32, #tpu.memory_space<vmem>>
      %dma_wait3A_166 = arith.constant 0 : i32
      %dma_wait3A_167 = tpu.memref_slice %arg6[%add3A_160, %dma_wait3A_166] : memref<40x128xi32, #tpu.memory_space<vmem>> -> memref<1x128xi32, #tpu.memory_space<vmem>>
      %dma_wait3A_168 = tpu.memref_squeeze %dma_wait3A_167 : memref<1x128xi32, #tpu.memory_space<vmem>> -> memref<128xi32, #tpu.memory_space<vmem>>
      %dma_wait3A_169 = arith.constant 0 : i32
      %dma_wait3A_170 = arith.constant 0 : i32
      %dma_wait3A_171 = tpu.memref_slice %arg2[%dma_wait3A_169, %dma_wait3A_170] : memref<10000x128xf32, #tpu.memory_space<hbm>> -> memref<10000x128xf32, #tpu.memory_space<hbm>>
      tpu.wait_indirect_dma semaphore(%arg11 : memref<!tpu.dma_semaphore, #tpu.memory_space<semaphore_mem>>) src(%dma_wait3A_171 : memref<10000x128xf32, #tpu.memory_space<hbm>>) dst(%dma_wait3A_165 : memref<128x128xf32, #tpu.memory_space<vmem>>)
      %add3A_172 = arith.constant 1 : i32
      %add3A_173 = arith.addi %add3A_124, %add3A_172 : i32
      %dma_start3A_174 = arith.constant 1 : i32
      %dma_start3A_175 = arith.constant 0 : i32
      %dma_start3A_176 = arith.constant 0 : i32
      %dma_start3A_177 = tpu.memref_slice %arg8[%dma_start3A_174, %dma_start3A_175, %dma_start3A_176] : memref<2x128x128xf32, #tpu.memory_space<vmem>> -> memref<1x128x128xf32, #tpu.memory_space<vmem>>
      %dma_start3A_178 = tpu.memref_squeeze %dma_start3A_177 : memref<1x128x128xf32, #tpu.memory_space<vmem>> -> memref<128x128xf32, #tpu.memory_space<vmem>>
      %dma_start3A_179 = arith.constant 0 : i32
      %dma_start3A_180 = tpu.memref_slice %arg7[%add3A_173, %dma_start3A_179] : memref<40x128xi32, #tpu.memory_space<vmem>> -> memref<1x128xi32, #tpu.memory_space<vmem>>
      %dma_start3A_181 = tpu.memref_squeeze %dma_start3A_180 : memref<1x128xi32, #tpu.memory_space<vmem>> -> memref<128xi32, #tpu.memory_space<vmem>>
      %dma_start3A_182 = arith.constant 0 : i32
      %dma_start3A_183 = arith.constant 0 : i32
      %dma_start3A_184 = tpu.memref_slice %arg9[%dma_start3A_182, %dma_start3A_183] : memref<10016x128xf32, #tpu.memory_space<vmem_shared>> -> memref<10016x128xf32, #tpu.memory_space<vmem_shared>>
      tpu.enqueue_indirect_dma source(%dma_start3A_178 : memref<128x128xf32, #tpu.memory_space<vmem>>) target(%dma_start3A_184 : memref<10016x128xf32, #tpu.memory_space<vmem_shared>>) offsets(%dma_start3A_181 : memref<128xi32, #tpu.memory_space<vmem>>) semaphore(%arg13 : memref<!tpu.dma_semaphore, #tpu.memory_space<semaphore_mem>>) {add = true}
      %add3A_185 = arith.constant 1 : i32
      %add3A_186 = arith.addi %add3A_124, %add3A_185 : i32
      %add3A_187 = arith.constant 2 : i32
      %add3A_188 = arith.addi %add3A_186, %add3A_187 : i32
      %lt3A_189 = arith.constant 40 : i32
      %lt3A_190 = arith.cmpi slt, %add3A_188, %lt3A_189 : i32
      %convert_element_type3A_191 = arith.extui %lt3A_190 : i1 to i32
      %cond3A_192 = arith.constant 0 : i32
      %cond3A_193 = arith.cmpi ne, %convert_element_type3A_191, %cond3A_192 : i32
      scf.if %cond3A_193 {
        %dma_wait3A_194 = arith.constant 1 : i32
        %dma_wait3A_195 = arith.constant 0 : i32
        %dma_wait3A_196 = arith.constant 0 : i32
        %dma_wait3A_197 = arith.constant 0 : i32
        %dma_wait3A_198 = tpu.memref_slice %arg8[%dma_wait3A_194, %dma_wait3A_196, %dma_wait3A_197] : memref<2x128x128xf32, #tpu.memory_space<vmem>> -> memref<1x128x128xf32, #tpu.memory_space<vmem>>
        %dma_wait3A_199 = tpu.memref_squeeze %dma_wait3A_198 : memref<1x128x128xf32, #tpu.memory_space<vmem>> -> memref<128x128xf32, #tpu.memory_space<vmem>>
        %dma_wait3A_200 = arith.constant 0 : i32
        %dma_wait3A_201 = tpu.memref_slice %arg7[%dma_wait3A_195, %dma_wait3A_200] : memref<40x128xi32, #tpu.memory_space<vmem>> -> memref<1x128xi32, #tpu.memory_space<vmem>>
        %dma_wait3A_202 = tpu.memref_squeeze %dma_wait3A_201 : memref<1x128xi32, #tpu.memory_space<vmem>> -> memref<128xi32, #tpu.memory_space<vmem>>
        %dma_wait3A_203 = arith.constant 0 : i32
        %dma_wait3A_204 = arith.constant 0 : i32
        %dma_wait3A_205 = tpu.memref_slice %arg9[%dma_wait3A_203, %dma_wait3A_204] : memref<10016x128xf32, #tpu.memory_space<vmem_shared>> -> memref<10016x128xf32, #tpu.memory_space<vmem_shared>>
        tpu.wait_indirect_dma semaphore(%arg13 : memref<!tpu.dma_semaphore, #tpu.memory_space<semaphore_mem>>) src(%dma_wait3A_199 : memref<128x128xf32, #tpu.memory_space<vmem>>) dst(%dma_wait3A_205 : memref<10016x128xf32, #tpu.memory_space<vmem_shared>>)
        %add3A_206 = arith.constant 1 : i32
        %add3A_207 = arith.addi %add3A_124, %add3A_206 : i32
        %add3A_208 = arith.constant 2 : i32
        %add3A_209 = arith.addi %add3A_207, %add3A_208 : i32
        %dma_start3A_210 = arith.constant 1 : i32
        %dma_start3A_211 = arith.constant 0 : i32
        %dma_start3A_212 = arith.constant 0 : i32
        %dma_start3A_213 = tpu.memref_slice %arg8[%dma_start3A_210, %dma_start3A_211, %dma_start3A_212] : memref<2x128x128xf32, #tpu.memory_space<vmem>> -> memref<1x128x128xf32, #tpu.memory_space<vmem>>
        %dma_start3A_214 = tpu.memref_squeeze %dma_start3A_213 : memref<1x128x128xf32, #tpu.memory_space<vmem>> -> memref<128x128xf32, #tpu.memory_space<vmem>>
        %dma_start3A_215 = arith.constant 0 : i32
        %dma_start3A_216 = tpu.memref_slice %arg6[%add3A_209, %dma_start3A_215] : memref<40x128xi32, #tpu.memory_space<vmem>> -> memref<1x128xi32, #tpu.memory_space<vmem>>
        %dma_start3A_217 = tpu.memref_squeeze %dma_start3A_216 : memref<1x128xi32, #tpu.memory_space<vmem>> -> memref<128xi32, #tpu.memory_space<vmem>>
        %dma_start3A_218 = arith.constant 0 : i32
        %dma_start3A_219 = arith.constant 0 : i32
        %dma_start3A_220 = tpu.memref_slice %arg2[%dma_start3A_218, %dma_start3A_219] : memref<10000x128xf32, #tpu.memory_space<hbm>> -> memref<10000x128xf32, #tpu.memory_space<hbm>>
        tpu.enqueue_indirect_dma source(%dma_start3A_220 : memref<10000x128xf32, #tpu.memory_space<hbm>>) target(%dma_start3A_214 : memref<128x128xf32, #tpu.memory_space<vmem>>) offsets(%dma_start3A_217 : memref<128xi32, #tpu.memory_space<vmem>>) semaphore(%arg11 : memref<!tpu.dma_semaphore, #tpu.memory_space<semaphore_mem>>)
      } else {
      }
    }
    %scan3A_33 = arith.constant 20 : i32
    %dma_wait3A = arith.constant 0 : i32
    %dma_wait3A_34 = arith.constant 0 : i32
    %dma_wait3A_35 = arith.constant 0 : i32
    %dma_wait3A_36 = arith.constant 0 : i32
    %dma_wait3A_37 = tpu.memref_slice %arg8[%dma_wait3A, %dma_wait3A_35, %dma_wait3A_36] : memref<2x128x128xf32, #tpu.memory_space<vmem>> -> memref<1x128x128xf32, #tpu.memory_space<vmem>>
    %dma_wait3A_38 = tpu.memref_squeeze %dma_wait3A_37 : memref<1x128x128xf32, #tpu.memory_space<vmem>> -> memref<128x128xf32, #tpu.memory_space<vmem>>
    %dma_wait3A_39 = arith.constant 0 : i32
    %dma_wait3A_40 = tpu.memref_slice %arg7[%dma_wait3A_34, %dma_wait3A_39] : memref<40x128xi32, #tpu.memory_space<vmem>> -> memref<1x128xi32, #tpu.memory_space<vmem>>
    %dma_wait3A_41 = tpu.memref_squeeze %dma_wait3A_40 : memref<1x128xi32, #tpu.memory_space<vmem>> -> memref<128xi32, #tpu.memory_space<vmem>>
    %dma_wait3A_42 = arith.constant 0 : i32
    %dma_wait3A_43 = arith.constant 0 : i32
    %dma_wait3A_44 = tpu.memref_slice %arg9[%dma_wait3A_42, %dma_wait3A_43] : memref<10016x128xf32, #tpu.memory_space<vmem_shared>> -> memref<10016x128xf32, #tpu.memory_space<vmem_shared>>
    tpu.wait_indirect_dma semaphore(%arg12 : memref<!tpu.dma_semaphore, #tpu.memory_space<semaphore_mem>>) src(%dma_wait3A_38 : memref<128x128xf32, #tpu.memory_space<vmem>>) dst(%dma_wait3A_44 : memref<10016x128xf32, #tpu.memory_space<vmem_shared>>)
    %dma_wait3A_45 = arith.constant 1 : i32
    %dma_wait3A_46 = arith.constant 0 : i32
    %dma_wait3A_47 = arith.constant 0 : i32
    %dma_wait3A_48 = arith.constant 0 : i32
    %dma_wait3A_49 = tpu.memref_slice %arg8[%dma_wait3A_45, %dma_wait3A_47, %dma_wait3A_48] : memref<2x128x128xf32, #tpu.memory_space<vmem>> -> memref<1x128x128xf32, #tpu.memory_space<vmem>>
    %dma_wait3A_50 = tpu.memref_squeeze %dma_wait3A_49 : memref<1x128x128xf32, #tpu.memory_space<vmem>> -> memref<128x128xf32, #tpu.memory_space<vmem>>
    %dma_wait3A_51 = arith.constant 0 : i32
    %dma_wait3A_52 = tpu.memref_slice %arg7[%dma_wait3A_46, %dma_wait3A_51] : memref<40x128xi32, #tpu.memory_space<vmem>> -> memref<1x128xi32, #tpu.memory_space<vmem>>
    %dma_wait3A_53 = tpu.memref_squeeze %dma_wait3A_52 : memref<1x128xi32, #tpu.memory_space<vmem>> -> memref<128xi32, #tpu.memory_space<vmem>>
    %dma_wait3A_54 = arith.constant 0 : i32
    %dma_wait3A_55 = arith.constant 0 : i32
    %dma_wait3A_56 = tpu.memref_slice %arg9[%dma_wait3A_54, %dma_wait3A_55] : memref<10016x128xf32, #tpu.memory_space<vmem_shared>> -> memref<10016x128xf32, #tpu.memory_space<vmem_shared>>
    tpu.wait_indirect_dma semaphore(%arg13 : memref<!tpu.dma_semaphore, #tpu.memory_space<semaphore_mem>>) src(%dma_wait3A_50 : memref<128x128xf32, #tpu.memory_space<vmem>>) dst(%dma_wait3A_56 : memref<10016x128xf32, #tpu.memory_space<vmem_shared>>)
    "tpu.region"() ({
      %run_scoped3A = tpu.sem_alloc : memref<!tpu.dma_semaphore, #tpu.memory_space<semaphore_mem>>
      %dma_start3A_120 = arith.constant 40 : i32
      %dma_start3A_121 = arith.constant 0 : i32
      %dma_start3A_122 = tpu.memref_slice %arg3[%add3A, %dma_start3A_120, %dma_start3A_121] : memref<32x80x128xi32, #tpu.memory_space<hbm>> -> memref<1x40x128xi32, #tpu.memory_space<hbm>>
      %dma_start3A_123 = tpu.memref_squeeze %dma_start3A_122 : memref<1x40x128xi32, #tpu.memory_space<hbm>> -> memref<40x128xi32, #tpu.memory_space<hbm>>
      %dma_start3A_124 = arith.constant 40 : i32
      %dma_start3A_125 = arith.constant 0 : i32
      %dma_start3A_126 = tpu.memref_slice %arg3[%add3A, %dma_start3A_124, %dma_start3A_125] : memref<32x80x128xi32, #tpu.memory_space<hbm>> -> memref<1x40x128xi32, #tpu.memory_space<hbm>>
      %dma_start3A_127 = tpu.memref_squeeze %dma_start3A_126 : memref<1x40x128xi32, #tpu.memory_space<hbm>> -> memref<40x128xi32, #tpu.memory_space<hbm>>
      tpu.enqueue_dma source(%dma_start3A_127 : memref<40x128xi32, #tpu.memory_space<hbm>>) target(%arg6 : memref<40x128xi32, #tpu.memory_space<vmem>>) target_semaphore(%run_scoped3A : memref<!tpu.dma_semaphore, #tpu.memory_space<semaphore_mem>>)
      %dma_wait3A_128 = arith.constant 40 : i32
      %dma_wait3A_129 = arith.constant 0 : i32
      %dma_wait3A_130 = tpu.memref_slice %arg3[%add3A, %dma_wait3A_128, %dma_wait3A_129] : memref<32x80x128xi32, #tpu.memory_space<hbm>> -> memref<1x40x128xi32, #tpu.memory_space<hbm>>
      %dma_wait3A_131 = tpu.memref_squeeze %dma_wait3A_130 : memref<1x40x128xi32, #tpu.memory_space<hbm>> -> memref<40x128xi32, #tpu.memory_space<hbm>>
      %dma_wait3A_132 = arith.constant 40 : i32
      %dma_wait3A_133 = arith.constant 0 : i32
      %dma_wait3A_134 = tpu.memref_slice %arg3[%add3A, %dma_wait3A_132, %dma_wait3A_133] : memref<32x80x128xi32, #tpu.memory_space<hbm>> -> memref<1x40x128xi32, #tpu.memory_space<hbm>>
      %dma_wait3A_135 = tpu.memref_squeeze %dma_wait3A_134 : memref<1x40x128xi32, #tpu.memory_space<hbm>> -> memref<40x128xi32, #tpu.memory_space<hbm>>
      tpu.wait_dma2 semaphore(%run_scoped3A : memref<!tpu.dma_semaphore, #tpu.memory_space<semaphore_mem>>) src(%dma_wait3A_135 : memref<40x128xi32, #tpu.memory_space<hbm>>) dst(%arg6 : memref<40x128xi32, #tpu.memory_space<vmem>>)
      tpu.yield
    }) : () -> ()
    "tpu.region"() ({
      %run_scoped3A = tpu.sem_alloc : memref<!tpu.dma_semaphore, #tpu.memory_space<semaphore_mem>>
      %dma_start3A_120 = arith.constant 40 : i32
      %dma_start3A_121 = arith.constant 0 : i32
      %dma_start3A_122 = tpu.memref_slice %arg4[%add3A, %dma_start3A_120, %dma_start3A_121] : memref<32x80x128xi32, #tpu.memory_space<hbm>> -> memref<1x40x128xi32, #tpu.memory_space<hbm>>
      %dma_start3A_123 = tpu.memref_squeeze %dma_start3A_122 : memref<1x40x128xi32, #tpu.memory_space<hbm>> -> memref<40x128xi32, #tpu.memory_space<hbm>>
      %dma_start3A_124 = arith.constant 40 : i32
      %dma_start3A_125 = arith.constant 0 : i32
      %dma_start3A_126 = tpu.memref_slice %arg4[%add3A, %dma_start3A_124, %dma_start3A_125] : memref<32x80x128xi32, #tpu.memory_space<hbm>> -> memref<1x40x128xi32, #tpu.memory_space<hbm>>
      %dma_start3A_127 = tpu.memref_squeeze %dma_start3A_126 : memref<1x40x128xi32, #tpu.memory_space<hbm>> -> memref<40x128xi32, #tpu.memory_space<hbm>>
      tpu.enqueue_dma source(%dma_start3A_127 : memref<40x128xi32, #tpu.memory_space<hbm>>) target(%arg7 : memref<40x128xi32, #tpu.memory_space<vmem>>) target_semaphore(%run_scoped3A : memref<!tpu.dma_semaphore, #tpu.memory_space<semaphore_mem>>)
      %dma_wait3A_128 = arith.constant 40 : i32
      %dma_wait3A_129 = arith.constant 0 : i32
      %dma_wait3A_130 = tpu.memref_slice %arg4[%add3A, %dma_wait3A_128, %dma_wait3A_129] : memref<32x80x128xi32, #tpu.memory_space<hbm>> -> memref<1x40x128xi32, #tpu.memory_space<hbm>>
      %dma_wait3A_131 = tpu.memref_squeeze %dma_wait3A_130 : memref<1x40x128xi32, #tpu.memory_space<hbm>> -> memref<40x128xi32, #tpu.memory_space<hbm>>
      %dma_wait3A_132 = arith.constant 40 : i32
      %dma_wait3A_133 = arith.constant 0 : i32
      %dma_wait3A_134 = tpu.memref_slice %arg4[%add3A, %dma_wait3A_132, %dma_wait3A_133] : memref<32x80x128xi32, #tpu.memory_space<hbm>> -> memref<1x40x128xi32, #tpu.memory_space<hbm>>
      %dma_wait3A_135 = tpu.memref_squeeze %dma_wait3A_134 : memref<1x40x128xi32, #tpu.memory_space<hbm>> -> memref<40x128xi32, #tpu.memory_space<hbm>>
      tpu.wait_dma2 semaphore(%run_scoped3A : memref<!tpu.dma_semaphore, #tpu.memory_space<semaphore_mem>>) src(%dma_wait3A_135 : memref<40x128xi32, #tpu.memory_space<hbm>>) dst(%arg7 : memref<40x128xi32, #tpu.memory_space<vmem>>)
      tpu.yield
    }) : () -> ()
    %dma_start3A_57 = arith.constant 0 : i32
    %dma_start3A_58 = arith.constant 0 : i32
    %dma_start3A_59 = arith.constant 0 : i32
    %dma_start3A_60 = arith.constant 0 : i32
    %dma_start3A_61 = tpu.memref_slice %arg8[%dma_start3A_58, %dma_start3A_59, %dma_start3A_60] : memref<2x128x128xf32, #tpu.memory_space<vmem>> -> memref<1x128x128xf32, #tpu.memory_space<vmem>>
    %dma_start3A_62 = tpu.memref_squeeze %dma_start3A_61 : memref<1x128x128xf32, #tpu.memory_space<vmem>> -> memref<128x128xf32, #tpu.memory_space<vmem>>
    %dma_start3A_63 = arith.constant 0 : i32
    %dma_start3A_64 = tpu.memref_slice %arg6[%dma_start3A_57, %dma_start3A_63] : memref<40x128xi32, #tpu.memory_space<vmem>> -> memref<1x128xi32, #tpu.memory_space<vmem>>
    %dma_start3A_65 = tpu.memref_squeeze %dma_start3A_64 : memref<1x128xi32, #tpu.memory_space<vmem>> -> memref<128xi32, #tpu.memory_space<vmem>>
    %dma_start3A_66 = arith.constant 0 : i32
    %dma_start3A_67 = arith.constant 0 : i32
    %dma_start3A_68 = tpu.memref_slice %arg2[%dma_start3A_66, %dma_start3A_67] : memref<10000x128xf32, #tpu.memory_space<hbm>> -> memref<10000x128xf32, #tpu.memory_space<hbm>>
    tpu.enqueue_indirect_dma source(%dma_start3A_68 : memref<10000x128xf32, #tpu.memory_space<hbm>>) target(%dma_start3A_62 : memref<128x128xf32, #tpu.memory_space<vmem>>) offsets(%dma_start3A_65 : memref<128xi32, #tpu.memory_space<vmem>>) semaphore(%arg10 : memref<!tpu.dma_semaphore, #tpu.memory_space<semaphore_mem>>)
    %dma_start3A_69 = arith.constant 1 : i32
    %dma_start3A_70 = arith.constant 1 : i32
    %dma_start3A_71 = arith.constant 0 : i32
    %dma_start3A_72 = arith.constant 0 : i32
    %dma_start3A_73 = tpu.memref_slice %arg8[%dma_start3A_70, %dma_start3A_71, %dma_start3A_72] : memref<2x128x128xf32, #tpu.memory_space<vmem>> -> memref<1x128x128xf32, #tpu.memory_space<vmem>>
    %dma_start3A_74 = tpu.memref_squeeze %dma_start3A_73 : memref<1x128x128xf32, #tpu.memory_space<vmem>> -> memref<128x128xf32, #tpu.memory_space<vmem>>
    %dma_start3A_75 = arith.constant 0 : i32
    %dma_start3A_76 = tpu.memref_slice %arg6[%dma_start3A_69, %dma_start3A_75] : memref<40x128xi32, #tpu.memory_space<vmem>> -> memref<1x128xi32, #tpu.memory_space<vmem>>
    %dma_start3A_77 = tpu.memref_squeeze %dma_start3A_76 : memref<1x128xi32, #tpu.memory_space<vmem>> -> memref<128xi32, #tpu.memory_space<vmem>>
    %dma_start3A_78 = arith.constant 0 : i32
    %dma_start3A_79 = arith.constant 0 : i32
    %dma_start3A_80 = tpu.memref_slice %arg2[%dma_start3A_78, %dma_start3A_79] : memref<10000x128xf32, #tpu.memory_space<hbm>> -> memref<10000x128xf32, #tpu.memory_space<hbm>>
    tpu.enqueue_indirect_dma source(%dma_start3A_80 : memref<10000x128xf32, #tpu.memory_space<hbm>>) target(%dma_start3A_74 : memref<128x128xf32, #tpu.memory_space<vmem>>) offsets(%dma_start3A_77 : memref<128xi32, #tpu.memory_space<vmem>>) semaphore(%arg11 : memref<!tpu.dma_semaphore, #tpu.memory_space<semaphore_mem>>)
    %scan3A_81 = arith.constant 0 : i32
    %scan3A_82 = arith.constant 20 : i32
    %scan3A_83 = arith.addi %scan3A_81, %scan3A_82 : i32
    %scan3A_84 = arith.constant 1 : i32
    scf.for %scan3A_120 = %scan3A_81 to %scan3A_83 step %scan3A_84  : i32 {
      %mul3A_121 = arith.constant 2 : i32
      %mul3A_122 = arith.muli %scan3A_120, %mul3A_121 : i32
      %add3A_123 = arith.constant 0 : i32
      %add3A_124 = arith.addi %add3A_123, %mul3A_122 : i32
      %add3A_125 = arith.constant 0 : i32
      %add3A_126 = arith.addi %add3A_124, %add3A_125 : i32
      %dma_wait3A_127 = arith.constant 0 : i32
      %dma_wait3A_128 = arith.constant 0 : i32
      %dma_wait3A_129 = arith.constant 0 : i32
      %dma_wait3A_130 = tpu.memref_slice %arg8[%dma_wait3A_127, %dma_wait3A_128, %dma_wait3A_129] : memref<2x128x128xf32, #tpu.memory_space<vmem>> -> memref<1x128x128xf32, #tpu.memory_space<vmem>>
      %dma_wait3A_131 = tpu.memref_squeeze %dma_wait3A_130 : memref<1x128x128xf32, #tpu.memory_space<vmem>> -> memref<128x128xf32, #tpu.memory_space<vmem>>
      %dma_wait3A_132 = arith.constant 0 : i32
      %dma_wait3A_133 = tpu.memref_slice %arg6[%add3A_126, %dma_wait3A_132] : memref<40x128xi32, #tpu.memory_space<vmem>> -> memref<1x128xi32, #tpu.memory_space<vmem>>
      %dma_wait3A_134 = tpu.memref_squeeze %dma_wait3A_133 : memref<1x128xi32, #tpu.memory_space<vmem>> -> memref<128xi32, #tpu.memory_space<vmem>>
      %dma_wait3A_135 = arith.constant 0 : i32
      %dma_wait3A_136 = arith.constant 0 : i32
      %dma_wait3A_137 = tpu.memref_slice %arg2[%dma_wait3A_135, %dma_wait3A_136] : memref<10000x128xf32, #tpu.memory_space<hbm>> -> memref<10000x128xf32, #tpu.memory_space<hbm>>
      tpu.wait_indirect_dma semaphore(%arg10 : memref<!tpu.dma_semaphore, #tpu.memory_space<semaphore_mem>>) src(%dma_wait3A_137 : memref<10000x128xf32, #tpu.memory_space<hbm>>) dst(%dma_wait3A_131 : memref<128x128xf32, #tpu.memory_space<vmem>>)
      %add3A_138 = arith.constant 0 : i32
      %add3A_139 = arith.addi %add3A_124, %add3A_138 : i32
      %dma_start3A_140 = arith.constant 0 : i32
      %dma_start3A_141 = arith.constant 0 : i32
      %dma_start3A_142 = arith.constant 0 : i32
      %dma_start3A_143 = tpu.memref_slice %arg8[%dma_start3A_140, %dma_start3A_141, %dma_start3A_142] : memref<2x128x128xf32, #tpu.memory_space<vmem>> -> memref<1x128x128xf32, #tpu.memory_space<vmem>>
      %dma_start3A_144 = tpu.memref_squeeze %dma_start3A_143 : memref<1x128x128xf32, #tpu.memory_space<vmem>> -> memref<128x128xf32, #tpu.memory_space<vmem>>
      %dma_start3A_145 = arith.constant 0 : i32
      %dma_start3A_146 = tpu.memref_slice %arg7[%add3A_139, %dma_start3A_145] : memref<40x128xi32, #tpu.memory_space<vmem>> -> memref<1x128xi32, #tpu.memory_space<vmem>>
      %dma_start3A_147 = tpu.memref_squeeze %dma_start3A_146 : memref<1x128xi32, #tpu.memory_space<vmem>> -> memref<128xi32, #tpu.memory_space<vmem>>
      %dma_start3A_148 = arith.constant 0 : i32
      %dma_start3A_149 = arith.constant 0 : i32
      %dma_start3A_150 = tpu.memref_slice %arg9[%dma_start3A_148, %dma_start3A_149] : memref<10016x128xf32, #tpu.memory_space<vmem_shared>> -> memref<10016x128xf32, #tpu.memory_space<vmem_shared>>
      tpu.enqueue_indirect_dma source(%dma_start3A_144 : memref<128x128xf32, #tpu.memory_space<vmem>>) target(%dma_start3A_150 : memref<10016x128xf32, #tpu.memory_space<vmem_shared>>) offsets(%dma_start3A_147 : memref<128xi32, #tpu.memory_space<vmem>>) semaphore(%arg12 : memref<!tpu.dma_semaphore, #tpu.memory_space<semaphore_mem>>) {add = true}
      %add3A_151 = arith.constant 0 : i32
      %add3A_152 = arith.addi %add3A_124, %add3A_151 : i32
      %add3A_153 = arith.constant 2 : i32
      %add3A_154 = arith.addi %add3A_152, %add3A_153 : i32
      %lt3A = arith.constant 40 : i32
      %lt3A_155 = arith.cmpi slt, %add3A_154, %lt3A : i32
      %convert_element_type3A_156 = arith.extui %lt3A_155 : i1 to i32
      %cond3A_157 = arith.constant 0 : i32
      %cond3A_158 = arith.cmpi ne, %convert_element_type3A_156, %cond3A_157 : i32
      scf.if %cond3A_158 {
        %dma_wait3A_194 = arith.constant 0 : i32
        %dma_wait3A_195 = arith.constant 0 : i32
        %dma_wait3A_196 = arith.constant 0 : i32
        %dma_wait3A_197 = arith.constant 0 : i32
        %dma_wait3A_198 = tpu.memref_slice %arg8[%dma_wait3A_194, %dma_wait3A_196, %dma_wait3A_197] : memref<2x128x128xf32, #tpu.memory_space<vmem>> -> memref<1x128x128xf32, #tpu.memory_space<vmem>>
        %dma_wait3A_199 = tpu.memref_squeeze %dma_wait3A_198 : memref<1x128x128xf32, #tpu.memory_space<vmem>> -> memref<128x128xf32, #tpu.memory_space<vmem>>
        %dma_wait3A_200 = arith.constant 0 : i32
        %dma_wait3A_201 = tpu.memref_slice %arg7[%dma_wait3A_195, %dma_wait3A_200] : memref<40x128xi32, #tpu.memory_space<vmem>> -> memref<1x128xi32, #tpu.memory_space<vmem>>
        %dma_wait3A_202 = tpu.memref_squeeze %dma_wait3A_201 : memref<1x128xi32, #tpu.memory_space<vmem>> -> memref<128xi32, #tpu.memory_space<vmem>>
        %dma_wait3A_203 = arith.constant 0 : i32
        %dma_wait3A_204 = arith.constant 0 : i32
        %dma_wait3A_205 = tpu.memref_slice %arg9[%dma_wait3A_203, %dma_wait3A_204] : memref<10016x128xf32, #tpu.memory_space<vmem_shared>> -> memref<10016x128xf32, #tpu.memory_space<vmem_shared>>
        tpu.wait_indirect_dma semaphore(%arg12 : memref<!tpu.dma_semaphore, #tpu.memory_space<semaphore_mem>>) src(%dma_wait3A_199 : memref<128x128xf32, #tpu.memory_space<vmem>>) dst(%dma_wait3A_205 : memref<10016x128xf32, #tpu.memory_space<vmem_shared>>)
        %add3A_206 = arith.constant 0 : i32
        %add3A_207 = arith.addi %add3A_124, %add3A_206 : i32
        %add3A_208 = arith.constant 2 : i32
        %add3A_209 = arith.addi %add3A_207, %add3A_208 : i32
        %dma_start3A_210 = arith.constant 0 : i32
        %dma_start3A_211 = arith.constant 0 : i32
        %dma_start3A_212 = arith.constant 0 : i32
        %dma_start3A_213 = tpu.memref_slice %arg8[%dma_start3A_210, %dma_start3A_211, %dma_start3A_212] : memref<2x128x128xf32, #tpu.memory_space<vmem>> -> memref<1x128x128xf32, #tpu.memory_space<vmem>>
        %dma_start3A_214 = tpu.memref_squeeze %dma_start3A_213 : memref<1x128x128xf32, #tpu.memory_space<vmem>> -> memref<128x128xf32, #tpu.memory_space<vmem>>
        %dma_start3A_215 = arith.constant 0 : i32
        %dma_start3A_216 = tpu.memref_slice %arg6[%add3A_209, %dma_start3A_215] : memref<40x128xi32, #tpu.memory_space<vmem>> -> memref<1x128xi32, #tpu.memory_space<vmem>>
        %dma_start3A_217 = tpu.memref_squeeze %dma_start3A_216 : memref<1x128xi32, #tpu.memory_space<vmem>> -> memref<128xi32, #tpu.memory_space<vmem>>
        %dma_start3A_218 = arith.constant 0 : i32
        %dma_start3A_219 = arith.constant 0 : i32
        %dma_start3A_220 = tpu.memref_slice %arg2[%dma_start3A_218, %dma_start3A_219] : memref<10000x128xf32, #tpu.memory_space<hbm>> -> memref<10000x128xf32, #tpu.memory_space<hbm>>
        tpu.enqueue_indirect_dma source(%dma_start3A_220 : memref<10000x128xf32, #tpu.memory_space<hbm>>) target(%dma_start3A_214 : memref<128x128xf32, #tpu.memory_space<vmem>>) offsets(%dma_start3A_217 : memref<128xi32, #tpu.memory_space<vmem>>) semaphore(%arg10 : memref<!tpu.dma_semaphore, #tpu.memory_space<semaphore_mem>>)
      } else {
      }
      %add3A_159 = arith.constant 1 : i32
      %add3A_160 = arith.addi %add3A_124, %add3A_159 : i32
      %dma_wait3A_161 = arith.constant 1 : i32
      %dma_wait3A_162 = arith.constant 0 : i32
      %dma_wait3A_163 = arith.constant 0 : i32
      %dma_wait3A_164 = tpu.memref_slice %arg8[%dma_wait3A_161, %dma_wait3A_162, %dma_wait3A_163] : memref<2x128x128xf32, #tpu.memory_space<vmem>> -> memref<1x128x128xf32, #tpu.memory_space<vmem>>
      %dma_wait3A_165 = tpu.memref_squeeze %dma_wait3A_164 : memref<1x128x128xf32, #tpu.memory_space<vmem>> -> memref<128x128xf32, #tpu.memory_space<vmem>>
      %dma_wait3A_166 = arith.constant 0 : i32
      %dma_wait3A_167 = tpu.memref_slice %arg6[%add3A_160, %dma_wait3A_166] : memref<40x128xi32, #tpu.memory_space<vmem>> -> memref<1x128xi32, #tpu.memory_space<vmem>>
      %dma_wait3A_168 = tpu.memref_squeeze %dma_wait3A_167 : memref<1x128xi32, #tpu.memory_space<vmem>> -> memref<128xi32, #tpu.memory_space<vmem>>
      %dma_wait3A_169 = arith.constant 0 : i32
      %dma_wait3A_170 = arith.constant 0 : i32
      %dma_wait3A_171 = tpu.memref_slice %arg2[%dma_wait3A_169, %dma_wait3A_170] : memref<10000x128xf32, #tpu.memory_space<hbm>> -> memref<10000x128xf32, #tpu.memory_space<hbm>>
      tpu.wait_indirect_dma semaphore(%arg11 : memref<!tpu.dma_semaphore, #tpu.memory_space<semaphore_mem>>) src(%dma_wait3A_171 : memref<10000x128xf32, #tpu.memory_space<hbm>>) dst(%dma_wait3A_165 : memref<128x128xf32, #tpu.memory_space<vmem>>)
      %add3A_172 = arith.constant 1 : i32
      %add3A_173 = arith.addi %add3A_124, %add3A_172 : i32
      %dma_start3A_174 = arith.constant 1 : i32
      %dma_start3A_175 = arith.constant 0 : i32
      %dma_start3A_176 = arith.constant 0 : i32
      %dma_start3A_177 = tpu.memref_slice %arg8[%dma_start3A_174, %dma_start3A_175, %dma_start3A_176] : memref<2x128x128xf32, #tpu.memory_space<vmem>> -> memref<1x128x128xf32, #tpu.memory_space<vmem>>
      %dma_start3A_178 = tpu.memref_squeeze %dma_start3A_177 : memref<1x128x128xf32, #tpu.memory_space<vmem>> -> memref<128x128xf32, #tpu.memory_space<vmem>>
      %dma_start3A_179 = arith.constant 0 : i32
      %dma_start3A_180 = tpu.memref_slice %arg7[%add3A_173, %dma_start3A_179] : memref<40x128xi32, #tpu.memory_space<vmem>> -> memref<1x128xi32, #tpu.memory_space<vmem>>
      %dma_start3A_181 = tpu.memref_squeeze %dma_start3A_180 : memref<1x128xi32, #tpu.memory_space<vmem>> -> memref<128xi32, #tpu.memory_space<vmem>>
      %dma_start3A_182 = arith.constant 0 : i32
      %dma_start3A_183 = arith.constant 0 : i32
      %dma_start3A_184 = tpu.memref_slice %arg9[%dma_start3A_182, %dma_start3A_183] : memref<10016x128xf32, #tpu.memory_space<vmem_shared>> -> memref<10016x128xf32, #tpu.memory_space<vmem_shared>>
      tpu.enqueue_indirect_dma source(%dma_start3A_178 : memref<128x128xf32, #tpu.memory_space<vmem>>) target(%dma_start3A_184 : memref<10016x128xf32, #tpu.memory_space<vmem_shared>>) offsets(%dma_start3A_181 : memref<128xi32, #tpu.memory_space<vmem>>) semaphore(%arg13 : memref<!tpu.dma_semaphore, #tpu.memory_space<semaphore_mem>>) {add = true}
      %add3A_185 = arith.constant 1 : i32
      %add3A_186 = arith.addi %add3A_124, %add3A_185 : i32
      %add3A_187 = arith.constant 2 : i32
      %add3A_188 = arith.addi %add3A_186, %add3A_187 : i32
      %lt3A_189 = arith.constant 40 : i32
      %lt3A_190 = arith.cmpi slt, %add3A_188, %lt3A_189 : i32
      %convert_element_type3A_191 = arith.extui %lt3A_190 : i1 to i32
      %cond3A_192 = arith.constant 0 : i32
      %cond3A_193 = arith.cmpi ne, %convert_element_type3A_191, %cond3A_192 : i32
      scf.if %cond3A_193 {
        %dma_wait3A_194 = arith.constant 1 : i32
        %dma_wait3A_195 = arith.constant 0 : i32
        %dma_wait3A_196 = arith.constant 0 : i32
        %dma_wait3A_197 = arith.constant 0 : i32
        %dma_wait3A_198 = tpu.memref_slice %arg8[%dma_wait3A_194, %dma_wait3A_196, %dma_wait3A_197] : memref<2x128x128xf32, #tpu.memory_space<vmem>> -> memref<1x128x128xf32, #tpu.memory_space<vmem>>
        %dma_wait3A_199 = tpu.memref_squeeze %dma_wait3A_198 : memref<1x128x128xf32, #tpu.memory_space<vmem>> -> memref<128x128xf32, #tpu.memory_space<vmem>>
        %dma_wait3A_200 = arith.constant 0 : i32
        %dma_wait3A_201 = tpu.memref_slice %arg7[%dma_wait3A_195, %dma_wait3A_200] : memref<40x128xi32, #tpu.memory_space<vmem>> -> memref<1x128xi32, #tpu.memory_space<vmem>>
        %dma_wait3A_202 = tpu.memref_squeeze %dma_wait3A_201 : memref<1x128xi32, #tpu.memory_space<vmem>> -> memref<128xi32, #tpu.memory_space<vmem>>
        %dma_wait3A_203 = arith.constant 0 : i32
        %dma_wait3A_204 = arith.constant 0 : i32
        %dma_wait3A_205 = tpu.memref_slice %arg9[%dma_wait3A_203, %dma_wait3A_204] : memref<10016x128xf32, #tpu.memory_space<vmem_shared>> -> memref<10016x128xf32, #tpu.memory_space<vmem_shared>>
        tpu.wait_indirect_dma semaphore(%arg13 : memref<!tpu.dma_semaphore, #tpu.memory_space<semaphore_mem>>) src(%dma_wait3A_199 : memref<128x128xf32, #tpu.memory_space<vmem>>) dst(%dma_wait3A_205 : memref<10016x128xf32, #tpu.memory_space<vmem_shared>>)
        %add3A_206 = arith.constant 1 : i32
        %add3A_207 = arith.addi %add3A_124, %add3A_206 : i32
        %add3A_208 = arith.constant 2 : i32
        %add3A_209 = arith.addi %add3A_207, %add3A_208 : i32
        %dma_start3A_210 = arith.constant 1 : i32
        %dma_start3A_211 = arith.constant 0 : i32
        %dma_start3A_212 = arith.constant 0 : i32
        %dma_start3A_213 = tpu.memref_slice %arg8[%dma_start3A_210, %dma_start3A_211, %dma_start3A_212] : memref<2x128x128xf32, #tpu.memory_space<vmem>> -> memref<1x128x128xf32, #tpu.memory_space<vmem>>
        %dma_start3A_214 = tpu.memref_squeeze %dma_start3A_213 : memref<1x128x128xf32, #tpu.memory_space<vmem>> -> memref<128x128xf32, #tpu.memory_space<vmem>>
        %dma_start3A_215 = arith.constant 0 : i32
        %dma_start3A_216 = tpu.memref_slice %arg6[%add3A_209, %dma_start3A_215] : memref<40x128xi32, #tpu.memory_space<vmem>> -> memref<1x128xi32, #tpu.memory_space<vmem>>
        %dma_start3A_217 = tpu.memref_squeeze %dma_start3A_216 : memref<1x128xi32, #tpu.memory_space<vmem>> -> memref<128xi32, #tpu.memory_space<vmem>>
        %dma_start3A_218 = arith.constant 0 : i32
        %dma_start3A_219 = arith.constant 0 : i32
        %dma_start3A_220 = tpu.memref_slice %arg2[%dma_start3A_218, %dma_start3A_219] : memref<10000x128xf32, #tpu.memory_space<hbm>> -> memref<10000x128xf32, #tpu.memory_space<hbm>>
        tpu.enqueue_indirect_dma source(%dma_start3A_220 : memref<10000x128xf32, #tpu.memory_space<hbm>>) target(%dma_start3A_214 : memref<128x128xf32, #tpu.memory_space<vmem>>) offsets(%dma_start3A_217 : memref<128xi32, #tpu.memory_space<vmem>>) semaphore(%arg11 : memref<!tpu.dma_semaphore, #tpu.memory_space<semaphore_mem>>)
      } else {
      }
    }
    %scan3A_85 = arith.constant 20 : i32
    %dma_wait3A_86 = arith.constant 0 : i32
    %dma_wait3A_87 = arith.constant 0 : i32
    %dma_wait3A_88 = arith.constant 0 : i32
    %dma_wait3A_89 = arith.constant 0 : i32
    %dma_wait3A_90 = tpu.memref_slice %arg8[%dma_wait3A_86, %dma_wait3A_88, %dma_wait3A_89] : memref<2x128x128xf32, #tpu.memory_space<vmem>> -> memref<1x128x128xf32, #tpu.memory_space<vmem>>
    %dma_wait3A_91 = tpu.memref_squeeze %dma_wait3A_90 : memref<1x128x128xf32, #tpu.memory_space<vmem>> -> memref<128x128xf32, #tpu.memory_space<vmem>>
    %dma_wait3A_92 = arith.constant 0 : i32
    %dma_wait3A_93 = tpu.memref_slice %arg7[%dma_wait3A_87, %dma_wait3A_92] : memref<40x128xi32, #tpu.memory_space<vmem>> -> memref<1x128xi32, #tpu.memory_space<vmem>>
    %dma_wait3A_94 = tpu.memref_squeeze %dma_wait3A_93 : memref<1x128xi32, #tpu.memory_space<vmem>> -> memref<128xi32, #tpu.memory_space<vmem>>
    %dma_wait3A_95 = arith.constant 0 : i32
    %dma_wait3A_96 = arith.constant 0 : i32
    %dma_wait3A_97 = tpu.memref_slice %arg9[%dma_wait3A_95, %dma_wait3A_96] : memref<10016x128xf32, #tpu.memory_space<vmem_shared>> -> memref<10016x128xf32, #tpu.memory_space<vmem_shared>>
    tpu.wait_indirect_dma semaphore(%arg12 : memref<!tpu.dma_semaphore, #tpu.memory_space<semaphore_mem>>) src(%dma_wait3A_91 : memref<128x128xf32, #tpu.memory_space<vmem>>) dst(%dma_wait3A_97 : memref<10016x128xf32, #tpu.memory_space<vmem_shared>>)
    %dma_wait3A_98 = arith.constant 1 : i32
    %dma_wait3A_99 = arith.constant 0 : i32
    %dma_wait3A_100 = arith.constant 0 : i32
    %dma_wait3A_101 = arith.constant 0 : i32
    %dma_wait3A_102 = tpu.memref_slice %arg8[%dma_wait3A_98, %dma_wait3A_100, %dma_wait3A_101] : memref<2x128x128xf32, #tpu.memory_space<vmem>> -> memref<1x128x128xf32, #tpu.memory_space<vmem>>
    %dma_wait3A_103 = tpu.memref_squeeze %dma_wait3A_102 : memref<1x128x128xf32, #tpu.memory_space<vmem>> -> memref<128x128xf32, #tpu.memory_space<vmem>>
    %dma_wait3A_104 = arith.constant 0 : i32
    %dma_wait3A_105 = tpu.memref_slice %arg7[%dma_wait3A_99, %dma_wait3A_104] : memref<40x128xi32, #tpu.memory_space<vmem>> -> memref<1x128xi32, #tpu.memory_space<vmem>>
    %dma_wait3A_106 = tpu.memref_squeeze %dma_wait3A_105 : memref<1x128xi32, #tpu.memory_space<vmem>> -> memref<128xi32, #tpu.memory_space<vmem>>
    %dma_wait3A_107 = arith.constant 0 : i32
    %dma_wait3A_108 = arith.constant 0 : i32
    %dma_wait3A_109 = tpu.memref_slice %arg9[%dma_wait3A_107, %dma_wait3A_108] : memref<10016x128xf32, #tpu.memory_space<vmem_shared>> -> memref<10016x128xf32, #tpu.memory_space<vmem_shared>>
    tpu.wait_indirect_dma semaphore(%arg13 : memref<!tpu.dma_semaphore, #tpu.memory_space<semaphore_mem>>) src(%dma_wait3A_103 : memref<128x128xf32, #tpu.memory_space<vmem>>) dst(%dma_wait3A_109 : memref<10016x128xf32, #tpu.memory_space<vmem_shared>>)
    %barrier3A_110 = arith.constant 0 : index
    tpu.barrier barrier_id(%barrier3A_110)
    %mul3A_111 = arith.constant 624 : i32
    %mul3A_112 = arith.muli %arg1, %mul3A_111 : i32
    %mul3A_113 = arith.constant 624 : i32
    %mul3A_114 = arith.muli %arg1, %mul3A_113 : i32
    "tpu.region"() ({
      %run_scoped3A = tpu.sem_alloc : memref<!tpu.dma_semaphore, #tpu.memory_space<semaphore_mem>>
      %dma_start3A_120 = arith.constant 0 : i32
      %dma_start3A_121 = tpu.memref_slice %arg5[%arg0, %mul3A_114, %dma_start3A_120] : memref<2x10000x128xf32, #tpu.memory_space<hbm>> -> memref<1x624x128xf32, #tpu.memory_space<hbm>>
      %dma_start3A_122 = tpu.memref_squeeze %dma_start3A_121 : memref<1x624x128xf32, #tpu.memory_space<hbm>> -> memref<624x128xf32, #tpu.memory_space<hbm>>
      %dma_start3A_123 = arith.constant 0 : i32
      %dma_start3A_124 = tpu.memref_slice %arg9[%mul3A_112, %dma_start3A_123] : memref<10016x128xf32, #tpu.memory_space<vmem_shared>> -> memref<624x128xf32, #tpu.memory_space<vmem_shared>>
      tpu.enqueue_dma source(%dma_start3A_124 : memref<624x128xf32, #tpu.memory_space<vmem_shared>>) target(%dma_start3A_122 : memref<624x128xf32, #tpu.memory_space<hbm>>) target_semaphore(%run_scoped3A : memref<!tpu.dma_semaphore, #tpu.memory_space<semaphore_mem>>)
      %dma_wait3A_125 = arith.constant 0 : i32
      %dma_wait3A_126 = tpu.memref_slice %arg5[%arg0, %mul3A_114, %dma_wait3A_125] : memref<2x10000x128xf32, #tpu.memory_space<hbm>> -> memref<1x624x128xf32, #tpu.memory_space<hbm>>
      %dma_wait3A_127 = tpu.memref_squeeze %dma_wait3A_126 : memref<1x624x128xf32, #tpu.memory_space<hbm>> -> memref<624x128xf32, #tpu.memory_space<hbm>>
      %dma_wait3A_128 = arith.constant 0 : i32
      %dma_wait3A_129 = tpu.memref_slice %arg9[%mul3A_112, %dma_wait3A_128] : memref<10016x128xf32, #tpu.memory_space<vmem_shared>> -> memref<624x128xf32, #tpu.memory_space<vmem_shared>>
      tpu.wait_dma2 semaphore(%run_scoped3A : memref<!tpu.dma_semaphore, #tpu.memory_space<semaphore_mem>>) src(%dma_wait3A_129 : memref<624x128xf32, #tpu.memory_space<vmem_shared>>) dst(%dma_wait3A_127 : memref<624x128xf32, #tpu.memory_space<hbm>>)
      tpu.yield
    }) : () -> ()
    %eq3A_115 = arith.constant 15 : i32
    %eq3A_116 = arith.cmpi eq, %arg1, %eq3A_115 : i32
    %convert_element_type3A_117 = arith.extui %eq3A_116 : i1 to i32
    %cond3A_118 = arith.constant 0 : i32
    %cond3A_119 = arith.cmpi ne, %convert_element_type3A_117, %cond3A_118 : i32
    scf.if %cond3A_119 {
      "tpu.region"() ({
        %run_scoped3A = tpu.sem_alloc : memref<!tpu.dma_semaphore, #tpu.memory_space<semaphore_mem>>
        %dma_start3A_120 = arith.constant 9984 : i32
        %dma_start3A_121 = arith.constant 0 : i32
        %dma_start3A_122 = tpu.memref_slice %arg5[%arg0, %dma_start3A_120, %dma_start3A_121] : memref<2x10000x128xf32, #tpu.memory_space<hbm>> -> memref<1x16x128xf32, #tpu.memory_space<hbm>>
        %dma_start3A_123 = tpu.memref_squeeze %dma_start3A_122 : memref<1x16x128xf32, #tpu.memory_space<hbm>> -> memref<16x128xf32, #tpu.memory_space<hbm>>
        %dma_start3A_124 = arith.constant 9984 : i32
        %dma_start3A_125 = arith.constant 0 : i32
        %dma_start3A_126 = tpu.memref_slice %arg9[%dma_start3A_124, %dma_start3A_125] : memref<10016x128xf32, #tpu.memory_space<vmem_shared>> -> memref<16x128xf32, #tpu.memory_space<vmem_shared>>
        tpu.enqueue_dma source(%dma_start3A_126 : memref<16x128xf32, #tpu.memory_space<vmem_shared>>) target(%dma_start3A_123 : memref<16x128xf32, #tpu.memory_space<hbm>>) target_semaphore(%run_scoped3A : memref<!tpu.dma_semaphore, #tpu.memory_space<semaphore_mem>>)
        %dma_wait3A_127 = arith.constant 9984 : i32
        %dma_wait3A_128 = arith.constant 0 : i32
        %dma_wait3A_129 = tpu.memref_slice %arg5[%arg0, %dma_wait3A_127, %dma_wait3A_128] : memref<2x10000x128xf32, #tpu.memory_space<hbm>> -> memref<1x16x128xf32, #tpu.memory_space<hbm>>
        %dma_wait3A_130 = tpu.memref_squeeze %dma_wait3A_129 : memref<1x16x128xf32, #tpu.memory_space<hbm>> -> memref<16x128xf32, #tpu.memory_space<hbm>>
        %dma_wait3A_131 = arith.constant 9984 : i32
        %dma_wait3A_132 = arith.constant 0 : i32
        %dma_wait3A_133 = tpu.memref_slice %arg9[%dma_wait3A_131, %dma_wait3A_132] : memref<10016x128xf32, #tpu.memory_space<vmem_shared>> -> memref<16x128xf32, #tpu.memory_space<vmem_shared>>
        tpu.wait_dma2 semaphore(%run_scoped3A : memref<!tpu.dma_semaphore, #tpu.memory_space<semaphore_mem>>) src(%dma_wait3A_133 : memref<16x128xf32, #tpu.memory_space<vmem_shared>>) dst(%dma_wait3A_130 : memref<16x128xf32, #tpu.memory_space<hbm>>)
        tpu.yield
      }) : () -> ()
    } else {
    }
    return
  }
}

#map = affine_map<(d0, d1) -> (0)>
#map1 = affine_map<(d0, d1) -> (0, 0, 0)>
module attributes {stable_mosaic.version = 14 : i64} {
  func.func @k(%arg0: i32, %arg1: i32, %arg2: memref<10000xf32, #tpu.memory_space<hbm>>, %arg3: memref<32x80x128xi32, #tpu.memory_space<hbm>>, %arg4: memref<32x80x128xi32, #tpu.memory_space<hbm>>, %arg5: memref<20000xf32, #tpu.memory_space<hbm>>, %arg6: memref<80x128xi32, #tpu.memory_space<vmem>>, %arg7: memref<80x128xi32, #tpu.memory_space<vmem>>, %arg8: memref<4x128xf32, #tpu.memory_space<vmem>>, %arg9: memref<640xf32, #tpu.memory_space<vmem>>, %arg10: memref<10016xf32, #tpu.memory_space<vmem_shared>>, %arg11: memref<10000xf32, #tpu.memory_space<vmem_shared>>, %arg12: memref<!tpu.dma_semaphore, #tpu.memory_space<semaphore_mem>>, %arg13: memref<!tpu.dma_semaphore, #tpu.memory_space<semaphore_mem>>, %arg14: memref<!tpu.dma_semaphore, #tpu.memory_space<semaphore_mem>>, %arg15: memref<!tpu.dma_semaphore, #tpu.memory_space<semaphore_mem>>, %arg16: memref<!tpu.dma_semaphore, #tpu.memory_space<semaphore_mem>>, %arg17: memref<!tpu.dma_semaphore, #tpu.memory_space<semaphore_mem>>, %arg18: memref<!tpu.dma_semaphore, #tpu.memory_space<semaphore_mem>>, %arg19: memref<!tpu.dma_semaphore, #tpu.memory_space<semaphore_mem>>) attributes {dimension_semantics = [#tpu.dimension_semantics<core_parallel>, #tpu.dimension_semantics<subcore_parallel>], iteration_bounds = array<i64: 2, 16>, scalar_prefetch = 0 : i64, scratch_operands = 14 : i64, tpu.core_type = #tpu.core_type<sc_vector_subcore>, window_params = [{transform_indices = #map}, {transform_indices = #map1}, {transform_indices = #map1}, {transform_indices = #map}]} {
    %mul3A = arith.constant 16 : i32
    %mul3A_0 = arith.muli %arg0, %mul3A : i32
    %add3A = arith.addi %mul3A_0, %arg1 : i32
    %mul3A_1 = arith.constant 624 : i32
    %mul3A_2 = arith.muli %arg1, %mul3A_1 : i32
    %multiple_of3A = tpu.assume_multiple %mul3A_2, 16 : i32
    "tpu.region"() ({
      %run_scoped3A = tpu.sem_alloc : memref<!tpu.dma_semaphore, #tpu.memory_space<semaphore_mem>>
      %dma_start3A_99 = arith.constant 0 : i32
      %dma_start3A_100 = tpu.memref_slice %arg9[%dma_start3A_99] : memref<640xf32, #tpu.memory_space<vmem>> -> memref<624xf32, #tpu.memory_space<vmem>>
      %dma_start3A_101 = tpu.memref_slice %arg2[%multiple_of3A] : memref<10000xf32, #tpu.memory_space<hbm>> -> memref<624xf32, #tpu.memory_space<hbm>>
      %dma_start3A_102 = arith.constant 0 : i32
      %dma_start3A_103 = tpu.memref_slice %arg9[%dma_start3A_102] : memref<640xf32, #tpu.memory_space<vmem>> -> memref<624xf32, #tpu.memory_space<vmem>>
      %dma_start3A_104 = tpu.memref_slice %arg2[%multiple_of3A] : memref<10000xf32, #tpu.memory_space<hbm>> -> memref<624xf32, #tpu.memory_space<hbm>>
      tpu.enqueue_dma source(%dma_start3A_104 : memref<624xf32, #tpu.memory_space<hbm>>) target(%dma_start3A_103 : memref<624xf32, #tpu.memory_space<vmem>>) target_semaphore(%run_scoped3A : memref<!tpu.dma_semaphore, #tpu.memory_space<semaphore_mem>>)
      %dma_wait3A_105 = arith.constant 0 : i32
      %dma_wait3A_106 = tpu.memref_slice %arg9[%dma_wait3A_105] : memref<640xf32, #tpu.memory_space<vmem>> -> memref<624xf32, #tpu.memory_space<vmem>>
      %dma_wait3A_107 = tpu.memref_slice %arg2[%multiple_of3A] : memref<10000xf32, #tpu.memory_space<hbm>> -> memref<624xf32, #tpu.memory_space<hbm>>
      %dma_wait3A_108 = arith.constant 0 : i32
      %dma_wait3A_109 = tpu.memref_slice %arg9[%dma_wait3A_108] : memref<640xf32, #tpu.memory_space<vmem>> -> memref<624xf32, #tpu.memory_space<vmem>>
      %dma_wait3A_110 = tpu.memref_slice %arg2[%multiple_of3A] : memref<10000xf32, #tpu.memory_space<hbm>> -> memref<624xf32, #tpu.memory_space<hbm>>
      tpu.wait_dma2 semaphore(%run_scoped3A : memref<!tpu.dma_semaphore, #tpu.memory_space<semaphore_mem>>) src(%dma_wait3A_110 : memref<624xf32, #tpu.memory_space<hbm>>) dst(%dma_wait3A_109 : memref<624xf32, #tpu.memory_space<vmem>>)
      tpu.yield
    }) : () -> ()
    "tpu.region"() ({
      %run_scoped3A = tpu.sem_alloc : memref<!tpu.dma_semaphore, #tpu.memory_space<semaphore_mem>>
      %dma_start3A_99 = arith.constant 0 : i32
      %dma_start3A_100 = tpu.memref_slice %arg9[%dma_start3A_99] : memref<640xf32, #tpu.memory_space<vmem>> -> memref<624xf32, #tpu.memory_space<vmem>>
      %dma_start3A_101 = tpu.memref_slice %arg10[%multiple_of3A] : memref<10016xf32, #tpu.memory_space<vmem_shared>> -> memref<624xf32, #tpu.memory_space<vmem_shared>>
      %dma_start3A_102 = tpu.memref_slice %arg10[%multiple_of3A] : memref<10016xf32, #tpu.memory_space<vmem_shared>> -> memref<624xf32, #tpu.memory_space<vmem_shared>>
      %dma_start3A_103 = arith.constant 0 : i32
      %dma_start3A_104 = tpu.memref_slice %arg9[%dma_start3A_103] : memref<640xf32, #tpu.memory_space<vmem>> -> memref<624xf32, #tpu.memory_space<vmem>>
      tpu.enqueue_dma source(%dma_start3A_104 : memref<624xf32, #tpu.memory_space<vmem>>) target(%dma_start3A_102 : memref<624xf32, #tpu.memory_space<vmem_shared>>) target_semaphore(%run_scoped3A : memref<!tpu.dma_semaphore, #tpu.memory_space<semaphore_mem>>)
      %dma_wait3A_105 = arith.constant 0 : i32
      %dma_wait3A_106 = tpu.memref_slice %arg9[%dma_wait3A_105] : memref<640xf32, #tpu.memory_space<vmem>> -> memref<624xf32, #tpu.memory_space<vmem>>
      %dma_wait3A_107 = tpu.memref_slice %arg10[%multiple_of3A] : memref<10016xf32, #tpu.memory_space<vmem_shared>> -> memref<624xf32, #tpu.memory_space<vmem_shared>>
      %dma_wait3A_108 = tpu.memref_slice %arg10[%multiple_of3A] : memref<10016xf32, #tpu.memory_space<vmem_shared>> -> memref<624xf32, #tpu.memory_space<vmem_shared>>
      %dma_wait3A_109 = arith.constant 0 : i32
      %dma_wait3A_110 = tpu.memref_slice %arg9[%dma_wait3A_109] : memref<640xf32, #tpu.memory_space<vmem>> -> memref<624xf32, #tpu.memory_space<vmem>>
      tpu.wait_dma2 semaphore(%run_scoped3A : memref<!tpu.dma_semaphore, #tpu.memory_space<semaphore_mem>>) src(%dma_wait3A_110 : memref<624xf32, #tpu.memory_space<vmem>>) dst(%dma_wait3A_108 : memref<624xf32, #tpu.memory_space<vmem_shared>>)
      tpu.yield
    }) : () -> ()
    "tpu.region"() ({
      %run_scoped3A = tpu.sem_alloc : memref<!tpu.dma_semaphore, #tpu.memory_space<semaphore_mem>>
      %dma_start3A_99 = arith.constant 0 : i32
      %dma_start3A_100 = tpu.memref_slice %arg9[%dma_start3A_99] : memref<640xf32, #tpu.memory_space<vmem>> -> memref<624xf32, #tpu.memory_space<vmem>>
      %dma_start3A_101 = tpu.memref_slice %arg11[%multiple_of3A] : memref<10000xf32, #tpu.memory_space<vmem_shared>> -> memref<624xf32, #tpu.memory_space<vmem_shared>>
      %dma_start3A_102 = tpu.memref_slice %arg11[%multiple_of3A] : memref<10000xf32, #tpu.memory_space<vmem_shared>> -> memref<624xf32, #tpu.memory_space<vmem_shared>>
      %dma_start3A_103 = arith.constant 0 : i32
      %dma_start3A_104 = tpu.memref_slice %arg9[%dma_start3A_103] : memref<640xf32, #tpu.memory_space<vmem>> -> memref<624xf32, #tpu.memory_space<vmem>>
      tpu.enqueue_dma source(%dma_start3A_104 : memref<624xf32, #tpu.memory_space<vmem>>) target(%dma_start3A_102 : memref<624xf32, #tpu.memory_space<vmem_shared>>) target_semaphore(%run_scoped3A : memref<!tpu.dma_semaphore, #tpu.memory_space<semaphore_mem>>)
      %dma_wait3A_105 = arith.constant 0 : i32
      %dma_wait3A_106 = tpu.memref_slice %arg9[%dma_wait3A_105] : memref<640xf32, #tpu.memory_space<vmem>> -> memref<624xf32, #tpu.memory_space<vmem>>
      %dma_wait3A_107 = tpu.memref_slice %arg11[%multiple_of3A] : memref<10000xf32, #tpu.memory_space<vmem_shared>> -> memref<624xf32, #tpu.memory_space<vmem_shared>>
      %dma_wait3A_108 = tpu.memref_slice %arg11[%multiple_of3A] : memref<10000xf32, #tpu.memory_space<vmem_shared>> -> memref<624xf32, #tpu.memory_space<vmem_shared>>
      %dma_wait3A_109 = arith.constant 0 : i32
      %dma_wait3A_110 = tpu.memref_slice %arg9[%dma_wait3A_109] : memref<640xf32, #tpu.memory_space<vmem>> -> memref<624xf32, #tpu.memory_space<vmem>>
      tpu.wait_dma2 semaphore(%run_scoped3A : memref<!tpu.dma_semaphore, #tpu.memory_space<semaphore_mem>>) src(%dma_wait3A_110 : memref<624xf32, #tpu.memory_space<vmem>>) dst(%dma_wait3A_108 : memref<624xf32, #tpu.memory_space<vmem_shared>>)
      tpu.yield
    }) : () -> ()
    %eq3A = arith.constant 15 : i32
    %eq3A_3 = arith.cmpi eq, %arg1, %eq3A : i32
    %convert_element_type3A = arith.extui %eq3A_3 : i1 to i32
    %cond3A = arith.constant 0 : i32
    %cond3A_4 = arith.cmpi ne, %convert_element_type3A, %cond3A : i32
    scf.if %cond3A_4 {
      "tpu.region"() ({
        %run_scoped3A = tpu.sem_alloc : memref<!tpu.dma_semaphore, #tpu.memory_space<semaphore_mem>>
        %dma_start3A_99 = arith.constant 624 : i32
        %dma_start3A_100 = tpu.memref_slice %arg9[%dma_start3A_99] : memref<640xf32, #tpu.memory_space<vmem>> -> memref<16xf32, #tpu.memory_space<vmem>>
        %dma_start3A_101 = arith.constant 9984 : i32
        %dma_start3A_102 = tpu.memref_slice %arg2[%dma_start3A_101] : memref<10000xf32, #tpu.memory_space<hbm>> -> memref<16xf32, #tpu.memory_space<hbm>>
        %dma_start3A_103 = arith.constant 624 : i32
        %dma_start3A_104 = tpu.memref_slice %arg9[%dma_start3A_103] : memref<640xf32, #tpu.memory_space<vmem>> -> memref<16xf32, #tpu.memory_space<vmem>>
        %dma_start3A_105 = arith.constant 9984 : i32
        %dma_start3A_106 = tpu.memref_slice %arg2[%dma_start3A_105] : memref<10000xf32, #tpu.memory_space<hbm>> -> memref<16xf32, #tpu.memory_space<hbm>>
        tpu.enqueue_dma source(%dma_start3A_106 : memref<16xf32, #tpu.memory_space<hbm>>) target(%dma_start3A_104 : memref<16xf32, #tpu.memory_space<vmem>>) target_semaphore(%run_scoped3A : memref<!tpu.dma_semaphore, #tpu.memory_space<semaphore_mem>>)
        %dma_wait3A_107 = arith.constant 624 : i32
        %dma_wait3A_108 = tpu.memref_slice %arg9[%dma_wait3A_107] : memref<640xf32, #tpu.memory_space<vmem>> -> memref<16xf32, #tpu.memory_space<vmem>>
        %dma_wait3A_109 = arith.constant 9984 : i32
        %dma_wait3A_110 = tpu.memref_slice %arg2[%dma_wait3A_109] : memref<10000xf32, #tpu.memory_space<hbm>> -> memref<16xf32, #tpu.memory_space<hbm>>
        %dma_wait3A_111 = arith.constant 624 : i32
        %dma_wait3A_112 = tpu.memref_slice %arg9[%dma_wait3A_111] : memref<640xf32, #tpu.memory_space<vmem>> -> memref<16xf32, #tpu.memory_space<vmem>>
        %dma_wait3A_113 = arith.constant 9984 : i32
        %dma_wait3A_114 = tpu.memref_slice %arg2[%dma_wait3A_113] : memref<10000xf32, #tpu.memory_space<hbm>> -> memref<16xf32, #tpu.memory_space<hbm>>
        tpu.wait_dma2 semaphore(%run_scoped3A : memref<!tpu.dma_semaphore, #tpu.memory_space<semaphore_mem>>) src(%dma_wait3A_114 : memref<16xf32, #tpu.memory_space<hbm>>) dst(%dma_wait3A_112 : memref<16xf32, #tpu.memory_space<vmem>>)
        tpu.yield
      }) : () -> ()
      "tpu.region"() ({
        %run_scoped3A = tpu.sem_alloc : memref<!tpu.dma_semaphore, #tpu.memory_space<semaphore_mem>>
        %dma_start3A_99 = arith.constant 624 : i32
        %dma_start3A_100 = tpu.memref_slice %arg9[%dma_start3A_99] : memref<640xf32, #tpu.memory_space<vmem>> -> memref<16xf32, #tpu.memory_space<vmem>>
        %dma_start3A_101 = arith.constant 9984 : i32
        %dma_start3A_102 = tpu.memref_slice %arg10[%dma_start3A_101] : memref<10016xf32, #tpu.memory_space<vmem_shared>> -> memref<16xf32, #tpu.memory_space<vmem_shared>>
        %dma_start3A_103 = arith.constant 9984 : i32
        %dma_start3A_104 = tpu.memref_slice %arg10[%dma_start3A_103] : memref<10016xf32, #tpu.memory_space<vmem_shared>> -> memref<16xf32, #tpu.memory_space<vmem_shared>>
        %dma_start3A_105 = arith.constant 624 : i32
        %dma_start3A_106 = tpu.memref_slice %arg9[%dma_start3A_105] : memref<640xf32, #tpu.memory_space<vmem>> -> memref<16xf32, #tpu.memory_space<vmem>>
        tpu.enqueue_dma source(%dma_start3A_106 : memref<16xf32, #tpu.memory_space<vmem>>) target(%dma_start3A_104 : memref<16xf32, #tpu.memory_space<vmem_shared>>) target_semaphore(%run_scoped3A : memref<!tpu.dma_semaphore, #tpu.memory_space<semaphore_mem>>)
        %dma_wait3A_107 = arith.constant 624 : i32
        %dma_wait3A_108 = tpu.memref_slice %arg9[%dma_wait3A_107] : memref<640xf32, #tpu.memory_space<vmem>> -> memref<16xf32, #tpu.memory_space<vmem>>
        %dma_wait3A_109 = arith.constant 9984 : i32
        %dma_wait3A_110 = tpu.memref_slice %arg10[%dma_wait3A_109] : memref<10016xf32, #tpu.memory_space<vmem_shared>> -> memref<16xf32, #tpu.memory_space<vmem_shared>>
        %dma_wait3A_111 = arith.constant 9984 : i32
        %dma_wait3A_112 = tpu.memref_slice %arg10[%dma_wait3A_111] : memref<10016xf32, #tpu.memory_space<vmem_shared>> -> memref<16xf32, #tpu.memory_space<vmem_shared>>
        %dma_wait3A_113 = arith.constant 624 : i32
        %dma_wait3A_114 = tpu.memref_slice %arg9[%dma_wait3A_113] : memref<640xf32, #tpu.memory_space<vmem>> -> memref<16xf32, #tpu.memory_space<vmem>>
        tpu.wait_dma2 semaphore(%run_scoped3A : memref<!tpu.dma_semaphore, #tpu.memory_space<semaphore_mem>>) src(%dma_wait3A_114 : memref<16xf32, #tpu.memory_space<vmem>>) dst(%dma_wait3A_112 : memref<16xf32, #tpu.memory_space<vmem_shared>>)
        tpu.yield
      }) : () -> ()
      "tpu.region"() ({
        %run_scoped3A = tpu.sem_alloc : memref<!tpu.dma_semaphore, #tpu.memory_space<semaphore_mem>>
        %dma_start3A_99 = arith.constant 624 : i32
        %dma_start3A_100 = tpu.memref_slice %arg9[%dma_start3A_99] : memref<640xf32, #tpu.memory_space<vmem>> -> memref<16xf32, #tpu.memory_space<vmem>>
        %dma_start3A_101 = arith.constant 9984 : i32
        %dma_start3A_102 = tpu.memref_slice %arg11[%dma_start3A_101] : memref<10000xf32, #tpu.memory_space<vmem_shared>> -> memref<16xf32, #tpu.memory_space<vmem_shared>>
        %dma_start3A_103 = arith.constant 9984 : i32
        %dma_start3A_104 = tpu.memref_slice %arg11[%dma_start3A_103] : memref<10000xf32, #tpu.memory_space<vmem_shared>> -> memref<16xf32, #tpu.memory_space<vmem_shared>>
        %dma_start3A_105 = arith.constant 624 : i32
        %dma_start3A_106 = tpu.memref_slice %arg9[%dma_start3A_105] : memref<640xf32, #tpu.memory_space<vmem>> -> memref<16xf32, #tpu.memory_space<vmem>>
        tpu.enqueue_dma source(%dma_start3A_106 : memref<16xf32, #tpu.memory_space<vmem>>) target(%dma_start3A_104 : memref<16xf32, #tpu.memory_space<vmem_shared>>) target_semaphore(%run_scoped3A : memref<!tpu.dma_semaphore, #tpu.memory_space<semaphore_mem>>)
        %dma_wait3A_107 = arith.constant 624 : i32
        %dma_wait3A_108 = tpu.memref_slice %arg9[%dma_wait3A_107] : memref<640xf32, #tpu.memory_space<vmem>> -> memref<16xf32, #tpu.memory_space<vmem>>
        %dma_wait3A_109 = arith.constant 9984 : i32
        %dma_wait3A_110 = tpu.memref_slice %arg11[%dma_wait3A_109] : memref<10000xf32, #tpu.memory_space<vmem_shared>> -> memref<16xf32, #tpu.memory_space<vmem_shared>>
        %dma_wait3A_111 = arith.constant 9984 : i32
        %dma_wait3A_112 = tpu.memref_slice %arg11[%dma_wait3A_111] : memref<10000xf32, #tpu.memory_space<vmem_shared>> -> memref<16xf32, #tpu.memory_space<vmem_shared>>
        %dma_wait3A_113 = arith.constant 624 : i32
        %dma_wait3A_114 = tpu.memref_slice %arg9[%dma_wait3A_113] : memref<640xf32, #tpu.memory_space<vmem>> -> memref<16xf32, #tpu.memory_space<vmem>>
        tpu.wait_dma2 semaphore(%run_scoped3A : memref<!tpu.dma_semaphore, #tpu.memory_space<semaphore_mem>>) src(%dma_wait3A_114 : memref<16xf32, #tpu.memory_space<vmem>>) dst(%dma_wait3A_112 : memref<16xf32, #tpu.memory_space<vmem_shared>>)
        tpu.yield
      }) : () -> ()
    } else {
    }
    "tpu.region"() ({
      %run_scoped3A = tpu.sem_alloc : memref<!tpu.dma_semaphore, #tpu.memory_space<semaphore_mem>>
      %dma_start3A_99 = arith.constant 0 : i32
      %dma_start3A_100 = arith.constant 0 : i32
      %dma_start3A_101 = tpu.memref_slice %arg3[%add3A, %dma_start3A_99, %dma_start3A_100] : memref<32x80x128xi32, #tpu.memory_space<hbm>> -> memref<1x80x128xi32, #tpu.memory_space<hbm>>
      %dma_start3A_102 = tpu.memref_squeeze %dma_start3A_101 : memref<1x80x128xi32, #tpu.memory_space<hbm>> -> memref<80x128xi32, #tpu.memory_space<hbm>>
      %dma_start3A_103 = arith.constant 0 : i32
      %dma_start3A_104 = arith.constant 0 : i32
      %dma_start3A_105 = tpu.memref_slice %arg3[%add3A, %dma_start3A_103, %dma_start3A_104] : memref<32x80x128xi32, #tpu.memory_space<hbm>> -> memref<1x80x128xi32, #tpu.memory_space<hbm>>
      %dma_start3A_106 = tpu.memref_squeeze %dma_start3A_105 : memref<1x80x128xi32, #tpu.memory_space<hbm>> -> memref<80x128xi32, #tpu.memory_space<hbm>>
      tpu.enqueue_dma source(%dma_start3A_106 : memref<80x128xi32, #tpu.memory_space<hbm>>) target(%arg6 : memref<80x128xi32, #tpu.memory_space<vmem>>) target_semaphore(%run_scoped3A : memref<!tpu.dma_semaphore, #tpu.memory_space<semaphore_mem>>)
      %dma_wait3A_107 = arith.constant 0 : i32
      %dma_wait3A_108 = arith.constant 0 : i32
      %dma_wait3A_109 = tpu.memref_slice %arg3[%add3A, %dma_wait3A_107, %dma_wait3A_108] : memref<32x80x128xi32, #tpu.memory_space<hbm>> -> memref<1x80x128xi32, #tpu.memory_space<hbm>>
      %dma_wait3A_110 = tpu.memref_squeeze %dma_wait3A_109 : memref<1x80x128xi32, #tpu.memory_space<hbm>> -> memref<80x128xi32, #tpu.memory_space<hbm>>
      %dma_wait3A_111 = arith.constant 0 : i32
      %dma_wait3A_112 = arith.constant 0 : i32
      %dma_wait3A_113 = tpu.memref_slice %arg3[%add3A, %dma_wait3A_111, %dma_wait3A_112] : memref<32x80x128xi32, #tpu.memory_space<hbm>> -> memref<1x80x128xi32, #tpu.memory_space<hbm>>
      %dma_wait3A_114 = tpu.memref_squeeze %dma_wait3A_113 : memref<1x80x128xi32, #tpu.memory_space<hbm>> -> memref<80x128xi32, #tpu.memory_space<hbm>>
      tpu.wait_dma2 semaphore(%run_scoped3A : memref<!tpu.dma_semaphore, #tpu.memory_space<semaphore_mem>>) src(%dma_wait3A_114 : memref<80x128xi32, #tpu.memory_space<hbm>>) dst(%arg6 : memref<80x128xi32, #tpu.memory_space<vmem>>)
      tpu.yield
    }) : () -> ()
    "tpu.region"() ({
      %run_scoped3A = tpu.sem_alloc : memref<!tpu.dma_semaphore, #tpu.memory_space<semaphore_mem>>
      %dma_start3A_99 = arith.constant 0 : i32
      %dma_start3A_100 = arith.constant 0 : i32
      %dma_start3A_101 = tpu.memref_slice %arg4[%add3A, %dma_start3A_99, %dma_start3A_100] : memref<32x80x128xi32, #tpu.memory_space<hbm>> -> memref<1x80x128xi32, #tpu.memory_space<hbm>>
      %dma_start3A_102 = tpu.memref_squeeze %dma_start3A_101 : memref<1x80x128xi32, #tpu.memory_space<hbm>> -> memref<80x128xi32, #tpu.memory_space<hbm>>
      %dma_start3A_103 = arith.constant 0 : i32
      %dma_start3A_104 = arith.constant 0 : i32
      %dma_start3A_105 = tpu.memref_slice %arg4[%add3A, %dma_start3A_103, %dma_start3A_104] : memref<32x80x128xi32, #tpu.memory_space<hbm>> -> memref<1x80x128xi32, #tpu.memory_space<hbm>>
      %dma_start3A_106 = tpu.memref_squeeze %dma_start3A_105 : memref<1x80x128xi32, #tpu.memory_space<hbm>> -> memref<80x128xi32, #tpu.memory_space<hbm>>
      tpu.enqueue_dma source(%dma_start3A_106 : memref<80x128xi32, #tpu.memory_space<hbm>>) target(%arg7 : memref<80x128xi32, #tpu.memory_space<vmem>>) target_semaphore(%run_scoped3A : memref<!tpu.dma_semaphore, #tpu.memory_space<semaphore_mem>>)
      %dma_wait3A_107 = arith.constant 0 : i32
      %dma_wait3A_108 = arith.constant 0 : i32
      %dma_wait3A_109 = tpu.memref_slice %arg4[%add3A, %dma_wait3A_107, %dma_wait3A_108] : memref<32x80x128xi32, #tpu.memory_space<hbm>> -> memref<1x80x128xi32, #tpu.memory_space<hbm>>
      %dma_wait3A_110 = tpu.memref_squeeze %dma_wait3A_109 : memref<1x80x128xi32, #tpu.memory_space<hbm>> -> memref<80x128xi32, #tpu.memory_space<hbm>>
      %dma_wait3A_111 = arith.constant 0 : i32
      %dma_wait3A_112 = arith.constant 0 : i32
      %dma_wait3A_113 = tpu.memref_slice %arg4[%add3A, %dma_wait3A_111, %dma_wait3A_112] : memref<32x80x128xi32, #tpu.memory_space<hbm>> -> memref<1x80x128xi32, #tpu.memory_space<hbm>>
      %dma_wait3A_114 = tpu.memref_squeeze %dma_wait3A_113 : memref<1x80x128xi32, #tpu.memory_space<hbm>> -> memref<80x128xi32, #tpu.memory_space<hbm>>
      tpu.wait_dma2 semaphore(%run_scoped3A : memref<!tpu.dma_semaphore, #tpu.memory_space<semaphore_mem>>) src(%dma_wait3A_114 : memref<80x128xi32, #tpu.memory_space<hbm>>) dst(%arg7 : memref<80x128xi32, #tpu.memory_space<vmem>>)
      tpu.yield
    }) : () -> ()
    %barrier3A = arith.constant 0 : index
    tpu.barrier barrier_id(%barrier3A)
    %dma_start3A = arith.constant 0 : i32
    %dma_start3A_5 = arith.constant 0 : i32
    %dma_start3A_6 = arith.constant 0 : i32
    %dma_start3A_7 = tpu.memref_slice %arg8[%dma_start3A_5, %dma_start3A_6] : memref<4x128xf32, #tpu.memory_space<vmem>> -> memref<1x128xf32, #tpu.memory_space<vmem>>
    %dma_start3A_8 = tpu.memref_squeeze %dma_start3A_7 : memref<1x128xf32, #tpu.memory_space<vmem>> -> memref<128xf32, #tpu.memory_space<vmem>>
    %dma_start3A_9 = arith.constant 0 : i32
    %dma_start3A_10 = tpu.memref_slice %arg6[%dma_start3A, %dma_start3A_9] : memref<80x128xi32, #tpu.memory_space<vmem>> -> memref<1x128xi32, #tpu.memory_space<vmem>>
    %dma_start3A_11 = tpu.memref_squeeze %dma_start3A_10 : memref<1x128xi32, #tpu.memory_space<vmem>> -> memref<128xi32, #tpu.memory_space<vmem>>
    %dma_start3A_12 = arith.constant 0 : i32
    %dma_start3A_13 = tpu.memref_slice %arg11[%dma_start3A_12] : memref<10000xf32, #tpu.memory_space<vmem_shared>> -> memref<10000xf32, #tpu.memory_space<vmem_shared>>
    tpu.enqueue_indirect_dma source(%dma_start3A_13 : memref<10000xf32, #tpu.memory_space<vmem_shared>>) target(%dma_start3A_8 : memref<128xf32, #tpu.memory_space<vmem>>) offsets(%dma_start3A_11 : memref<128xi32, #tpu.memory_space<vmem>>) semaphore(%arg12 : memref<!tpu.dma_semaphore, #tpu.memory_space<semaphore_mem>>)
    %dma_start3A_14 = arith.constant 1 : i32
    %dma_start3A_15 = arith.constant 1 : i32
    %dma_start3A_16 = arith.constant 0 : i32
    %dma_start3A_17 = tpu.memref_slice %arg8[%dma_start3A_15, %dma_start3A_16] : memref<4x128xf32, #tpu.memory_space<vmem>> -> memref<1x128xf32, #tpu.memory_space<vmem>>
    %dma_start3A_18 = tpu.memref_squeeze %dma_start3A_17 : memref<1x128xf32, #tpu.memory_space<vmem>> -> memref<128xf32, #tpu.memory_space<vmem>>
    %dma_start3A_19 = arith.constant 0 : i32
    %dma_start3A_20 = tpu.memref_slice %arg6[%dma_start3A_14, %dma_start3A_19] : memref<80x128xi32, #tpu.memory_space<vmem>> -> memref<1x128xi32, #tpu.memory_space<vmem>>
    %dma_start3A_21 = tpu.memref_squeeze %dma_start3A_20 : memref<1x128xi32, #tpu.memory_space<vmem>> -> memref<128xi32, #tpu.memory_space<vmem>>
    %dma_start3A_22 = arith.constant 0 : i32
    %dma_start3A_23 = tpu.memref_slice %arg11[%dma_start3A_22] : memref<10000xf32, #tpu.memory_space<vmem_shared>> -> memref<10000xf32, #tpu.memory_space<vmem_shared>>
    tpu.enqueue_indirect_dma source(%dma_start3A_23 : memref<10000xf32, #tpu.memory_space<vmem_shared>>) target(%dma_start3A_18 : memref<128xf32, #tpu.memory_space<vmem>>) offsets(%dma_start3A_21 : memref<128xi32, #tpu.memory_space<vmem>>) semaphore(%arg13 : memref<!tpu.dma_semaphore, #tpu.memory_space<semaphore_mem>>)
    %dma_start3A_24 = arith.constant 2 : i32
    %dma_start3A_25 = arith.constant 2 : i32
    %dma_start3A_26 = arith.constant 0 : i32
    %dma_start3A_27 = tpu.memref_slice %arg8[%dma_start3A_25, %dma_start3A_26] : memref<4x128xf32, #tpu.memory_space<vmem>> -> memref<1x128xf32, #tpu.memory_space<vmem>>
    %dma_start3A_28 = tpu.memref_squeeze %dma_start3A_27 : memref<1x128xf32, #tpu.memory_space<vmem>> -> memref<128xf32, #tpu.memory_space<vmem>>
    %dma_start3A_29 = arith.constant 0 : i32
    %dma_start3A_30 = tpu.memref_slice %arg6[%dma_start3A_24, %dma_start3A_29] : memref<80x128xi32, #tpu.memory_space<vmem>> -> memref<1x128xi32, #tpu.memory_space<vmem>>
    %dma_start3A_31 = tpu.memref_squeeze %dma_start3A_30 : memref<1x128xi32, #tpu.memory_space<vmem>> -> memref<128xi32, #tpu.memory_space<vmem>>
    %dma_start3A_32 = arith.constant 0 : i32
    %dma_start3A_33 = tpu.memref_slice %arg11[%dma_start3A_32] : memref<10000xf32, #tpu.memory_space<vmem_shared>> -> memref<10000xf32, #tpu.memory_space<vmem_shared>>
    tpu.enqueue_indirect_dma source(%dma_start3A_33 : memref<10000xf32, #tpu.memory_space<vmem_shared>>) target(%dma_start3A_28 : memref<128xf32, #tpu.memory_space<vmem>>) offsets(%dma_start3A_31 : memref<128xi32, #tpu.memory_space<vmem>>) semaphore(%arg14 : memref<!tpu.dma_semaphore, #tpu.memory_space<semaphore_mem>>)
    %dma_start3A_34 = arith.constant 3 : i32
    %dma_start3A_35 = arith.constant 3 : i32
    %dma_start3A_36 = arith.constant 0 : i32
    %dma_start3A_37 = tpu.memref_slice %arg8[%dma_start3A_35, %dma_start3A_36] : memref<4x128xf32, #tpu.memory_space<vmem>> -> memref<1x128xf32, #tpu.memory_space<vmem>>
    %dma_start3A_38 = tpu.memref_squeeze %dma_start3A_37 : memref<1x128xf32, #tpu.memory_space<vmem>> -> memref<128xf32, #tpu.memory_space<vmem>>
    %dma_start3A_39 = arith.constant 0 : i32
    %dma_start3A_40 = tpu.memref_slice %arg6[%dma_start3A_34, %dma_start3A_39] : memref<80x128xi32, #tpu.memory_space<vmem>> -> memref<1x128xi32, #tpu.memory_space<vmem>>
    %dma_start3A_41 = tpu.memref_squeeze %dma_start3A_40 : memref<1x128xi32, #tpu.memory_space<vmem>> -> memref<128xi32, #tpu.memory_space<vmem>>
    %dma_start3A_42 = arith.constant 0 : i32
    %dma_start3A_43 = tpu.memref_slice %arg11[%dma_start3A_42] : memref<10000xf32, #tpu.memory_space<vmem_shared>> -> memref<10000xf32, #tpu.memory_space<vmem_shared>>
    tpu.enqueue_indirect_dma source(%dma_start3A_43 : memref<10000xf32, #tpu.memory_space<vmem_shared>>) target(%dma_start3A_38 : memref<128xf32, #tpu.memory_space<vmem>>) offsets(%dma_start3A_41 : memref<128xi32, #tpu.memory_space<vmem>>) semaphore(%arg15 : memref<!tpu.dma_semaphore, #tpu.memory_space<semaphore_mem>>)
    %scan3A = arith.constant 0 : i32
    %scan3A_44 = arith.constant 20 : i32
    %scan3A_45 = arith.addi %scan3A, %scan3A_44 : i32
    %scan3A_46 = arith.constant 1 : i32
    scf.for %scan3A_99 = %scan3A to %scan3A_45 step %scan3A_46  : i32 {
      %mul3A_100 = arith.constant 4 : i32
      %mul3A_101 = arith.muli %scan3A_99, %mul3A_100 : i32
      %add3A_102 = arith.constant 0 : i32
      %add3A_103 = arith.addi %add3A_102, %mul3A_101 : i32
      %add3A_104 = arith.constant 0 : i32
      %add3A_105 = arith.addi %add3A_103, %add3A_104 : i32
      %dma_wait3A_106 = arith.constant 0 : i32
      %dma_wait3A_107 = arith.constant 0 : i32
      %dma_wait3A_108 = tpu.memref_slice %arg8[%dma_wait3A_106, %dma_wait3A_107] : memref<4x128xf32, #tpu.memory_space<vmem>> -> memref<1x128xf32, #tpu.memory_space<vmem>>
      %dma_wait3A_109 = tpu.memref_squeeze %dma_wait3A_108 : memref<1x128xf32, #tpu.memory_space<vmem>> -> memref<128xf32, #tpu.memory_space<vmem>>
      %dma_wait3A_110 = arith.constant 0 : i32
      %dma_wait3A_111 = tpu.memref_slice %arg6[%add3A_105, %dma_wait3A_110] : memref<80x128xi32, #tpu.memory_space<vmem>> -> memref<1x128xi32, #tpu.memory_space<vmem>>
      %dma_wait3A_112 = tpu.memref_squeeze %dma_wait3A_111 : memref<1x128xi32, #tpu.memory_space<vmem>> -> memref<128xi32, #tpu.memory_space<vmem>>
      %dma_wait3A_113 = arith.constant 0 : i32
      %dma_wait3A_114 = tpu.memref_slice %arg11[%dma_wait3A_113] : memref<10000xf32, #tpu.memory_space<vmem_shared>> -> memref<10000xf32, #tpu.memory_space<vmem_shared>>
      tpu.wait_indirect_dma semaphore(%arg12 : memref<!tpu.dma_semaphore, #tpu.memory_space<semaphore_mem>>) src(%dma_wait3A_114 : memref<10000xf32, #tpu.memory_space<vmem_shared>>) dst(%dma_wait3A_109 : memref<128xf32, #tpu.memory_space<vmem>>)
      %add3A_115 = arith.constant 0 : i32
      %add3A_116 = arith.addi %add3A_103, %add3A_115 : i32
      %dma_start3A_117 = arith.constant 0 : i32
      %dma_start3A_118 = arith.constant 0 : i32
      %dma_start3A_119 = tpu.memref_slice %arg8[%dma_start3A_117, %dma_start3A_118] : memref<4x128xf32, #tpu.memory_space<vmem>> -> memref<1x128xf32, #tpu.memory_space<vmem>>
      %dma_start3A_120 = tpu.memref_squeeze %dma_start3A_119 : memref<1x128xf32, #tpu.memory_space<vmem>> -> memref<128xf32, #tpu.memory_space<vmem>>
      %dma_start3A_121 = arith.constant 0 : i32
      %dma_start3A_122 = tpu.memref_slice %arg7[%add3A_116, %dma_start3A_121] : memref<80x128xi32, #tpu.memory_space<vmem>> -> memref<1x128xi32, #tpu.memory_space<vmem>>
      %dma_start3A_123 = tpu.memref_squeeze %dma_start3A_122 : memref<1x128xi32, #tpu.memory_space<vmem>> -> memref<128xi32, #tpu.memory_space<vmem>>
      %dma_start3A_124 = arith.constant 0 : i32
      %dma_start3A_125 = tpu.memref_slice %arg10[%dma_start3A_124] : memref<10016xf32, #tpu.memory_space<vmem_shared>> -> memref<10016xf32, #tpu.memory_space<vmem_shared>>
      tpu.enqueue_indirect_dma source(%dma_start3A_120 : memref<128xf32, #tpu.memory_space<vmem>>) target(%dma_start3A_125 : memref<10016xf32, #tpu.memory_space<vmem_shared>>) offsets(%dma_start3A_123 : memref<128xi32, #tpu.memory_space<vmem>>) semaphore(%arg16 : memref<!tpu.dma_semaphore, #tpu.memory_space<semaphore_mem>>) {add = true}
      %add3A_126 = arith.constant 0 : i32
      %add3A_127 = arith.addi %add3A_103, %add3A_126 : i32
      %add3A_128 = arith.constant 4 : i32
      %add3A_129 = arith.addi %add3A_127, %add3A_128 : i32
      %lt3A = arith.constant 80 : i32
      %lt3A_130 = arith.cmpi slt, %add3A_129, %lt3A : i32
      %convert_element_type3A_131 = arith.extui %lt3A_130 : i1 to i32
      %cond3A_132 = arith.constant 0 : i32
      %cond3A_133 = arith.cmpi ne, %convert_element_type3A_131, %cond3A_132 : i32
      scf.if %cond3A_133 {
        %dma_wait3A_227 = arith.constant 0 : i32
        %dma_wait3A_228 = arith.constant 0 : i32
        %dma_wait3A_229 = arith.constant 0 : i32
        %dma_wait3A_230 = tpu.memref_slice %arg8[%dma_wait3A_227, %dma_wait3A_229] : memref<4x128xf32, #tpu.memory_space<vmem>> -> memref<1x128xf32, #tpu.memory_space<vmem>>
        %dma_wait3A_231 = tpu.memref_squeeze %dma_wait3A_230 : memref<1x128xf32, #tpu.memory_space<vmem>> -> memref<128xf32, #tpu.memory_space<vmem>>
        %dma_wait3A_232 = arith.constant 0 : i32
        %dma_wait3A_233 = tpu.memref_slice %arg7[%dma_wait3A_228, %dma_wait3A_232] : memref<80x128xi32, #tpu.memory_space<vmem>> -> memref<1x128xi32, #tpu.memory_space<vmem>>
        %dma_wait3A_234 = tpu.memref_squeeze %dma_wait3A_233 : memref<1x128xi32, #tpu.memory_space<vmem>> -> memref<128xi32, #tpu.memory_space<vmem>>
        %dma_wait3A_235 = arith.constant 0 : i32
        %dma_wait3A_236 = tpu.memref_slice %arg10[%dma_wait3A_235] : memref<10016xf32, #tpu.memory_space<vmem_shared>> -> memref<10016xf32, #tpu.memory_space<vmem_shared>>
        tpu.wait_indirect_dma semaphore(%arg16 : memref<!tpu.dma_semaphore, #tpu.memory_space<semaphore_mem>>) src(%dma_wait3A_231 : memref<128xf32, #tpu.memory_space<vmem>>) dst(%dma_wait3A_236 : memref<10016xf32, #tpu.memory_space<vmem_shared>>)
        %add3A_237 = arith.constant 0 : i32
        %add3A_238 = arith.addi %add3A_103, %add3A_237 : i32
        %add3A_239 = arith.constant 4 : i32
        %add3A_240 = arith.addi %add3A_238, %add3A_239 : i32
        %dma_start3A_241 = arith.constant 0 : i32
        %dma_start3A_242 = arith.constant 0 : i32
        %dma_start3A_243 = tpu.memref_slice %arg8[%dma_start3A_241, %dma_start3A_242] : memref<4x128xf32, #tpu.memory_space<vmem>> -> memref<1x128xf32, #tpu.memory_space<vmem>>
        %dma_start3A_244 = tpu.memref_squeeze %dma_start3A_243 : memref<1x128xf32, #tpu.memory_space<vmem>> -> memref<128xf32, #tpu.memory_space<vmem>>
        %dma_start3A_245 = arith.constant 0 : i32
        %dma_start3A_246 = tpu.memref_slice %arg6[%add3A_240, %dma_start3A_245] : memref<80x128xi32, #tpu.memory_space<vmem>> -> memref<1x128xi32, #tpu.memory_space<vmem>>
        %dma_start3A_247 = tpu.memref_squeeze %dma_start3A_246 : memref<1x128xi32, #tpu.memory_space<vmem>> -> memref<128xi32, #tpu.memory_space<vmem>>
        %dma_start3A_248 = arith.constant 0 : i32
        %dma_start3A_249 = tpu.memref_slice %arg11[%dma_start3A_248] : memref<10000xf32, #tpu.memory_space<vmem_shared>> -> memref<10000xf32, #tpu.memory_space<vmem_shared>>
        tpu.enqueue_indirect_dma source(%dma_start3A_249 : memref<10000xf32, #tpu.memory_space<vmem_shared>>) target(%dma_start3A_244 : memref<128xf32, #tpu.memory_space<vmem>>) offsets(%dma_start3A_247 : memref<128xi32, #tpu.memory_space<vmem>>) semaphore(%arg12 : memref<!tpu.dma_semaphore, #tpu.memory_space<semaphore_mem>>)
      } else {
      }
      %add3A_134 = arith.constant 1 : i32
      %add3A_135 = arith.addi %add3A_103, %add3A_134 : i32
      %dma_wait3A_136 = arith.constant 1 : i32
      %dma_wait3A_137 = arith.constant 0 : i32
      %dma_wait3A_138 = tpu.memref_slice %arg8[%dma_wait3A_136, %dma_wait3A_137] : memref<4x128xf32, #tpu.memory_space<vmem>> -> memref<1x128xf32, #tpu.memory_space<vmem>>
      %dma_wait3A_139 = tpu.memref_squeeze %dma_wait3A_138 : memref<1x128xf32, #tpu.memory_space<vmem>> -> memref<128xf32, #tpu.memory_space<vmem>>
      %dma_wait3A_140 = arith.constant 0 : i32
      %dma_wait3A_141 = tpu.memref_slice %arg6[%add3A_135, %dma_wait3A_140] : memref<80x128xi32, #tpu.memory_space<vmem>> -> memref<1x128xi32, #tpu.memory_space<vmem>>
      %dma_wait3A_142 = tpu.memref_squeeze %dma_wait3A_141 : memref<1x128xi32, #tpu.memory_space<vmem>> -> memref<128xi32, #tpu.memory_space<vmem>>
      %dma_wait3A_143 = arith.constant 0 : i32
      %dma_wait3A_144 = tpu.memref_slice %arg11[%dma_wait3A_143] : memref<10000xf32, #tpu.memory_space<vmem_shared>> -> memref<10000xf32, #tpu.memory_space<vmem_shared>>
      tpu.wait_indirect_dma semaphore(%arg13 : memref<!tpu.dma_semaphore, #tpu.memory_space<semaphore_mem>>) src(%dma_wait3A_144 : memref<10000xf32, #tpu.memory_space<vmem_shared>>) dst(%dma_wait3A_139 : memref<128xf32, #tpu.memory_space<vmem>>)
      %add3A_145 = arith.constant 1 : i32
      %add3A_146 = arith.addi %add3A_103, %add3A_145 : i32
      %dma_start3A_147 = arith.constant 1 : i32
      %dma_start3A_148 = arith.constant 0 : i32
      %dma_start3A_149 = tpu.memref_slice %arg8[%dma_start3A_147, %dma_start3A_148] : memref<4x128xf32, #tpu.memory_space<vmem>> -> memref<1x128xf32, #tpu.memory_space<vmem>>
      %dma_start3A_150 = tpu.memref_squeeze %dma_start3A_149 : memref<1x128xf32, #tpu.memory_space<vmem>> -> memref<128xf32, #tpu.memory_space<vmem>>
      %dma_start3A_151 = arith.constant 0 : i32
      %dma_start3A_152 = tpu.memref_slice %arg7[%add3A_146, %dma_start3A_151] : memref<80x128xi32, #tpu.memory_space<vmem>> -> memref<1x128xi32, #tpu.memory_space<vmem>>
      %dma_start3A_153 = tpu.memref_squeeze %dma_start3A_152 : memref<1x128xi32, #tpu.memory_space<vmem>> -> memref<128xi32, #tpu.memory_space<vmem>>
      %dma_start3A_154 = arith.constant 0 : i32
      %dma_start3A_155 = tpu.memref_slice %arg10[%dma_start3A_154] : memref<10016xf32, #tpu.memory_space<vmem_shared>> -> memref<10016xf32, #tpu.memory_space<vmem_shared>>
      tpu.enqueue_indirect_dma source(%dma_start3A_150 : memref<128xf32, #tpu.memory_space<vmem>>) target(%dma_start3A_155 : memref<10016xf32, #tpu.memory_space<vmem_shared>>) offsets(%dma_start3A_153 : memref<128xi32, #tpu.memory_space<vmem>>) semaphore(%arg17 : memref<!tpu.dma_semaphore, #tpu.memory_space<semaphore_mem>>) {add = true}
      %add3A_156 = arith.constant 1 : i32
      %add3A_157 = arith.addi %add3A_103, %add3A_156 : i32
      %add3A_158 = arith.constant 4 : i32
      %add3A_159 = arith.addi %add3A_157, %add3A_158 : i32
      %lt3A_160 = arith.constant 80 : i32
      %lt3A_161 = arith.cmpi slt, %add3A_159, %lt3A_160 : i32
      %convert_element_type3A_162 = arith.extui %lt3A_161 : i1 to i32
      %cond3A_163 = arith.constant 0 : i32
      %cond3A_164 = arith.cmpi ne, %convert_element_type3A_162, %cond3A_163 : i32
      scf.if %cond3A_164 {
        %dma_wait3A_227 = arith.constant 1 : i32
        %dma_wait3A_228 = arith.constant 0 : i32
        %dma_wait3A_229 = arith.constant 0 : i32
        %dma_wait3A_230 = tpu.memref_slice %arg8[%dma_wait3A_227, %dma_wait3A_229] : memref<4x128xf32, #tpu.memory_space<vmem>> -> memref<1x128xf32, #tpu.memory_space<vmem>>
        %dma_wait3A_231 = tpu.memref_squeeze %dma_wait3A_230 : memref<1x128xf32, #tpu.memory_space<vmem>> -> memref<128xf32, #tpu.memory_space<vmem>>
        %dma_wait3A_232 = arith.constant 0 : i32
        %dma_wait3A_233 = tpu.memref_slice %arg7[%dma_wait3A_228, %dma_wait3A_232] : memref<80x128xi32, #tpu.memory_space<vmem>> -> memref<1x128xi32, #tpu.memory_space<vmem>>
        %dma_wait3A_234 = tpu.memref_squeeze %dma_wait3A_233 : memref<1x128xi32, #tpu.memory_space<vmem>> -> memref<128xi32, #tpu.memory_space<vmem>>
        %dma_wait3A_235 = arith.constant 0 : i32
        %dma_wait3A_236 = tpu.memref_slice %arg10[%dma_wait3A_235] : memref<10016xf32, #tpu.memory_space<vmem_shared>> -> memref<10016xf32, #tpu.memory_space<vmem_shared>>
        tpu.wait_indirect_dma semaphore(%arg17 : memref<!tpu.dma_semaphore, #tpu.memory_space<semaphore_mem>>) src(%dma_wait3A_231 : memref<128xf32, #tpu.memory_space<vmem>>) dst(%dma_wait3A_236 : memref<10016xf32, #tpu.memory_space<vmem_shared>>)
        %add3A_237 = arith.constant 1 : i32
        %add3A_238 = arith.addi %add3A_103, %add3A_237 : i32
        %add3A_239 = arith.constant 4 : i32
        %add3A_240 = arith.addi %add3A_238, %add3A_239 : i32
        %dma_start3A_241 = arith.constant 1 : i32
        %dma_start3A_242 = arith.constant 0 : i32
        %dma_start3A_243 = tpu.memref_slice %arg8[%dma_start3A_241, %dma_start3A_242] : memref<4x128xf32, #tpu.memory_space<vmem>> -> memref<1x128xf32, #tpu.memory_space<vmem>>
        %dma_start3A_244 = tpu.memref_squeeze %dma_start3A_243 : memref<1x128xf32, #tpu.memory_space<vmem>> -> memref<128xf32, #tpu.memory_space<vmem>>
        %dma_start3A_245 = arith.constant 0 : i32
        %dma_start3A_246 = tpu.memref_slice %arg6[%add3A_240, %dma_start3A_245] : memref<80x128xi32, #tpu.memory_space<vmem>> -> memref<1x128xi32, #tpu.memory_space<vmem>>
        %dma_start3A_247 = tpu.memref_squeeze %dma_start3A_246 : memref<1x128xi32, #tpu.memory_space<vmem>> -> memref<128xi32, #tpu.memory_space<vmem>>
        %dma_start3A_248 = arith.constant 0 : i32
        %dma_start3A_249 = tpu.memref_slice %arg11[%dma_start3A_248] : memref<10000xf32, #tpu.memory_space<vmem_shared>> -> memref<10000xf32, #tpu.memory_space<vmem_shared>>
        tpu.enqueue_indirect_dma source(%dma_start3A_249 : memref<10000xf32, #tpu.memory_space<vmem_shared>>) target(%dma_start3A_244 : memref<128xf32, #tpu.memory_space<vmem>>) offsets(%dma_start3A_247 : memref<128xi32, #tpu.memory_space<vmem>>) semaphore(%arg13 : memref<!tpu.dma_semaphore, #tpu.memory_space<semaphore_mem>>)
      } else {
      }
      %add3A_165 = arith.constant 2 : i32
      %add3A_166 = arith.addi %add3A_103, %add3A_165 : i32
      %dma_wait3A_167 = arith.constant 2 : i32
      %dma_wait3A_168 = arith.constant 0 : i32
      %dma_wait3A_169 = tpu.memref_slice %arg8[%dma_wait3A_167, %dma_wait3A_168] : memref<4x128xf32, #tpu.memory_space<vmem>> -> memref<1x128xf32, #tpu.memory_space<vmem>>
      %dma_wait3A_170 = tpu.memref_squeeze %dma_wait3A_169 : memref<1x128xf32, #tpu.memory_space<vmem>> -> memref<128xf32, #tpu.memory_space<vmem>>
      %dma_wait3A_171 = arith.constant 0 : i32
      %dma_wait3A_172 = tpu.memref_slice %arg6[%add3A_166, %dma_wait3A_171] : memref<80x128xi32, #tpu.memory_space<vmem>> -> memref<1x128xi32, #tpu.memory_space<vmem>>
      %dma_wait3A_173 = tpu.memref_squeeze %dma_wait3A_172 : memref<1x128xi32, #tpu.memory_space<vmem>> -> memref<128xi32, #tpu.memory_space<vmem>>
      %dma_wait3A_174 = arith.constant 0 : i32
      %dma_wait3A_175 = tpu.memref_slice %arg11[%dma_wait3A_174] : memref<10000xf32, #tpu.memory_space<vmem_shared>> -> memref<10000xf32, #tpu.memory_space<vmem_shared>>
      tpu.wait_indirect_dma semaphore(%arg14 : memref<!tpu.dma_semaphore, #tpu.memory_space<semaphore_mem>>) src(%dma_wait3A_175 : memref<10000xf32, #tpu.memory_space<vmem_shared>>) dst(%dma_wait3A_170 : memref<128xf32, #tpu.memory_space<vmem>>)
      %add3A_176 = arith.constant 2 : i32
      %add3A_177 = arith.addi %add3A_103, %add3A_176 : i32
      %dma_start3A_178 = arith.constant 2 : i32
      %dma_start3A_179 = arith.constant 0 : i32
      %dma_start3A_180 = tpu.memref_slice %arg8[%dma_start3A_178, %dma_start3A_179] : memref<4x128xf32, #tpu.memory_space<vmem>> -> memref<1x128xf32, #tpu.memory_space<vmem>>
      %dma_start3A_181 = tpu.memref_squeeze %dma_start3A_180 : memref<1x128xf32, #tpu.memory_space<vmem>> -> memref<128xf32, #tpu.memory_space<vmem>>
      %dma_start3A_182 = arith.constant 0 : i32
      %dma_start3A_183 = tpu.memref_slice %arg7[%add3A_177, %dma_start3A_182] : memref<80x128xi32, #tpu.memory_space<vmem>> -> memref<1x128xi32, #tpu.memory_space<vmem>>
      %dma_start3A_184 = tpu.memref_squeeze %dma_start3A_183 : memref<1x128xi32, #tpu.memory_space<vmem>> -> memref<128xi32, #tpu.memory_space<vmem>>
      %dma_start3A_185 = arith.constant 0 : i32
      %dma_start3A_186 = tpu.memref_slice %arg10[%dma_start3A_185] : memref<10016xf32, #tpu.memory_space<vmem_shared>> -> memref<10016xf32, #tpu.memory_space<vmem_shared>>
      tpu.enqueue_indirect_dma source(%dma_start3A_181 : memref<128xf32, #tpu.memory_space<vmem>>) target(%dma_start3A_186 : memref<10016xf32, #tpu.memory_space<vmem_shared>>) offsets(%dma_start3A_184 : memref<128xi32, #tpu.memory_space<vmem>>) semaphore(%arg18 : memref<!tpu.dma_semaphore, #tpu.memory_space<semaphore_mem>>) {add = true}
      %add3A_187 = arith.constant 2 : i32
      %add3A_188 = arith.addi %add3A_103, %add3A_187 : i32
      %add3A_189 = arith.constant 4 : i32
      %add3A_190 = arith.addi %add3A_188, %add3A_189 : i32
      %lt3A_191 = arith.constant 80 : i32
      %lt3A_192 = arith.cmpi slt, %add3A_190, %lt3A_191 : i32
      %convert_element_type3A_193 = arith.extui %lt3A_192 : i1 to i32
      %cond3A_194 = arith.constant 0 : i32
      %cond3A_195 = arith.cmpi ne, %convert_element_type3A_193, %cond3A_194 : i32
      scf.if %cond3A_195 {
        %dma_wait3A_227 = arith.constant 2 : i32
        %dma_wait3A_228 = arith.constant 0 : i32
        %dma_wait3A_229 = arith.constant 0 : i32
        %dma_wait3A_230 = tpu.memref_slice %arg8[%dma_wait3A_227, %dma_wait3A_229] : memref<4x128xf32, #tpu.memory_space<vmem>> -> memref<1x128xf32, #tpu.memory_space<vmem>>
        %dma_wait3A_231 = tpu.memref_squeeze %dma_wait3A_230 : memref<1x128xf32, #tpu.memory_space<vmem>> -> memref<128xf32, #tpu.memory_space<vmem>>
        %dma_wait3A_232 = arith.constant 0 : i32
        %dma_wait3A_233 = tpu.memref_slice %arg7[%dma_wait3A_228, %dma_wait3A_232] : memref<80x128xi32, #tpu.memory_space<vmem>> -> memref<1x128xi32, #tpu.memory_space<vmem>>
        %dma_wait3A_234 = tpu.memref_squeeze %dma_wait3A_233 : memref<1x128xi32, #tpu.memory_space<vmem>> -> memref<128xi32, #tpu.memory_space<vmem>>
        %dma_wait3A_235 = arith.constant 0 : i32
        %dma_wait3A_236 = tpu.memref_slice %arg10[%dma_wait3A_235] : memref<10016xf32, #tpu.memory_space<vmem_shared>> -> memref<10016xf32, #tpu.memory_space<vmem_shared>>
        tpu.wait_indirect_dma semaphore(%arg18 : memref<!tpu.dma_semaphore, #tpu.memory_space<semaphore_mem>>) src(%dma_wait3A_231 : memref<128xf32, #tpu.memory_space<vmem>>) dst(%dma_wait3A_236 : memref<10016xf32, #tpu.memory_space<vmem_shared>>)
        %add3A_237 = arith.constant 2 : i32
        %add3A_238 = arith.addi %add3A_103, %add3A_237 : i32
        %add3A_239 = arith.constant 4 : i32
        %add3A_240 = arith.addi %add3A_238, %add3A_239 : i32
        %dma_start3A_241 = arith.constant 2 : i32
        %dma_start3A_242 = arith.constant 0 : i32
        %dma_start3A_243 = tpu.memref_slice %arg8[%dma_start3A_241, %dma_start3A_242] : memref<4x128xf32, #tpu.memory_space<vmem>> -> memref<1x128xf32, #tpu.memory_space<vmem>>
        %dma_start3A_244 = tpu.memref_squeeze %dma_start3A_243 : memref<1x128xf32, #tpu.memory_space<vmem>> -> memref<128xf32, #tpu.memory_space<vmem>>
        %dma_start3A_245 = arith.constant 0 : i32
        %dma_start3A_246 = tpu.memref_slice %arg6[%add3A_240, %dma_start3A_245] : memref<80x128xi32, #tpu.memory_space<vmem>> -> memref<1x128xi32, #tpu.memory_space<vmem>>
        %dma_start3A_247 = tpu.memref_squeeze %dma_start3A_246 : memref<1x128xi32, #tpu.memory_space<vmem>> -> memref<128xi32, #tpu.memory_space<vmem>>
        %dma_start3A_248 = arith.constant 0 : i32
        %dma_start3A_249 = tpu.memref_slice %arg11[%dma_start3A_248] : memref<10000xf32, #tpu.memory_space<vmem_shared>> -> memref<10000xf32, #tpu.memory_space<vmem_shared>>
        tpu.enqueue_indirect_dma source(%dma_start3A_249 : memref<10000xf32, #tpu.memory_space<vmem_shared>>) target(%dma_start3A_244 : memref<128xf32, #tpu.memory_space<vmem>>) offsets(%dma_start3A_247 : memref<128xi32, #tpu.memory_space<vmem>>) semaphore(%arg14 : memref<!tpu.dma_semaphore, #tpu.memory_space<semaphore_mem>>)
      } else {
      }
      %add3A_196 = arith.constant 3 : i32
      %add3A_197 = arith.addi %add3A_103, %add3A_196 : i32
      %dma_wait3A_198 = arith.constant 3 : i32
      %dma_wait3A_199 = arith.constant 0 : i32
      %dma_wait3A_200 = tpu.memref_slice %arg8[%dma_wait3A_198, %dma_wait3A_199] : memref<4x128xf32, #tpu.memory_space<vmem>> -> memref<1x128xf32, #tpu.memory_space<vmem>>
      %dma_wait3A_201 = tpu.memref_squeeze %dma_wait3A_200 : memref<1x128xf32, #tpu.memory_space<vmem>> -> memref<128xf32, #tpu.memory_space<vmem>>
      %dma_wait3A_202 = arith.constant 0 : i32
      %dma_wait3A_203 = tpu.memref_slice %arg6[%add3A_197, %dma_wait3A_202] : memref<80x128xi32, #tpu.memory_space<vmem>> -> memref<1x128xi32, #tpu.memory_space<vmem>>
      %dma_wait3A_204 = tpu.memref_squeeze %dma_wait3A_203 : memref<1x128xi32, #tpu.memory_space<vmem>> -> memref<128xi32, #tpu.memory_space<vmem>>
      %dma_wait3A_205 = arith.constant 0 : i32
      %dma_wait3A_206 = tpu.memref_slice %arg11[%dma_wait3A_205] : memref<10000xf32, #tpu.memory_space<vmem_shared>> -> memref<10000xf32, #tpu.memory_space<vmem_shared>>
      tpu.wait_indirect_dma semaphore(%arg15 : memref<!tpu.dma_semaphore, #tpu.memory_space<semaphore_mem>>) src(%dma_wait3A_206 : memref<10000xf32, #tpu.memory_space<vmem_shared>>) dst(%dma_wait3A_201 : memref<128xf32, #tpu.memory_space<vmem>>)
      %add3A_207 = arith.constant 3 : i32
      %add3A_208 = arith.addi %add3A_103, %add3A_207 : i32
      %dma_start3A_209 = arith.constant 3 : i32
      %dma_start3A_210 = arith.constant 0 : i32
      %dma_start3A_211 = tpu.memref_slice %arg8[%dma_start3A_209, %dma_start3A_210] : memref<4x128xf32, #tpu.memory_space<vmem>> -> memref<1x128xf32, #tpu.memory_space<vmem>>
      %dma_start3A_212 = tpu.memref_squeeze %dma_start3A_211 : memref<1x128xf32, #tpu.memory_space<vmem>> -> memref<128xf32, #tpu.memory_space<vmem>>
      %dma_start3A_213 = arith.constant 0 : i32
      %dma_start3A_214 = tpu.memref_slice %arg7[%add3A_208, %dma_start3A_213] : memref<80x128xi32, #tpu.memory_space<vmem>> -> memref<1x128xi32, #tpu.memory_space<vmem>>
      %dma_start3A_215 = tpu.memref_squeeze %dma_start3A_214 : memref<1x128xi32, #tpu.memory_space<vmem>> -> memref<128xi32, #tpu.memory_space<vmem>>
      %dma_start3A_216 = arith.constant 0 : i32
      %dma_start3A_217 = tpu.memref_slice %arg10[%dma_start3A_216] : memref<10016xf32, #tpu.memory_space<vmem_shared>> -> memref<10016xf32, #tpu.memory_space<vmem_shared>>
      tpu.enqueue_indirect_dma source(%dma_start3A_212 : memref<128xf32, #tpu.memory_space<vmem>>) target(%dma_start3A_217 : memref<10016xf32, #tpu.memory_space<vmem_shared>>) offsets(%dma_start3A_215 : memref<128xi32, #tpu.memory_space<vmem>>) semaphore(%arg19 : memref<!tpu.dma_semaphore, #tpu.memory_space<semaphore_mem>>) {add = true}
      %add3A_218 = arith.constant 3 : i32
      %add3A_219 = arith.addi %add3A_103, %add3A_218 : i32
      %add3A_220 = arith.constant 4 : i32
      %add3A_221 = arith.addi %add3A_219, %add3A_220 : i32
      %lt3A_222 = arith.constant 80 : i32
      %lt3A_223 = arith.cmpi slt, %add3A_221, %lt3A_222 : i32
      %convert_element_type3A_224 = arith.extui %lt3A_223 : i1 to i32
      %cond3A_225 = arith.constant 0 : i32
      %cond3A_226 = arith.cmpi ne, %convert_element_type3A_224, %cond3A_225 : i32
      scf.if %cond3A_226 {
        %dma_wait3A_227 = arith.constant 3 : i32
        %dma_wait3A_228 = arith.constant 0 : i32
        %dma_wait3A_229 = arith.constant 0 : i32
        %dma_wait3A_230 = tpu.memref_slice %arg8[%dma_wait3A_227, %dma_wait3A_229] : memref<4x128xf32, #tpu.memory_space<vmem>> -> memref<1x128xf32, #tpu.memory_space<vmem>>
        %dma_wait3A_231 = tpu.memref_squeeze %dma_wait3A_230 : memref<1x128xf32, #tpu.memory_space<vmem>> -> memref<128xf32, #tpu.memory_space<vmem>>
        %dma_wait3A_232 = arith.constant 0 : i32
        %dma_wait3A_233 = tpu.memref_slice %arg7[%dma_wait3A_228, %dma_wait3A_232] : memref<80x128xi32, #tpu.memory_space<vmem>> -> memref<1x128xi32, #tpu.memory_space<vmem>>
        %dma_wait3A_234 = tpu.memref_squeeze %dma_wait3A_233 : memref<1x128xi32, #tpu.memory_space<vmem>> -> memref<128xi32, #tpu.memory_space<vmem>>
        %dma_wait3A_235 = arith.constant 0 : i32
        %dma_wait3A_236 = tpu.memref_slice %arg10[%dma_wait3A_235] : memref<10016xf32, #tpu.memory_space<vmem_shared>> -> memref<10016xf32, #tpu.memory_space<vmem_shared>>
        tpu.wait_indirect_dma semaphore(%arg19 : memref<!tpu.dma_semaphore, #tpu.memory_space<semaphore_mem>>) src(%dma_wait3A_231 : memref<128xf32, #tpu.memory_space<vmem>>) dst(%dma_wait3A_236 : memref<10016xf32, #tpu.memory_space<vmem_shared>>)
        %add3A_237 = arith.constant 3 : i32
        %add3A_238 = arith.addi %add3A_103, %add3A_237 : i32
        %add3A_239 = arith.constant 4 : i32
        %add3A_240 = arith.addi %add3A_238, %add3A_239 : i32
        %dma_start3A_241 = arith.constant 3 : i32
        %dma_start3A_242 = arith.constant 0 : i32
        %dma_start3A_243 = tpu.memref_slice %arg8[%dma_start3A_241, %dma_start3A_242] : memref<4x128xf32, #tpu.memory_space<vmem>> -> memref<1x128xf32, #tpu.memory_space<vmem>>
        %dma_start3A_244 = tpu.memref_squeeze %dma_start3A_243 : memref<1x128xf32, #tpu.memory_space<vmem>> -> memref<128xf32, #tpu.memory_space<vmem>>
        %dma_start3A_245 = arith.constant 0 : i32
        %dma_start3A_246 = tpu.memref_slice %arg6[%add3A_240, %dma_start3A_245] : memref<80x128xi32, #tpu.memory_space<vmem>> -> memref<1x128xi32, #tpu.memory_space<vmem>>
        %dma_start3A_247 = tpu.memref_squeeze %dma_start3A_246 : memref<1x128xi32, #tpu.memory_space<vmem>> -> memref<128xi32, #tpu.memory_space<vmem>>
        %dma_start3A_248 = arith.constant 0 : i32
        %dma_start3A_249 = tpu.memref_slice %arg11[%dma_start3A_248] : memref<10000xf32, #tpu.memory_space<vmem_shared>> -> memref<10000xf32, #tpu.memory_space<vmem_shared>>
        tpu.enqueue_indirect_dma source(%dma_start3A_249 : memref<10000xf32, #tpu.memory_space<vmem_shared>>) target(%dma_start3A_244 : memref<128xf32, #tpu.memory_space<vmem>>) offsets(%dma_start3A_247 : memref<128xi32, #tpu.memory_space<vmem>>) semaphore(%arg15 : memref<!tpu.dma_semaphore, #tpu.memory_space<semaphore_mem>>)
      } else {
      }
    }
    %scan3A_47 = arith.constant 20 : i32
    %dma_wait3A = arith.constant 0 : i32
    %dma_wait3A_48 = arith.constant 0 : i32
    %dma_wait3A_49 = arith.constant 0 : i32
    %dma_wait3A_50 = tpu.memref_slice %arg8[%dma_wait3A, %dma_wait3A_49] : memref<4x128xf32, #tpu.memory_space<vmem>> -> memref<1x128xf32, #tpu.memory_space<vmem>>
    %dma_wait3A_51 = tpu.memref_squeeze %dma_wait3A_50 : memref<1x128xf32, #tpu.memory_space<vmem>> -> memref<128xf32, #tpu.memory_space<vmem>>
    %dma_wait3A_52 = arith.constant 0 : i32
    %dma_wait3A_53 = tpu.memref_slice %arg7[%dma_wait3A_48, %dma_wait3A_52] : memref<80x128xi32, #tpu.memory_space<vmem>> -> memref<1x128xi32, #tpu.memory_space<vmem>>
    %dma_wait3A_54 = tpu.memref_squeeze %dma_wait3A_53 : memref<1x128xi32, #tpu.memory_space<vmem>> -> memref<128xi32, #tpu.memory_space<vmem>>
    %dma_wait3A_55 = arith.constant 0 : i32
    %dma_wait3A_56 = tpu.memref_slice %arg10[%dma_wait3A_55] : memref<10016xf32, #tpu.memory_space<vmem_shared>> -> memref<10016xf32, #tpu.memory_space<vmem_shared>>
    tpu.wait_indirect_dma semaphore(%arg16 : memref<!tpu.dma_semaphore, #tpu.memory_space<semaphore_mem>>) src(%dma_wait3A_51 : memref<128xf32, #tpu.memory_space<vmem>>) dst(%dma_wait3A_56 : memref<10016xf32, #tpu.memory_space<vmem_shared>>)
    %dma_wait3A_57 = arith.constant 1 : i32
    %dma_wait3A_58 = arith.constant 0 : i32
    %dma_wait3A_59 = arith.constant 0 : i32
    %dma_wait3A_60 = tpu.memref_slice %arg8[%dma_wait3A_57, %dma_wait3A_59] : memref<4x128xf32, #tpu.memory_space<vmem>> -> memref<1x128xf32, #tpu.memory_space<vmem>>
    %dma_wait3A_61 = tpu.memref_squeeze %dma_wait3A_60 : memref<1x128xf32, #tpu.memory_space<vmem>> -> memref<128xf32, #tpu.memory_space<vmem>>
    %dma_wait3A_62 = arith.constant 0 : i32
    %dma_wait3A_63 = tpu.memref_slice %arg7[%dma_wait3A_58, %dma_wait3A_62] : memref<80x128xi32, #tpu.memory_space<vmem>> -> memref<1x128xi32, #tpu.memory_space<vmem>>
    %dma_wait3A_64 = tpu.memref_squeeze %dma_wait3A_63 : memref<1x128xi32, #tpu.memory_space<vmem>> -> memref<128xi32, #tpu.memory_space<vmem>>
    %dma_wait3A_65 = arith.constant 0 : i32
    %dma_wait3A_66 = tpu.memref_slice %arg10[%dma_wait3A_65] : memref<10016xf32, #tpu.memory_space<vmem_shared>> -> memref<10016xf32, #tpu.memory_space<vmem_shared>>
    tpu.wait_indirect_dma semaphore(%arg17 : memref<!tpu.dma_semaphore, #tpu.memory_space<semaphore_mem>>) src(%dma_wait3A_61 : memref<128xf32, #tpu.memory_space<vmem>>) dst(%dma_wait3A_66 : memref<10016xf32, #tpu.memory_space<vmem_shared>>)
    %dma_wait3A_67 = arith.constant 2 : i32
    %dma_wait3A_68 = arith.constant 0 : i32
    %dma_wait3A_69 = arith.constant 0 : i32
    %dma_wait3A_70 = tpu.memref_slice %arg8[%dma_wait3A_67, %dma_wait3A_69] : memref<4x128xf32, #tpu.memory_space<vmem>> -> memref<1x128xf32, #tpu.memory_space<vmem>>
    %dma_wait3A_71 = tpu.memref_squeeze %dma_wait3A_70 : memref<1x128xf32, #tpu.memory_space<vmem>> -> memref<128xf32, #tpu.memory_space<vmem>>
    %dma_wait3A_72 = arith.constant 0 : i32
    %dma_wait3A_73 = tpu.memref_slice %arg7[%dma_wait3A_68, %dma_wait3A_72] : memref<80x128xi32, #tpu.memory_space<vmem>> -> memref<1x128xi32, #tpu.memory_space<vmem>>
    %dma_wait3A_74 = tpu.memref_squeeze %dma_wait3A_73 : memref<1x128xi32, #tpu.memory_space<vmem>> -> memref<128xi32, #tpu.memory_space<vmem>>
    %dma_wait3A_75 = arith.constant 0 : i32
    %dma_wait3A_76 = tpu.memref_slice %arg10[%dma_wait3A_75] : memref<10016xf32, #tpu.memory_space<vmem_shared>> -> memref<10016xf32, #tpu.memory_space<vmem_shared>>
    tpu.wait_indirect_dma semaphore(%arg18 : memref<!tpu.dma_semaphore, #tpu.memory_space<semaphore_mem>>) src(%dma_wait3A_71 : memref<128xf32, #tpu.memory_space<vmem>>) dst(%dma_wait3A_76 : memref<10016xf32, #tpu.memory_space<vmem_shared>>)
    %dma_wait3A_77 = arith.constant 3 : i32
    %dma_wait3A_78 = arith.constant 0 : i32
    %dma_wait3A_79 = arith.constant 0 : i32
    %dma_wait3A_80 = tpu.memref_slice %arg8[%dma_wait3A_77, %dma_wait3A_79] : memref<4x128xf32, #tpu.memory_space<vmem>> -> memref<1x128xf32, #tpu.memory_space<vmem>>
    %dma_wait3A_81 = tpu.memref_squeeze %dma_wait3A_80 : memref<1x128xf32, #tpu.memory_space<vmem>> -> memref<128xf32, #tpu.memory_space<vmem>>
    %dma_wait3A_82 = arith.constant 0 : i32
    %dma_wait3A_83 = tpu.memref_slice %arg7[%dma_wait3A_78, %dma_wait3A_82] : memref<80x128xi32, #tpu.memory_space<vmem>> -> memref<1x128xi32, #tpu.memory_space<vmem>>
    %dma_wait3A_84 = tpu.memref_squeeze %dma_wait3A_83 : memref<1x128xi32, #tpu.memory_space<vmem>> -> memref<128xi32, #tpu.memory_space<vmem>>
    %dma_wait3A_85 = arith.constant 0 : i32
    %dma_wait3A_86 = tpu.memref_slice %arg10[%dma_wait3A_85] : memref<10016xf32, #tpu.memory_space<vmem_shared>> -> memref<10016xf32, #tpu.memory_space<vmem_shared>>
    tpu.wait_indirect_dma semaphore(%arg19 : memref<!tpu.dma_semaphore, #tpu.memory_space<semaphore_mem>>) src(%dma_wait3A_81 : memref<128xf32, #tpu.memory_space<vmem>>) dst(%dma_wait3A_86 : memref<10016xf32, #tpu.memory_space<vmem_shared>>)
    %barrier3A_87 = arith.constant 0 : index
    tpu.barrier barrier_id(%barrier3A_87)
    %mul3A_88 = arith.constant 10000 : i32
    %mul3A_89 = arith.muli %arg0, %mul3A_88 : i32
    %mul3A_90 = arith.constant 624 : i32
    %mul3A_91 = arith.muli %arg1, %mul3A_90 : i32
    %add3A_92 = arith.addi %mul3A_89, %mul3A_91 : i32
    %multiple_of3A_93 = tpu.assume_multiple %add3A_92, 16 : i32
    "tpu.region"() ({
      %run_scoped3A = tpu.sem_alloc : memref<!tpu.dma_semaphore, #tpu.memory_space<semaphore_mem>>
      %dma_start3A_99 = arith.constant 0 : i32
      %dma_start3A_100 = tpu.memref_slice %arg9[%dma_start3A_99] : memref<640xf32, #tpu.memory_space<vmem>> -> memref<624xf32, #tpu.memory_space<vmem>>
      %dma_start3A_101 = tpu.memref_slice %arg10[%multiple_of3A] : memref<10016xf32, #tpu.memory_space<vmem_shared>> -> memref<624xf32, #tpu.memory_space<vmem_shared>>
      %dma_start3A_102 = arith.constant 0 : i32
      %dma_start3A_103 = tpu.memref_slice %arg9[%dma_start3A_102] : memref<640xf32, #tpu.memory_space<vmem>> -> memref<624xf32, #tpu.memory_space<vmem>>
      %dma_start3A_104 = tpu.memref_slice %arg10[%multiple_of3A] : memref<10016xf32, #tpu.memory_space<vmem_shared>> -> memref<624xf32, #tpu.memory_space<vmem_shared>>
      tpu.enqueue_dma source(%dma_start3A_104 : memref<624xf32, #tpu.memory_space<vmem_shared>>) target(%dma_start3A_103 : memref<624xf32, #tpu.memory_space<vmem>>) target_semaphore(%run_scoped3A : memref<!tpu.dma_semaphore, #tpu.memory_space<semaphore_mem>>)
      %dma_wait3A_105 = arith.constant 0 : i32
      %dma_wait3A_106 = tpu.memref_slice %arg9[%dma_wait3A_105] : memref<640xf32, #tpu.memory_space<vmem>> -> memref<624xf32, #tpu.memory_space<vmem>>
      %dma_wait3A_107 = tpu.memref_slice %arg10[%multiple_of3A] : memref<10016xf32, #tpu.memory_space<vmem_shared>> -> memref<624xf32, #tpu.memory_space<vmem_shared>>
      %dma_wait3A_108 = arith.constant 0 : i32
      %dma_wait3A_109 = tpu.memref_slice %arg9[%dma_wait3A_108] : memref<640xf32, #tpu.memory_space<vmem>> -> memref<624xf32, #tpu.memory_space<vmem>>
      %dma_wait3A_110 = tpu.memref_slice %arg10[%multiple_of3A] : memref<10016xf32, #tpu.memory_space<vmem_shared>> -> memref<624xf32, #tpu.memory_space<vmem_shared>>
      tpu.wait_dma2 semaphore(%run_scoped3A : memref<!tpu.dma_semaphore, #tpu.memory_space<semaphore_mem>>) src(%dma_wait3A_110 : memref<624xf32, #tpu.memory_space<vmem_shared>>) dst(%dma_wait3A_109 : memref<624xf32, #tpu.memory_space<vmem>>)
      tpu.yield
    }) : () -> ()
    "tpu.region"() ({
      %run_scoped3A = tpu.sem_alloc : memref<!tpu.dma_semaphore, #tpu.memory_space<semaphore_mem>>
      %dma_start3A_99 = arith.constant 0 : i32
      %dma_start3A_100 = tpu.memref_slice %arg9[%dma_start3A_99] : memref<640xf32, #tpu.memory_space<vmem>> -> memref<624xf32, #tpu.memory_space<vmem>>
      %dma_start3A_101 = tpu.memref_slice %arg5[%multiple_of3A_93] : memref<20000xf32, #tpu.memory_space<hbm>> -> memref<624xf32, #tpu.memory_space<hbm>>
      %dma_start3A_102 = tpu.memref_slice %arg5[%multiple_of3A_93] : memref<20000xf32, #tpu.memory_space<hbm>> -> memref<624xf32, #tpu.memory_space<hbm>>
      %dma_start3A_103 = arith.constant 0 : i32
      %dma_start3A_104 = tpu.memref_slice %arg9[%dma_start3A_103] : memref<640xf32, #tpu.memory_space<vmem>> -> memref<624xf32, #tpu.memory_space<vmem>>
      tpu.enqueue_dma source(%dma_start3A_104 : memref<624xf32, #tpu.memory_space<vmem>>) target(%dma_start3A_102 : memref<624xf32, #tpu.memory_space<hbm>>) target_semaphore(%run_scoped3A : memref<!tpu.dma_semaphore, #tpu.memory_space<semaphore_mem>>)
      %dma_wait3A_105 = arith.constant 0 : i32
      %dma_wait3A_106 = tpu.memref_slice %arg9[%dma_wait3A_105] : memref<640xf32, #tpu.memory_space<vmem>> -> memref<624xf32, #tpu.memory_space<vmem>>
      %dma_wait3A_107 = tpu.memref_slice %arg5[%multiple_of3A_93] : memref<20000xf32, #tpu.memory_space<hbm>> -> memref<624xf32, #tpu.memory_space<hbm>>
      %dma_wait3A_108 = tpu.memref_slice %arg5[%multiple_of3A_93] : memref<20000xf32, #tpu.memory_space<hbm>> -> memref<624xf32, #tpu.memory_space<hbm>>
      %dma_wait3A_109 = arith.constant 0 : i32
      %dma_wait3A_110 = tpu.memref_slice %arg9[%dma_wait3A_109] : memref<640xf32, #tpu.memory_space<vmem>> -> memref<624xf32, #tpu.memory_space<vmem>>
      tpu.wait_dma2 semaphore(%run_scoped3A : memref<!tpu.dma_semaphore, #tpu.memory_space<semaphore_mem>>) src(%dma_wait3A_110 : memref<624xf32, #tpu.memory_space<vmem>>) dst(%dma_wait3A_108 : memref<624xf32, #tpu.memory_space<hbm>>)
      tpu.yield
    }) : () -> ()
    %eq3A_94 = arith.constant 15 : i32
    %eq3A_95 = arith.cmpi eq, %arg1, %eq3A_94 : i32
    %convert_element_type3A_96 = arith.extui %eq3A_95 : i1 to i32
    %cond3A_97 = arith.constant 0 : i32
    %cond3A_98 = arith.cmpi ne, %convert_element_type3A_96, %cond3A_97 : i32
    scf.if %cond3A_98 {
      %mul3A_99 = arith.constant 10000 : i32
      %mul3A_100 = arith.muli %arg0, %mul3A_99 : i32
      %add3A_101 = arith.constant 9984 : i32
      %add3A_102 = arith.addi %mul3A_100, %add3A_101 : i32
      %multiple_of3A_103 = tpu.assume_multiple %add3A_102, 16 : i32
      "tpu.region"() ({
        %run_scoped3A = tpu.sem_alloc : memref<!tpu.dma_semaphore, #tpu.memory_space<semaphore_mem>>
        %dma_start3A_104 = arith.constant 624 : i32
        %dma_start3A_105 = tpu.memref_slice %arg9[%dma_start3A_104] : memref<640xf32, #tpu.memory_space<vmem>> -> memref<16xf32, #tpu.memory_space<vmem>>
        %dma_start3A_106 = arith.constant 9984 : i32
        %dma_start3A_107 = tpu.memref_slice %arg10[%dma_start3A_106] : memref<10016xf32, #tpu.memory_space<vmem_shared>> -> memref<16xf32, #tpu.memory_space<vmem_shared>>
        %dma_start3A_108 = arith.constant 624 : i32
        %dma_start3A_109 = tpu.memref_slice %arg9[%dma_start3A_108] : memref<640xf32, #tpu.memory_space<vmem>> -> memref<16xf32, #tpu.memory_space<vmem>>
        %dma_start3A_110 = arith.constant 9984 : i32
        %dma_start3A_111 = tpu.memref_slice %arg10[%dma_start3A_110] : memref<10016xf32, #tpu.memory_space<vmem_shared>> -> memref<16xf32, #tpu.memory_space<vmem_shared>>
        tpu.enqueue_dma source(%dma_start3A_111 : memref<16xf32, #tpu.memory_space<vmem_shared>>) target(%dma_start3A_109 : memref<16xf32, #tpu.memory_space<vmem>>) target_semaphore(%run_scoped3A : memref<!tpu.dma_semaphore, #tpu.memory_space<semaphore_mem>>)
        %dma_wait3A_112 = arith.constant 624 : i32
        %dma_wait3A_113 = tpu.memref_slice %arg9[%dma_wait3A_112] : memref<640xf32, #tpu.memory_space<vmem>> -> memref<16xf32, #tpu.memory_space<vmem>>
        %dma_wait3A_114 = arith.constant 9984 : i32
        %dma_wait3A_115 = tpu.memref_slice %arg10[%dma_wait3A_114] : memref<10016xf32, #tpu.memory_space<vmem_shared>> -> memref<16xf32, #tpu.memory_space<vmem_shared>>
        %dma_wait3A_116 = arith.constant 624 : i32
        %dma_wait3A_117 = tpu.memref_slice %arg9[%dma_wait3A_116] : memref<640xf32, #tpu.memory_space<vmem>> -> memref<16xf32, #tpu.memory_space<vmem>>
        %dma_wait3A_118 = arith.constant 9984 : i32
        %dma_wait3A_119 = tpu.memref_slice %arg10[%dma_wait3A_118] : memref<10016xf32, #tpu.memory_space<vmem_shared>> -> memref<16xf32, #tpu.memory_space<vmem_shared>>
        tpu.wait_dma2 semaphore(%run_scoped3A : memref<!tpu.dma_semaphore, #tpu.memory_space<semaphore_mem>>) src(%dma_wait3A_119 : memref<16xf32, #tpu.memory_space<vmem_shared>>) dst(%dma_wait3A_117 : memref<16xf32, #tpu.memory_space<vmem>>)
        tpu.yield
      }) : () -> ()
      "tpu.region"() ({
        %run_scoped3A = tpu.sem_alloc : memref<!tpu.dma_semaphore, #tpu.memory_space<semaphore_mem>>
        %dma_start3A_104 = arith.constant 624 : i32
        %dma_start3A_105 = tpu.memref_slice %arg9[%dma_start3A_104] : memref<640xf32, #tpu.memory_space<vmem>> -> memref<16xf32, #tpu.memory_space<vmem>>
        %dma_start3A_106 = tpu.memref_slice %arg5[%multiple_of3A_103] : memref<20000xf32, #tpu.memory_space<hbm>> -> memref<16xf32, #tpu.memory_space<hbm>>
        %dma_start3A_107 = tpu.memref_slice %arg5[%multiple_of3A_103] : memref<20000xf32, #tpu.memory_space<hbm>> -> memref<16xf32, #tpu.memory_space<hbm>>
        %dma_start3A_108 = arith.constant 624 : i32
        %dma_start3A_109 = tpu.memref_slice %arg9[%dma_start3A_108] : memref<640xf32, #tpu.memory_space<vmem>> -> memref<16xf32, #tpu.memory_space<vmem>>
        tpu.enqueue_dma source(%dma_start3A_109 : memref<16xf32, #tpu.memory_space<vmem>>) target(%dma_start3A_107 : memref<16xf32, #tpu.memory_space<hbm>>) target_semaphore(%run_scoped3A : memref<!tpu.dma_semaphore, #tpu.memory_space<semaphore_mem>>)
        %dma_wait3A_110 = arith.constant 624 : i32
        %dma_wait3A_111 = tpu.memref_slice %arg9[%dma_wait3A_110] : memref<640xf32, #tpu.memory_space<vmem>> -> memref<16xf32, #tpu.memory_space<vmem>>
        %dma_wait3A_112 = tpu.memref_slice %arg5[%multiple_of3A_103] : memref<20000xf32, #tpu.memory_space<hbm>> -> memref<16xf32, #tpu.memory_space<hbm>>
        %dma_wait3A_113 = tpu.memref_slice %arg5[%multiple_of3A_103] : memref<20000xf32, #tpu.memory_space<hbm>> -> memref<16xf32, #tpu.memory_space<hbm>>
        %dma_wait3A_114 = arith.constant 624 : i32
        %dma_wait3A_115 = tpu.memref_slice %arg9[%dma_wait3A_114] : memref<640xf32, #tpu.memory_space<vmem>> -> memref<16xf32, #tpu.memory_space<vmem>>
        tpu.wait_dma2 semaphore(%run_scoped3A : memref<!tpu.dma_semaphore, #tpu.memory_space<semaphore_mem>>) src(%dma_wait3A_115 : memref<16xf32, #tpu.memory_space<vmem>>) dst(%dma_wait3A_113 : memref<16xf32, #tpu.memory_space<hbm>>)
        tpu.yield
      }) : () -> ()
    } else {
    }
    return
  }
}

module attributes {stable_mosaic.version = 14 : i64} {
  func.func @_mlp_body(%arg0: i32, %arg1: memref<2000x128xf32, #tpu.memory_space<vmem>>, %arg2: memref<1x2000x128xf32, #tpu.memory_space<vmem>>, %arg3: memref<1x2000x128xf32, #tpu.memory_space<vmem>>, %arg4: memref<128x128xf32, #tpu.memory_space<vmem>>, %arg5: memref<1x128xf32, #tpu.memory_space<vmem>>, %arg6: memref<128x128xf32, #tpu.memory_space<vmem>>, %arg7: memref<1x128xf32, #tpu.memory_space<vmem>>, %arg8: memref<1x128xf32, #tpu.memory_space<vmem>>, %arg9: memref<2000x128xf32, #tpu.memory_space<vmem>>, %arg10: memref<1x1x2000xf32, #tpu.memory_space<vmem>>) attributes {dimension_semantics = [#tpu.dimension_semantics<arbitrary>], iteration_bounds = array<i64: 5>, scalar_prefetch = 0 : i64, scratch_operands = 0 : i64, tpu.core_type = #tpu.core_type<tc>, window_params = [{transform_indices = @transform_0, window_bounds = array<i64: 2000, 128>}, {transform_indices = @transform_1, window_bounds = array<i64: 1, 2000, 128>}, {transform_indices = @transform_2, window_bounds = array<i64: 1, 2000, 128>}, {pipeline_mode = #tpu.pipeline_mode<synchronous>, transform_indices = @transform_3, window_bounds = array<i64: 128, 128>}, {pipeline_mode = #tpu.pipeline_mode<synchronous>, transform_indices = @transform_4, window_bounds = array<i64: 1, 128>}, {pipeline_mode = #tpu.pipeline_mode<synchronous>, transform_indices = @transform_5, window_bounds = array<i64: 128, 128>}, {pipeline_mode = #tpu.pipeline_mode<synchronous>, transform_indices = @transform_6, window_bounds = array<i64: 1, 128>}, {pipeline_mode = #tpu.pipeline_mode<synchronous>, transform_indices = @transform_7, window_bounds = array<i64: 1, 128>}, {transform_indices = @transform_8, window_bounds = array<i64: 2000, 128>}, {transform_indices = @transform_9, window_bounds = array<i64: 1, 1, 2000>}]} {
    %get3A = arith.constant 0 : index
    %get3A_0 = arith.constant 0 : index
    %get3A_1 = vector.load %arg1[%get3A, %get3A_0] : memref<2000x128xf32, #tpu.memory_space<vmem>>, vector<2000x128xf32>
    %get3A_2 = arith.constant 0 : index
    %get3A_3 = arith.constant 0 : index
    %get3A_4 = arith.constant 0 : index
    %get3A_5 = vector.load %arg2[%get3A_2, %get3A_3, %get3A_4] : memref<1x2000x128xf32, #tpu.memory_space<vmem>>, vector<1x2000x128xf32>
    %get3A_6 = vector.shape_cast %get3A_5 : vector<1x2000x128xf32> to vector<2000x128xf32>
    %get3A_7 = arith.constant 0 : index
    %get3A_8 = arith.constant 0 : index
    %get3A_9 = arith.constant 0 : index
    %get3A_10 = vector.load %arg3[%get3A_7, %get3A_8, %get3A_9] : memref<1x2000x128xf32, #tpu.memory_space<vmem>>, vector<1x2000x128xf32>
    %get3A_11 = vector.shape_cast %get3A_10 : vector<1x2000x128xf32> to vector<2000x128xf32>
    %add3A = arith.addf %get3A_6, %get3A_11 : vector<2000x128xf32>
    %sub3A = arith.subf %add3A, %get3A_1 : vector<2000x128xf32>
    %get3A_12 = arith.constant 0 : index
    %get3A_13 = arith.constant 0 : index
    %get3A_14 = vector.load %arg4[%get3A_12, %get3A_13] : memref<128x128xf32, #tpu.memory_space<vmem>>, vector<128x128xf32>
    %convert_element_type3A = arith.truncf %sub3A : vector<2000x128xf32> to vector<2000x128xbf16>
    %convert_element_type3A_15 = arith.extf %convert_element_type3A : vector<2000x128xbf16> to vector<2000x128xf32>
    %sub3A_16 = arith.subf %sub3A, %convert_element_type3A_15 : vector<2000x128xf32>
    %convert_element_type3A_17 = arith.truncf %sub3A_16 : vector<2000x128xf32> to vector<2000x128xbf16>
    %convert_element_type3A_18 = arith.truncf %get3A_14 : vector<128x128xf32> to vector<128x128xbf16>
    %convert_element_type3A_19 = arith.extf %convert_element_type3A_18 : vector<128x128xbf16> to vector<128x128xf32>
    %sub3A_20 = arith.subf %get3A_14, %convert_element_type3A_19 : vector<128x128xf32>
    %convert_element_type3A_21 = arith.truncf %sub3A_20 : vector<128x128xf32> to vector<128x128xbf16>
    %dot_general3A = arith.constant dense<0.000000e+00> : vector<2000x128xf32>
    %dot_general3A_22 = tpu.matmul %convert_element_type3A, %convert_element_type3A_18, %dot_general3A {dimension_numbers = #tpu.dot_dimension_numbers<[1], [0], [0], [1], [0, 0, 1, 1], [], []>, transpose_lhs_hint = false} : vector<2000x128xbf16>, vector<128x128xbf16>, vector<2000x128xf32> -> vector<2000x128xf32>
    %dot_general3A_23 = arith.constant dense<0.000000e+00> : vector<2000x128xf32>
    %dot_general3A_24 = tpu.matmul %convert_element_type3A, %convert_element_type3A_21, %dot_general3A_23 {dimension_numbers = #tpu.dot_dimension_numbers<[1], [0], [0], [1], [0, 0, 1, 1], [], []>, transpose_lhs_hint = false} : vector<2000x128xbf16>, vector<128x128xbf16>, vector<2000x128xf32> -> vector<2000x128xf32>
    %dot_general3A_25 = arith.constant dense<0.000000e+00> : vector<2000x128xf32>
    %dot_general3A_26 = tpu.matmul %convert_element_type3A_17, %convert_element_type3A_18, %dot_general3A_25 {dimension_numbers = #tpu.dot_dimension_numbers<[1], [0], [0], [1], [0, 0, 1, 1], [], []>, transpose_lhs_hint = false} : vector<2000x128xbf16>, vector<128x128xbf16>, vector<2000x128xf32> -> vector<2000x128xf32>
    %add3A_27 = arith.addf %dot_general3A_24, %dot_general3A_26 : vector<2000x128xf32>
    %add3A_28 = arith.addf %dot_general3A_22, %add3A_27 : vector<2000x128xf32>
    %get3A_29 = arith.constant 0 : index
    %get3A_30 = arith.constant 0 : index
    %get3A_31 = vector.load %arg5[%get3A_29, %get3A_30] : memref<1x128xf32, #tpu.memory_space<vmem>>, vector<1x128xf32>
    %add3A_32 = vector.broadcast %get3A_31 : vector<1x128xf32> to vector<2000x128xf32>
    %add3A_33 = arith.addf %add3A_28, %add3A_32 : vector<2000x128xf32>
    %max3A = arith.constant 0.000000e+00 : f32
    %max3A_34 = vector.broadcast %max3A : f32 to vector<2000x128xf32>
    %max3A_35 = arith.maximumf %add3A_33, %max3A_34 : vector<2000x128xf32>
    %get3A_36 = arith.constant 0 : index
    %get3A_37 = arith.constant 0 : index
    %get3A_38 = vector.load %arg6[%get3A_36, %get3A_37] : memref<128x128xf32, #tpu.memory_space<vmem>>, vector<128x128xf32>
    %convert_element_type3A_39 = arith.truncf %max3A_35 : vector<2000x128xf32> to vector<2000x128xbf16>
    %convert_element_type3A_40 = arith.extf %convert_element_type3A_39 : vector<2000x128xbf16> to vector<2000x128xf32>
    %sub3A_41 = arith.subf %max3A_35, %convert_element_type3A_40 : vector<2000x128xf32>
    %convert_element_type3A_42 = arith.truncf %sub3A_41 : vector<2000x128xf32> to vector<2000x128xbf16>
    %convert_element_type3A_43 = arith.truncf %get3A_38 : vector<128x128xf32> to vector<128x128xbf16>
    %convert_element_type3A_44 = arith.extf %convert_element_type3A_43 : vector<128x128xbf16> to vector<128x128xf32>
    %sub3A_45 = arith.subf %get3A_38, %convert_element_type3A_44 : vector<128x128xf32>
    %convert_element_type3A_46 = arith.truncf %sub3A_45 : vector<128x128xf32> to vector<128x128xbf16>
    %dot_general3A_47 = arith.constant dense<0.000000e+00> : vector<2000x128xf32>
    %dot_general3A_48 = tpu.matmul %convert_element_type3A_39, %convert_element_type3A_43, %dot_general3A_47 {dimension_numbers = #tpu.dot_dimension_numbers<[1], [0], [0], [1], [0, 0, 1, 1], [], []>, transpose_lhs_hint = false} : vector<2000x128xbf16>, vector<128x128xbf16>, vector<2000x128xf32> -> vector<2000x128xf32>
    %dot_general3A_49 = arith.constant dense<0.000000e+00> : vector<2000x128xf32>
    %dot_general3A_50 = tpu.matmul %convert_element_type3A_39, %convert_element_type3A_46, %dot_general3A_49 {dimension_numbers = #tpu.dot_dimension_numbers<[1], [0], [0], [1], [0, 0, 1, 1], [], []>, transpose_lhs_hint = false} : vector<2000x128xbf16>, vector<128x128xbf16>, vector<2000x128xf32> -> vector<2000x128xf32>
    %dot_general3A_51 = arith.constant dense<0.000000e+00> : vector<2000x128xf32>
    %dot_general3A_52 = tpu.matmul %convert_element_type3A_42, %convert_element_type3A_43, %dot_general3A_51 {dimension_numbers = #tpu.dot_dimension_numbers<[1], [0], [0], [1], [0, 0, 1, 1], [], []>, transpose_lhs_hint = false} : vector<2000x128xbf16>, vector<128x128xbf16>, vector<2000x128xf32> -> vector<2000x128xf32>
    %add3A_53 = arith.addf %dot_general3A_50, %dot_general3A_52 : vector<2000x128xf32>
    %add3A_54 = arith.addf %dot_general3A_48, %add3A_53 : vector<2000x128xf32>
    %get3A_55 = arith.constant 0 : index
    %get3A_56 = arith.constant 0 : index
    %get3A_57 = vector.load %arg7[%get3A_55, %get3A_56] : memref<1x128xf32, #tpu.memory_space<vmem>>, vector<1x128xf32>
    %add3A_58 = vector.broadcast %get3A_57 : vector<1x128xf32> to vector<2000x128xf32>
    %add3A_59 = arith.addf %add3A_54, %add3A_58 : vector<2000x128xf32>
    %max3A_60 = arith.constant 0.000000e+00 : f32
    %max3A_61 = vector.broadcast %max3A_60 : f32 to vector<2000x128xf32>
    %max3A_62 = arith.maximumf %add3A_59, %max3A_61 : vector<2000x128xf32>
    %swap3A = arith.constant 0 : index
    %swap3A_63 = arith.constant 0 : index
    %swap3A_64 = vector.load %arg9[%swap3A, %swap3A_63] : memref<2000x128xf32, #tpu.memory_space<vmem>>, vector<2000x128xf32>
    tpu.vector_store %arg9[%swap3A, %swap3A_63], %max3A_62 {strides = array<i32>} : memref<2000x128xf32, #tpu.memory_space<vmem>>, vector<2000x128xf32>,
    %get3A_65 = arith.constant 0 : index
    %get3A_66 = arith.constant 0 : index
    %get3A_67 = vector.load %arg8[%get3A_65, %get3A_66] : memref<1x128xf32, #tpu.memory_space<vmem>>, vector<1x128xf32>
    %convert_element_type3A_68 = arith.truncf %get3A_67 : vector<1x128xf32> to vector<1x128xbf16>
    %convert_element_type3A_69 = arith.extf %convert_element_type3A_68 : vector<1x128xbf16> to vector<1x128xf32>
    %sub3A_70 = arith.subf %get3A_67, %convert_element_type3A_69 : vector<1x128xf32>
    %convert_element_type3A_71 = arith.truncf %sub3A_70 : vector<1x128xf32> to vector<1x128xbf16>
    %convert_element_type3A_72 = arith.truncf %max3A_62 : vector<2000x128xf32> to vector<2000x128xbf16>
    %convert_element_type3A_73 = arith.extf %convert_element_type3A_72 : vector<2000x128xbf16> to vector<2000x128xf32>
    %sub3A_74 = arith.subf %max3A_62, %convert_element_type3A_73 : vector<2000x128xf32>
    %convert_element_type3A_75 = arith.truncf %sub3A_74 : vector<2000x128xf32> to vector<2000x128xbf16>
    %dot_general3A_76 = arith.constant dense<0.000000e+00> : vector<1x2000xf32>
    %dot_general3A_77 = tpu.matmul %convert_element_type3A_68, %convert_element_type3A_72, %dot_general3A_76 {dimension_numbers = #tpu.dot_dimension_numbers<[1], [1], [0], [0], [0, 0, 1, 0], [], []>, transpose_lhs_hint = false} : vector<1x128xbf16>, vector<2000x128xbf16>, vector<1x2000xf32> -> vector<1x2000xf32>
    %dot_general3A_78 = arith.constant dense<0.000000e+00> : vector<1x2000xf32>
    %dot_general3A_79 = tpu.matmul %convert_element_type3A_68, %convert_element_type3A_75, %dot_general3A_78 {dimension_numbers = #tpu.dot_dimension_numbers<[1], [1], [0], [0], [0, 0, 1, 0], [], []>, transpose_lhs_hint = false} : vector<1x128xbf16>, vector<2000x128xbf16>, vector<1x2000xf32> -> vector<1x2000xf32>
    %dot_general3A_80 = arith.constant dense<0.000000e+00> : vector<1x2000xf32>
    %dot_general3A_81 = tpu.matmul %convert_element_type3A_71, %convert_element_type3A_72, %dot_general3A_80 {dimension_numbers = #tpu.dot_dimension_numbers<[1], [1], [0], [0], [0, 0, 1, 0], [], []>, transpose_lhs_hint = false} : vector<1x128xbf16>, vector<2000x128xbf16>, vector<1x2000xf32> -> vector<1x2000xf32>
    %add3A_82 = arith.addf %dot_general3A_79, %dot_general3A_81 : vector<1x2000xf32>
    %add3A_83 = arith.addf %dot_general3A_77, %add3A_82 : vector<1x2000xf32>
    %broadcast_in_dim3A = vector.shape_cast %add3A_83 : vector<1x2000xf32> to vector<1x1x2000xf32>
    %swap3A_84 = arith.constant 0 : index
    %swap3A_85 = arith.constant 0 : index
    %swap3A_86 = arith.constant 0 : index
    %swap3A_87 = vector.load %arg10[%swap3A_84, %swap3A_85, %swap3A_86] : memref<1x1x2000xf32, #tpu.memory_space<vmem>>, vector<1x1x2000xf32>
    tpu.vector_store %arg10[%swap3A_84, %swap3A_85, %swap3A_86], %broadcast_in_dim3A {strides = array<i32>} : memref<1x1x2000xf32, #tpu.memory_space<vmem>>, vector<1x1x2000xf32>,
    return
  }
  func.func @transform_0(%arg0: i32) -> (i32, i32) {
    %c0_i32 = arith.constant 0 : i32
    %c0_i32_0 = arith.constant 0 : i32
    return %arg0, %c0_i32 : i32, i32
  }
  func.func @transform_1(%arg0: i32) -> (i32, i32, i32) {
    %c0_i32 = arith.constant 0 : i32
    %c0_i32_0 = arith.constant 0 : i32
    %c0_i32_1 = arith.constant 0 : i32
    return %c0_i32, %arg0, %c0_i32_0 : i32, i32, i32
  }
  func.func @transform_2(%arg0: i32) -> (i32, i32, i32) {
    %c1_i32 = arith.constant 1 : i32
    %c0_i32 = arith.constant 0 : i32
    %c0_i32_0 = arith.constant 0 : i32
    return %c1_i32, %arg0, %c0_i32 : i32, i32, i32
  }
  func.func @transform_3(%arg0: i32) -> (i32, i32) {
    %c0_i32 = arith.constant 0 : i32
    %c0_i32_0 = arith.constant 0 : i32
    %c0_i32_1 = arith.constant 0 : i32
    return %c0_i32, %c0_i32_0 : i32, i32
  }
  func.func @transform_4(%arg0: i32) -> (i32, i32) {
    %c0_i32 = arith.constant 0 : i32
    %c0_i32_0 = arith.constant 0 : i32
    %c0_i32_1 = arith.constant 0 : i32
    return %c0_i32, %c0_i32_0 : i32, i32
  }
  func.func @transform_5(%arg0: i32) -> (i32, i32) {
    %c0_i32 = arith.constant 0 : i32
    %c0_i32_0 = arith.constant 0 : i32
    %c0_i32_1 = arith.constant 0 : i32
    return %c0_i32, %c0_i32_0 : i32, i32
  }
  func.func @transform_6(%arg0: i32) -> (i32, i32) {
    %c0_i32 = arith.constant 0 : i32
    %c0_i32_0 = arith.constant 0 : i32
    %c0_i32_1 = arith.constant 0 : i32
    return %c0_i32, %c0_i32_0 : i32, i32
  }
  func.func @transform_7(%arg0: i32) -> (i32, i32) {
    %c0_i32 = arith.constant 0 : i32
    %c0_i32_0 = arith.constant 0 : i32
    %c0_i32_1 = arith.constant 0 : i32
    return %c0_i32, %c0_i32_0 : i32, i32
  }
  func.func @transform_8(%arg0: i32) -> (i32, i32) {
    %c0_i32 = arith.constant 0 : i32
    %c0_i32_0 = arith.constant 0 : i32
    return %arg0, %c0_i32 : i32, i32
  }
  func.func @transform_9(%arg0: i32) -> (i32, i32, i32) {
    %c0_i32 = arith.constant 0 : i32
    %c0_i32_0 = arith.constant 0 : i32
    %c0_i32_1 = arith.constant 0 : i32
    return %arg0, %c0_i32, %c0_i32_0 : i32, i32, i32
  }
}

module attributes {stable_mosaic.version = 14 : i64} {
  func.func @_out_body(%arg0: i32, %arg1: memref<2000x128xf32, #tpu.memory_space<vmem>>, %arg2: memref<1x1x2000xf32, #tpu.memory_space<vmem>>, %arg3: memref<1x1x2000xf32, #tpu.memory_space<vmem>>, %arg4: memref<1x1x2000xf32, #tpu.memory_space<vmem>>, %arg5: memref<2000x1xi32, #tpu.memory_space<vmem>>, %arg6: memref<1x3xf32, #tpu.memory_space<smem>>, %arg7: memref<2000x128xf32, #tpu.memory_space<vmem>>, %arg8: memref<128x128xf32, #tpu.memory_space<vmem>>, %arg9: memref<128x128xf32, #tpu.memory_space<vmem>>) attributes {dimension_semantics = [#tpu.dimension_semantics<arbitrary>], iteration_bounds = array<i64: 5>, scalar_prefetch = 0 : i64, scratch_operands = 0 : i64, tpu.core_type = #tpu.core_type<tc>, window_params = [{transform_indices = @transform_0, window_bounds = array<i64: 2000, 128>}, {transform_indices = @transform_1, window_bounds = array<i64: 1, 1, 2000>}, {transform_indices = @transform_2, window_bounds = array<i64: 1, 1, 2000>}, {transform_indices = @transform_3, window_bounds = array<i64: 1, 1, 2000>}, {transform_indices = @transform_4, window_bounds = array<i64: 2000, 1>}, {transform_indices = @transform_5, window_bounds = array<i64: 1, 3>}, {transform_indices = @transform_6, window_bounds = array<i64: 2000, 128>}, {pipeline_mode = #tpu.pipeline_mode<synchronous>, transform_indices = @transform_7, window_bounds = array<i64: 128, 128>}, {pipeline_mode = #tpu.pipeline_mode<synchronous>, transform_indices = @transform_8, window_bounds = array<i64: 128, 128>}]} {
    %get3A = arith.constant 0 : index
    %get3A_0 = arith.constant 0 : index
    %get3A_1 = arith.constant 0 : index
    %get3A_2 = vector.load %arg2[%get3A, %get3A_0, %get3A_1] : memref<1x1x2000xf32, #tpu.memory_space<vmem>>, vector<1x1x2000xf32>
    %get3A_3 = vector.shape_cast %get3A_2 : vector<1x1x2000xf32> to vector<1x2000xf32>
    %get3A_4 = arith.constant 0 : index
    %get3A_5 = arith.constant 0 : index
    %get3A_6 = arith.constant 0 : index
    %get3A_7 = vector.load %arg3[%get3A_4, %get3A_5, %get3A_6] : memref<1x1x2000xf32, #tpu.memory_space<vmem>>, vector<1x1x2000xf32>
    %get3A_8 = vector.shape_cast %get3A_7 : vector<1x1x2000xf32> to vector<1x2000xf32>
    %get3A_9 = arith.constant 0 : index
    %get3A_10 = arith.constant 0 : index
    %get3A_11 = arith.constant 0 : index
    %get3A_12 = vector.load %arg4[%get3A_9, %get3A_10, %get3A_11] : memref<1x1x2000xf32, #tpu.memory_space<vmem>>, vector<1x1x2000xf32>
    %get3A_13 = vector.shape_cast %get3A_12 : vector<1x1x2000xf32> to vector<1x2000xf32>
    %add3A = arith.addf %get3A_8, %get3A_13 : vector<1x2000xf32>
    %sub3A = arith.subf %add3A, %get3A_3 : vector<1x2000xf32>
    %get3A_14 = arith.constant 0 : index
    %get3A_15 = arith.constant 0 : index
    %get3A_16 = memref.load %arg6[%get3A_14, %get3A_15] : memref<1x3xf32, #tpu.memory_space<smem>>
    %get3A_17 = arith.constant 0 : index
    %get3A_18 = arith.constant 1 : index
    %get3A_19 = memref.load %arg6[%get3A_17, %get3A_18] : memref<1x3xf32, #tpu.memory_space<smem>>
    %get3A_20 = arith.constant 0 : index
    %get3A_21 = arith.constant 2 : index
    %get3A_22 = memref.load %arg6[%get3A_20, %get3A_21] : memref<1x3xf32, #tpu.memory_space<smem>>
    %add3A_23 = vector.broadcast %get3A_16 : f32 to vector<1x2000xf32>
    %add3A_24 = arith.addf %sub3A, %add3A_23 : vector<1x2000xf32>
    %max3A = arith.constant 0.000000e+00 : f32
    %max3A_25 = vector.broadcast %max3A : f32 to vector<1x2000xf32>
    %max3A_26 = arith.maximumf %add3A_24, %max3A_25 : vector<1x2000xf32>
    %mul3A = vector.broadcast %get3A_19 : f32 to vector<1x2000xf32>
    %mul3A_27 = arith.mulf %max3A_26, %mul3A : vector<1x2000xf32>
    %add3A_28 = vector.broadcast %get3A_22 : f32 to vector<1x2000xf32>
    %add3A_29 = arith.addf %mul3A_27, %add3A_28 : vector<1x2000xf32>
    %neg3A = arith.constant 0.000000e+00 : f32
    %neg3A_30 = vector.broadcast %neg3A : f32 to vector<1x2000xf32>
    %neg3A_31 = arith.subf %neg3A_30, %add3A_29 : vector<1x2000xf32>
    %exp3A = math.exp %neg3A_31 : vector<1x2000xf32>
    %add3A_32 = arith.constant 1.000000e+00 : f32
    %add3A_33 = vector.broadcast %add3A_32 : f32 to vector<1x2000xf32>
    %add3A_34 = arith.addf %add3A_33, %exp3A : vector<1x2000xf32>
    %div3A = arith.constant 1.000000e+00 : f32
    %div3A_35 = vector.broadcast %div3A : f32 to vector<1x2000xf32>
    %div3A_36 = arith.divf %div3A_35, %add3A_34 : vector<1x2000xf32>
    %get3A_37 = arith.constant 0 : index
    %get3A_38 = arith.constant 0 : index
    %get3A_39 = vector.load %arg1[%get3A_37, %get3A_38] : memref<2000x128xf32, #tpu.memory_space<vmem>>, vector<2000x128xf32>
    %reshape3A = vector.shape_cast %div3A_36 : vector<1x2000xf32> to vector<2000x1xf32>
    %mul3A_40 = vector.broadcast %reshape3A : vector<2000x1xf32> to vector<2000x128xf32>
    %mul3A_41 = arith.mulf %mul3A_40, %get3A_39 : vector<2000x128xf32>
    %swap3A = arith.constant 0 : index
    %swap3A_42 = arith.constant 0 : index
    %swap3A_43 = vector.load %arg7[%swap3A, %swap3A_42] : memref<2000x128xf32, #tpu.memory_space<vmem>>, vector<2000x128xf32>
    tpu.vector_store %arg7[%swap3A, %swap3A_42], %mul3A_41 {strides = array<i32>} : memref<2000x128xf32, #tpu.memory_space<vmem>>, vector<2000x128xf32>,
    %get3A_44 = arith.constant 0 : index
    %get3A_45 = arith.constant 0 : index
    %get3A_46 = vector.load %arg5[%get3A_44, %get3A_45] : memref<2000x1xi32, #tpu.memory_space<vmem>>, vector<2000x1xi32>
    %iota3A = tpu.iota {dimensions = array<i32: 1>} : vector<2000x128xi32>
    %eq3A = vector.broadcast %get3A_46 : vector<2000x1xi32> to vector<2000x128xi32>
    %eq3A_47 = arith.cmpi eq, %eq3A, %iota3A : vector<2000x128xi32>
    %convert_element_type3A = arith.extui %eq3A_47 : vector<2000x128xi1> to vector<2000x128xi32>
    %convert_element_type3A_48 = arith.sitofp %convert_element_type3A : vector<2000x128xi32> to vector<2000x128xf32>
    %convert_element_type3A_49 = arith.truncf %convert_element_type3A_48 : vector<2000x128xf32> to vector<2000x128xbf16>
    %convert_element_type3A_50 = arith.truncf %get3A_39 : vector<2000x128xf32> to vector<2000x128xbf16>
    %convert_element_type3A_51 = arith.extf %convert_element_type3A_50 : vector<2000x128xbf16> to vector<2000x128xf32>
    %sub3A_52 = arith.subf %get3A_39, %convert_element_type3A_51 : vector<2000x128xf32>
    %convert_element_type3A_53 = arith.truncf %sub3A_52 : vector<2000x128xf32> to vector<2000x128xbf16>
    %dot_general3A = arith.constant dense<0.000000e+00> : vector<128x128xf32>
    %dot_general3A_54 = tpu.matmul %convert_element_type3A_49, %convert_element_type3A_50, %dot_general3A {dimension_numbers = #tpu.dot_dimension_numbers<[0], [0], [1], [1], [0, 1, 1, 1], [], []>, transpose_lhs_hint = false} : vector<2000x128xbf16>, vector<2000x128xbf16>, vector<128x128xf32> -> vector<128x128xf32>
    %dot_general3A_55 = arith.constant dense<0.000000e+00> : vector<128x128xf32>
    %dot_general3A_56 = tpu.matmul %convert_element_type3A_49, %convert_element_type3A_53, %dot_general3A_55 {dimension_numbers = #tpu.dot_dimension_numbers<[0], [0], [1], [1], [0, 1, 1, 1], [], []>, transpose_lhs_hint = false} : vector<2000x128xbf16>, vector<2000x128xbf16>, vector<128x128xf32> -> vector<128x128xf32>
    %add3A_57 = arith.addf %dot_general3A_54, %dot_general3A_56 : vector<128x128xf32>
    %convert_element_type3A_58 = arith.truncf %mul3A_41 : vector<2000x128xf32> to vector<2000x128xbf16>
    %convert_element_type3A_59 = arith.extf %convert_element_type3A_58 : vector<2000x128xbf16> to vector<2000x128xf32>
    %sub3A_60 = arith.subf %mul3A_41, %convert_element_type3A_59 : vector<2000x128xf32>
    %convert_element_type3A_61 = arith.truncf %sub3A_60 : vector<2000x128xf32> to vector<2000x128xbf16>
    %dot_general3A_62 = arith.constant dense<0.000000e+00> : vector<128x128xf32>
    %dot_general3A_63 = tpu.matmul %convert_element_type3A_49, %convert_element_type3A_58, %dot_general3A_62 {dimension_numbers = #tpu.dot_dimension_numbers<[0], [0], [1], [1], [0, 1, 1, 1], [], []>, transpose_lhs_hint = false} : vector<2000x128xbf16>, vector<2000x128xbf16>, vector<128x128xf32> -> vector<128x128xf32>
    %dot_general3A_64 = arith.constant dense<0.000000e+00> : vector<128x128xf32>
    %dot_general3A_65 = tpu.matmul %convert_element_type3A_49, %convert_element_type3A_61, %dot_general3A_64 {dimension_numbers = #tpu.dot_dimension_numbers<[0], [0], [1], [1], [0, 1, 1, 1], [], []>, transpose_lhs_hint = false} : vector<2000x128xbf16>, vector<2000x128xbf16>, vector<128x128xf32> -> vector<128x128xf32>
    %add3A_66 = arith.addf %dot_general3A_63, %dot_general3A_65 : vector<128x128xf32>
    %eq3A_67 = arith.constant 0 : i32
    %eq3A_68 = arith.cmpi eq, %arg0, %eq3A_67 : i32
    %convert_element_type3A_69 = arith.extui %eq3A_68 : i1 to i32
    %cond3A = arith.constant 0 : i32
    %cond3A_70 = arith.cmpi ne, %convert_element_type3A_69, %cond3A : i32
    scf.if %cond3A_70 {
      %swap3A_75 = arith.constant 0 : index
      %swap3A_76 = arith.constant 0 : index
      %swap3A_77 = vector.load %arg8[%swap3A_75, %swap3A_76] : memref<128x128xf32, #tpu.memory_space<vmem>>, vector<128x128xf32>
      tpu.vector_store %arg8[%swap3A_75, %swap3A_76], %add3A_57 {strides = array<i32>} : memref<128x128xf32, #tpu.memory_space<vmem>>, vector<128x128xf32>,
      %swap3A_78 = arith.constant 0 : index
      %swap3A_79 = arith.constant 0 : index
      %swap3A_80 = vector.load %arg9[%swap3A_78, %swap3A_79] : memref<128x128xf32, #tpu.memory_space<vmem>>, vector<128x128xf32>
      tpu.vector_store %arg9[%swap3A_78, %swap3A_79], %add3A_66 {strides = array<i32>} : memref<128x128xf32, #tpu.memory_space<vmem>>, vector<128x128xf32>,
    } else {
    }
    %ne3A = arith.constant 0 : i32
    %ne3A_71 = arith.cmpi ne, %arg0, %ne3A : i32
    %convert_element_type3A_72 = arith.extui %ne3A_71 : i1 to i32
    %cond3A_73 = arith.constant 0 : i32
    %cond3A_74 = arith.cmpi ne, %convert_element_type3A_72, %cond3A_73 : i32
    scf.if %cond3A_74 {
      %get3A_75 = arith.constant 0 : index
      %get3A_76 = arith.constant 0 : index
      %get3A_77 = vector.load %arg8[%get3A_75, %get3A_76] : memref<128x128xf32, #tpu.memory_space<vmem>>, vector<128x128xf32>
      %add3A_78 = arith.addf %get3A_77, %add3A_57 : vector<128x128xf32>
      %swap3A_79 = arith.constant 0 : index
      %swap3A_80 = arith.constant 0 : index
      %swap3A_81 = vector.load %arg8[%swap3A_79, %swap3A_80] : memref<128x128xf32, #tpu.memory_space<vmem>>, vector<128x128xf32>
      tpu.vector_store %arg8[%swap3A_79, %swap3A_80], %add3A_78 {strides = array<i32>} : memref<128x128xf32, #tpu.memory_space<vmem>>, vector<128x128xf32>,
      %get3A_82 = arith.constant 0 : index
      %get3A_83 = arith.constant 0 : index
      %get3A_84 = vector.load %arg9[%get3A_82, %get3A_83] : memref<128x128xf32, #tpu.memory_space<vmem>>, vector<128x128xf32>
      %add3A_85 = arith.addf %get3A_84, %add3A_66 : vector<128x128xf32>
      %swap3A_86 = arith.constant 0 : index
      %swap3A_87 = arith.constant 0 : index
      %swap3A_88 = vector.load %arg9[%swap3A_86, %swap3A_87] : memref<128x128xf32, #tpu.memory_space<vmem>>, vector<128x128xf32>
      tpu.vector_store %arg9[%swap3A_86, %swap3A_87], %add3A_85 {strides = array<i32>} : memref<128x128xf32, #tpu.memory_space<vmem>>, vector<128x128xf32>,
    } else {
    }
    return
  }
  func.func @transform_0(%arg0: i32) -> (i32, i32) {
    %c0_i32 = arith.constant 0 : i32
    %c0_i32_0 = arith.constant 0 : i32
    return %arg0, %c0_i32 : i32, i32
  }
  func.func @transform_1(%arg0: i32) -> (i32, i32, i32) {
    %c0_i32 = arith.constant 0 : i32
    %c0_i32_0 = arith.constant 0 : i32
    %c0_i32_1 = arith.constant 0 : i32
    return %arg0, %c0_i32, %c0_i32_0 : i32, i32, i32
  }
  func.func @transform_2(%arg0: i32) -> (i32, i32, i32) {
    %c0_i32 = arith.constant 0 : i32
    %c0_i32_0 = arith.constant 0 : i32
    %c0_i32_1 = arith.constant 0 : i32
    return %arg0, %c0_i32, %c0_i32_0 : i32, i32, i32
  }
  func.func @transform_3(%arg0: i32) -> (i32, i32, i32) {
    %add3A = arith.constant 5 : i32
    %add3A_0 = arith.addi %add3A, %arg0 : i32
    %c0_i32 = arith.constant 0 : i32
    %c0_i32_1 = arith.constant 0 : i32
    %c0_i32_2 = arith.constant 0 : i32
    return %add3A_0, %c0_i32, %c0_i32_1 : i32, i32, i32
  }
  func.func @transform_4(%arg0: i32) -> (i32, i32) {
    %c0_i32 = arith.constant 0 : i32
    %c0_i32_0 = arith.constant 0 : i32
    return %arg0, %c0_i32 : i32, i32
  }
  func.func @transform_5(%arg0: i32) -> (i32, i32) {
    %c0_i32 = arith.constant 0 : i32
    %c0_i32_0 = arith.constant 0 : i32
    %c0_i32_1 = arith.constant 0 : i32
    return %c0_i32, %c0_i32_0 : i32, i32
  }
  func.func @transform_6(%arg0: i32) -> (i32, i32) {
    %c0_i32 = arith.constant 0 : i32
    %c0_i32_0 = arith.constant 0 : i32
    return %arg0, %c0_i32 : i32, i32
  }
  func.func @transform_7(%arg0: i32) -> (i32, i32) {
    %c0_i32 = arith.constant 0 : i32
    %c0_i32_0 = arith.constant 0 : i32
    %c0_i32_1 = arith.constant 0 : i32
    return %c0_i32, %c0_i32_0 : i32, i32
  }
  func.func @transform_8(%arg0: i32) -> (i32, i32) {
    %c0_i32 = arith.constant 0 : i32
    %c0_i32_0 = arith.constant 0 : i32
    %c0_i32_1 = arith.constant 0 : i32
    return %c0_i32, %c0_i32_0 : i32, i32
  }
}

</mosaic_0001>

<sc_bundles>
// kernel: kernel.6.cloned.1.call-start
scs
__scs_entry_jumppad:
0x0: {  	(pc) =	sbr.rel $0x88, $3  }
0x1: {  	(tag) =	ssettag $0x0;
	lr =	simm.s32 $0x1  }
0x2: {  	[smem:$0x3F96] =	sst lr;
	_ =	strace $0xD0000000  }
0x3: {  	_ = 	snop  }
0x4: {  	_ = 	snop  }
0x5: {  	_ = 	snop  }
0x6: {  	_ = 	snop  }
0x7: {  	_ = 	snop  }
__scs_overlays_trampoline_lowered:
0x8: {  	[smem:$0x3FA5] =	sst s0  }
0x9: {  	[smem:$0x3FA6] =	sst s1  }
0xa: {  	[smem:$0x3FA7] =	sst s2  }
0xb: {  	[smem:$0x3FA8] =	sst s3  }
0xc: {  	[smem:$0x3FA9] =	sst s4  }
0xd: {  	[smem:$0x3FAA] =	sst s5  }
0xe: {  	[smem:$0x3FAB] =	sst s6  }
0xf: {  	[smem:$0x3FAC] =	sst s7  }
0x10: {  	[smem:$0x3FAD] =	sst s8  }
0x11: {  	[smem:$0x3FAE] =	sst s9;
	s0 =	simm.s32 @!p0 $0x0  }
0x12: {  	s1 =	sld [smem:$0x3F94];
	s0 =	simm.s32 @p0 $0x1  }
0x13: {  	[smem:$0x3FAF] =	sst s0;
	s0 =	simm.s32 @!p1 $0x0  }
0x14: {  	s2 =	sld [smem:$0x3F93];
	s0 =	simm.s32 @p1 $0x1  }
0x15: {  	[smem:$0x3FB0] =	sst s0;
	s0 =	simm.s32 @!p2 $0x0  }
0x16: {  	s3 =	sld [smem:$0x3FDB];
	s0 =	simm.s32 @p2 $0x1  }
0x17: {  	s4 =	simm.s32 $0x1BF5;
	[smem:$0x3FB2] =	sst s0  }
0x18: {  	s0 =	sld [smem:$0x3F95];
	_ =	swait.ge [sflag:s4], $0x0  }
0x19: {  	s7 =	sld [smem:$0x3F96]  }
0x1a: {  	s8 =	sadd.s32 $0xFFFFE003, lr  }
0x1b: {  	s9 =	sadd.s32 $0xFFFFFEF7, lr;
	s5 =	simm.s32 $0xFFFFFFFF;
	p2 =	slt.u32 s8, $0xFFFFF086  }
0x1c: {  	p1 =	slt.u32 s9, $0xF7A;
	s5 =	simm.s32 @!p2 $0x0  }
0x1d: {  	s5 =	simm.s32 @p1 $0x1;
	p0 =	seq.s32 s7, s2  }
0x1e: {  	s7 =	smul.u32 @!p0 $0xF7A, s2;
	p2 =	seq.s32 @!p0 s5, $0x0  }
0x1f: {  	s9 =	smul.u32 $0xF7A, s1;
	s8 =	simm.s32 @!p0 $0x1BF5;
	p2 =	por !p2, p0  }
0x20: {  	[sflag:s8] =	ssyncset.s32 @!p0 $0xFFFFF086;
	s6 =	sadd.s32 @!p0 s3, s7;
	s7 =	simm.s32 @!p0 $0x108  }
0x21: {  	s3 =	sadd.s32 s3, s9;
	s6 =	sadd.s32 @!p0 $0x88, s6;
	s7 =	simm.s32 @p2 $0x1082  }
0x22: {  	[simem:s7], [sflag:s8] =	dma.local @!p0 [hbm:s6], $0xF7A  }
0x23: {  	s9 =	sor.u32 $0xD0000000, s2;
	s6 =	simm.s32 $0x108;
	_ =	swait.ge @!p0 [sflag:s8], $0x0  }
0x24: {  	s3 =	sadd.s32 $0x88, s3;
	s6 =	simm.s32 @!p1 $0x1082;
	[sflag:s4] =	ssyncset.s32 $0xFFFFF086  }
0x25: {  	[simem:s6], [sflag:s4] =	dma.local [hbm:s3], $0xF7A  }
0x26: {  	[smem:$0x3F96] =	sst s1;
	(tag) =	ssettag s2;
	_ =	strace s9  }
0x27: {  	s1 =	sld [smem:$0x3FA6]  }
0x28: {  	s2 =	sld [smem:$0x3FA7]  }
0x29: {  	s4 =	sld [smem:$0x3FA9]  }
0x2a: {  	p0 =	seq.s32 s5, $0x0;
	s5 =	sld [smem:$0x3FAA]  }
0x2b: {  	s6 =	sld [smem:$0x3FAB]  }
0x2c: {  	s7 =	sld [smem:$0x3FAC]  }
0x2d: {  	s3 =	simm.s32 $0x108;
	s8 =	sld [smem:$0x3FAD]  }
0x2e: {  	s3 =	simm.s32 @!p0 $0x1082;
	s9 =	sld [smem:$0x3FAE]  }
0x2f: {  	lr =	sadd.s32 s0, s3;
	s0 =	sld [smem:$0x3FA5]  }
0x30: {  	s3 =	sld [smem:$0x3FA8]  }
0x31: {  	[smem:$0x3FB1] =	sst s10  }
0x32: {  	s10 =	sld [smem:$0x3FAF];
	_ =	sdelay $0x3  }
0x33: {  	p0 =	seq.s32 s10, $0x1;
	s10 =	sld [smem:$0x3FB1];
	_ =	sdelay $0x3  }
0x34: {  	[smem:$0x3FB1] =	sst s10  }
0x35: {  	s10 =	sld [smem:$0x3FB0];
	_ =	sdelay $0x3  }
0x36: {  	p1 =	seq.s32 s10, $0x1;
	s10 =	sld [smem:$0x3FB1];
	_ =	sdelay $0x3  }
0x37: {  	[smem:$0x3FB1] =	sst s10  }
0x38: {  	s10 =	sld [smem:$0x3FB2]  }
0x39: {  	_ = 	snop;
	(pc) =	sbr.ind lr, $3  }
0x3a: {  	_ = 	snop  }
0x3b: {  	_ = 	snop  }
0x3c: {  	p2 =	seq.s32 s10, $0x1;
	s10 =	sld [smem:$0x3FB1]  }
0x3d: {  	_ =	shalt  }
0x3e: {  	_ =	shalt  }
0x3f: {  	_ =	shalt  }
0x40: {  	_ =	shalt  }
0x41: {  	_ =	shalt  }
0x42: {  	_ =	shalt  }
0x43: {  	_ =	shalt  }
0x44: {  	_ =	shalt  }
0x45: {  	_ =	shalt  }
0x46: {  	_ =	shalt  }
0x47: {  	_ =	shalt  }
0x48: {  	_ =	shalt  }
0x49: {  	_ =	shalt  }
0x4a: {  	_ =	shalt  }
0x4b: {  	_ =	shalt  }
0x4c: {  	_ =	shalt  }
0x4d: {  	_ =	shalt  }
0x4e: {  	_ =	shalt  }
0x4f: {  	_ =	shalt  }
0x50: {  	_ =	shalt  }
0x51: {  	_ =	shalt  }
0x52: {  	_ =	shalt  }
0x53: {  	_ =	shalt  }
0x54: {  	_ =	shalt  }
0x55: {  	_ =	shalt  }
0x56: {  	_ =	shalt  }
0x57: {  	_ =	shalt  }
0x58: {  	_ =	shalt  }
0x59: {  	_ =	shalt  }
0x5a: {  	_ =	shalt  }
0x5b: {  	_ =	shalt  }
0x5c: {  	_ =	shalt  }
0x5d: {  	_ =	shalt  }
0x5e: {  	_ =	shalt  }
0x5f: {  	_ =	shalt  }
0x60: {  	_ =	shalt  }
0x61: {  	_ =	shalt  }
0x62: {  	_ =	shalt  }
0x63: {  	_ =	shalt  }
0x64: {  	_ =	shalt  }
0x65: {  	_ =	shalt  }
0x66: {  	_ =	shalt  }
0x67: {  	_ =	shalt  }
0x68: {  	_ =	shalt  }
0x69: {  	_ =	shalt  }
0x6a: {  	_ =	shalt  }
0x6b: {  	_ =	shalt  }
0x6c: {  	_ =	shalt  }
0x6d: {  	_ =	shalt  }
0x6e: {  	_ =	shalt  }
0x6f: {  	_ =	shalt  }
0x70: {  	_ =	shalt  }
0x71: {  	_ =	shalt  }
0x72: {  	_ =	shalt  }
0x73: {  	_ =	shalt  }
0x74: {  	_ =	shalt  }
0x75: {  	_ =	shalt  }
0x76: {  	_ =	shalt  }
0x77: {  	_ =	shalt  }
0x78: {  	_ =	shalt  }
0x79: {  	_ =	shalt  }
0x7a: {  	_ =	shalt  }
0x7b: {  	_ =	shalt  }
0x7c: {  	_ =	shalt  }
0x7d: {  	_ =	shalt  }
0x7e: {  	_ =	shalt  }
0x7f: {  	_ =	shalt  }
0x80: {  	_ =	shalt  }
0x81: {  	_ =	shalt  }
0x82: {  	_ =	shalt  }
0x83: {  	_ =	shalt  }
0x84: {  	_ =	shalt  }
0x85: {  	_ =	shalt  }
0x86: {  	_ =	shalt  }
0x87: {  	_ =	shalt  }
.Lfunc_end0:
.L_simem_size_0:
called_computation_lowered:
.L_overlay_start_0:
0x88: {  	s2 =	sld [smem:$0x3FD9]  }
0x89: {  	s3 =	sld [smem:$0x3FFE];
	_ =	sdelay $0x1  }
0x8a: {  	s1 =	srdreg.scid  }
0x8b: {  	s0 =	sand.u32 $0x1, s1  }
0x8c: {  	s14 =	sshll.u32 s0, $0xA;
	s2 =	sadd.s32 s3, s2  }
0x8d: {  	s2 =	sadd.s32 s2, s14  }
0x8e: {  	[smem:$0x3FBD] =	sst s2  }
0x8f: {  	_ = 	snop  }
0x90: {  	s2 =	sld [smem:$0x3FD0];
	_ =	sdelay $0x2  }
0x91: {  	s4 =	simm.s32 $0xA;
	s5 =	simm.s32 $0x10;
	s15 =	sld [smem:$0x3FC9]  }
0x92: {  	[smem:s5], [sflag:s4] =	dma.local [hbm:s2], $0x1  }
0x93: {  	_ =	swait.eq [sflag:s4], $0x1  }
0x94: {  	[sflag:s4] =	ssyncset.done $0x0  }
0x95: {  	[sflag:s4] =	ssyncadd.s32 $0xFFFFFFFF  }
0x96: {  	s16 =	sld [smem:$0x13];
	(tm) =	ssettm $0x1  }
0x97: {  	s17 =	sld [smem:$0x3FFB];
	_ =	sdelay $0x3  }
0x98: {  	_ =	strace s17  }
0x99: {  	s4 =	sld [smem:$0x3FFC];
	_ =	sdelay $0x3  }
0x9a: {  	_ =	strace s4  }
0x9b: {  	s4 =	sld [smem:$0x3FFD];
	_ =	sdelay $0x3  }
0x9c: {  	_ =	strace s4  }
0x9d: {  	_ =	strace $0x8FFFFFFF  }
0x9e: {  	s18 =	sld [smem:$0x3FDB];
	_ =	sdelay $0x1  }
0x9f: {  	s19 =	simm.s32 $_scs_section_size  }
0xa0: {  	s6 =	simm.s32 $_size__tile_overlayer_lowered;
	s7 =	simm.s32 $_tile_overlayer_lowered  }
0xa1: {  	s22 =	simm.s32 $0x1BFF;
	s21 =	sshll.u32 s7, $0x1;
	s4 =	sadd.s32 s19, s18  }
0xa2: {  	s8 =	simm.s32 $0x0;
	s20 =	sshll.u32 s6, $0x1;
	s6 =	sadd.s32 s21, s4  }
0xa3: {  	[timem:s8], [sflag:s22] =	dma.local [hbm:s6], s20  }
0xa4: {  	_ =	swait.ge [sflag:s22], s20  }
0xa5: {  	s5 =	ssub.s32 $0x0, s20;
	[sflag:s22] =	ssyncset.done $0x0  }
0xa6: {  	[sflag:s22] =	ssyncadd.s32 s5;
	_ =	sdelay $0x1  }
0xa7: {  	s23 =	simm.s32 $0x1B8B  }
0xa8: {  	_ =	swait.ge [sflag:s23], $0x1  }
0xa9: {  	[sflag:s23] =	ssyncset.done $0x0  }
0xaa: {  	s25 =	simm.s32 $0x1B8E;
	s24 =	sld [smem:$0x3FFE];
	[sflag:s23] =	ssyncadd.s32 $0xFFFFFFFF  }
0xab: {  	s26 =	simm.s32 $execute0_lowered;
	[smem:$0x3FD2] =	sst s25  }
0xac: {  	s6 =	sshll.u32 s26, $0x1;
	_ =	strace $0x80000046;
	[dreg:$0x1] =	wrdreg $0xFFFFFFFF  }
0xad: {  	s28 =	simm.s32 $_size_execute0_lowered;
	s4 =	sadd.s32 s4, s6;
	[dreg:$0x0] =	wrdreg $0x0  }
0xae: {  	s6 =	sshll.u32 s28, $0x1;
	[dreg:$0x2] =	wrdreg s4  }
0xaf: {  	[dreg:$0x3] =	wrdreg s6  }
0xb0: {  	[dreg:$0x4] =	wrdreg $0xC0  }
0xb1: {  	_ =	task [dreg:s8], $0x5FFFF  }
0xb2: {  	[dreg:$0x1] =	wrdreg $0xFFFFFFFF  }
0xb3: {  	[dreg:$0x0] =	wrdreg $0x60  }
0xb4: {  	[dreg:$0x2] =	wrdreg s15  }
0xb5: {  	[dreg:$0x3] =	wrdreg s16  }
0xb6: {  	[dreg:$0x4] =	wrdreg s24  }
0xb7: {  	[dreg:$0x5] =	wrdreg $0xA8000  }
0xb8: {  	[dreg:$0x6] =	wrdreg $0x9  }
0xb9: {  	_ =	task.clear_ibuf [dreg:s8], $0x7FFFF;
	_ =	strace $0x90000046  }
0xba: {  	s29 =	simm.s32 $0x9;
	_ =	strace $0x80000048  }
0xbb: {  	_ =	swait.ge [sflag:s29], $0x1  }
0xbc: {  	[sflag:s29] =	ssyncadd.s32 $0xFFFFFFFF  }
0xbd: {  	_ =	strace $0x90000048  }
0xbe: {  	_ =	sfence  }
0xbf: {  	s30 =	sld [smem:$0x0];
	_ =	sdelay $0x2  }
0xc0: {  	s31 =	sshll.u32 s1, $0xD;
	s1 =	sshrl.u32 s1, $0x2  }
0xc1: {  	s3 =	sand.u32 $0x4000, s31;
	s1 =	sadd.s32 s1, s30  }
0xc2: {  	s0 =	sor.u32 s3, s0;
	s1 =	sshll.u32 s1, $0x11  }
0xc3: {  	s0 =	sor.u32 s1, s0  }
0xc4: {  	s0 =	sadd.s32 $0x8F2B, s0  }
0xc5: {  	[sflag:s0] =	ssyncadd.remote.s32 $0x1  }
0xc6: {  	_ =	sfence.sel $0xFFFF  }
0xc7: {  	[dreg:$0x0] =	wrdreg $0xFFFFFFFF;
	(pc) =	sbr.abs _section_cstart, $3  }
0xc8: {  	[dreg:$0x1] =	wrdreg $0xFFFFFFFF  }
0xc9: {  	_ =	task.clear_ibuf [dreg:s8], $0x2FFFF;
	_ =	strace $0x9FFFFFFF  }
0xca: {  	(tm) =	ssettm $0x7FFFFFFF  }
0xcb: {  	_ =	shalt  }
tec
execute0_lowered:
.L_overlay_start_1:
0x0: {  	(tag) =	ssettag $0x1  }
0x1: {  	s1 =	rddreg [dreg:$0x0]  }
0x2: {  	s10 =	rddreg [dreg:$0x1]  }
0x3: {  	s5 =	rddreg [dreg:$0x2]  }
0x4: {  	s2 =	rddreg [dreg:$0x3];
	s4 =	simm.s32 $0x0;
	s6 =	srdreg.scid  }
0x5: {  	s3 =	stileid.u32;
	s19 =	simm.s32 $0x80;
	s20 =	simm.s32 $0x2800  }
0x6: {  	s21 =	simm.s32 $0x6800;
	s22 =	simm.s32 $0x1;
	s23 =	simm.s32 $0x3  }
0x7: {  	s28 =	simm.s32 $0x2780;
	s29 =	simm.s32 $0x0;
	[smem:$0x7FF] =	sst s4  }
0x8: {  	s8 =	sand.u32 $0x1, s6;
	s7 =	smul.u32 $0x4E000, s3;
	s11 =	sadd.s32 $0x1600, s5  }
0x9: {  	s12 =	sadd.s32 $0xB600, s5;
	s13 =	smul.u32 $0x13800, s3;
	s30 =	sshll.u32 s3, $0x6  }
0xa: {  	s17 =	sadd.s32 $0x138000, s2;
	p0 =	sne.s32 s3, $0xF;
	_ =	strace $0x80000047  }
0xb: {  	s6 =	ssub.s32 $0x2, s8;
	s9 =	sshll.u32 s8, $0x4;
	s18 =	smul.u32 $0x138800, s8  }
0xc: {  	s17 =	sshrl.u32 @!p0 s17, $0x3;
	s24 =	sshrl.u32 s6, $0x1;
	s7 =	sshrl.u32 s7, $0x2  }
0xd: {  	s25 =	sor.u32 s3, s9;
	s26 =	sshrl.u32 s13, $0x3;
	s14 =	ssub.s32 s6, s24  }
0xe: {  	s15 =	sadd.s32 s7, s2;
	s9 =	smul.u32 $0x2800, s25;
	s5 =	sadd.s32 s1, s26  }
0xf: {  	s6 =	sor.u32 $0x1C05, s30;
	s7 =	sadd.s32 $0x27000, s1;
	s13 =	sadd.s32 s13, s18  }
0x10: {  	s18 =	sshrl.u32 s18, $0x3;
	s24 =	simm.s32 $0x2;
	s25 =	simm.s32 $0x4  }
0x11: {  	s26 =	simm.s32 $0x2700;
	s13 =	sshrl.u32 s13, $0x3;
	s31 =	sadd.s32 s12, s18  }
0x12: {  	s14 =	smax.u32 s14, $0x1;
	s15 =	sshrl.u32 s15, $0x3;
	s18 =	simm.s32 $0x1400  }
0x13: {  	s16 =	sshrl.u32 s9, $0x3;
	s12 =	sadd.s32 s12, s13;
	s13 =	sadd.s32 $0x27000, s31  }
0x14: {  	s8 =	sadd.s32 s10, s16;
	s9 =	sadd.s32 s11, s16;
	s16 =	sadd.s32 $0x280, s16  }
0x15: {  	s10 =	sadd.s32 s10, s16;
	s11 =	sadd.s32 s11, s16;
	s16 =	simm.s32 $0x5  }
.LBB2_1:
0x16: {  	[spmem:s15], [sflag:s6] =	dma.local [hbm:s5], $0x2700  }
0x17: {  	_ =	swait.ge [sflag:s16], $0x2700  }
0x18: {  	[sflag:s16] =	ssyncset.done $0x0  }
0x19: {  	s30 =	simm.s32 @!p0 $0x5;
	[sflag:s16] =	ssyncadd.s32 $0xFFFFD900  }
0x1a: {  	[spmem:s17], [sflag:s6] =	dma.local @!p0 [hbm:s7], $0x100  }
0x1b: {  	_ =	swait.ge @!p0 [sflag:s30], $0x100  }
0x1c: {  	[sflag:s30] =	ssyncset.done @!p0 $0x0  }
0x1d: {  	[sflag:s30] =	ssyncadd.s32 @!p0 $0xFFFFFF00  }
0x1e: {  	[bflag:$0x0] =	sbarrier.arrive $0xFFFF  }
0x1f: {  	[tilespmem:s4], [sflag:$0x5] =	stream.linear.gather [hbm4b:s8+s4], $0x1400, $0x38;
	[tilespmem:$0x1E100] =	vst v63  }
0x20: {  	_ =	swait.ge [sflag:s16], $0x1400  }
0x21: {  	[sflag:s16] =	ssyncset.done $0x0  }
0x22: {  	[sflag:s16] =	ssyncadd.s32 $0xFFFFEC00  }
0x23: {  	[tilespmem:s18], [sflag:$0x5] =	stream.linear.gather [hbm4b:s9+s4], $0x1400, $0x38;
	[tilespmem:$0x1E100] =	vst v63  }
0x24: {  	_ =	swait.ge [sflag:s16], $0x1400  }
0x25: {  	[sflag:s16] =	ssyncset.done $0x0  }
0x26: {  	[sflag:s16] =	ssyncadd.s32 $0xFFFFEC00  }
0x27: {  	[tilespmem:s20], [sflag:$0x1] =	stream.indirect.gather [hbm4b:s1+s19], $0x80, s4, s19, $0xb8;
	[tilespmem:$0x1E100] =	vst v63  }
0x28: {  	_ = 	snop  }
0x29: {  	[tilespmem:s21], [sflag:$0x2] =	stream.indirect.gather [hbm4b:s1+s19], $0x80, s19, s19, $0xb8;
	[tilespmem:$0x1E100] =	vst v63  }
0x2a: {  	_ =	swait.ge [sflag:s22], $0x4000  }
0x2b: {  	[sflag:s22] =	ssyncset.done $0x0  }
0x2c: {  	s30 =	simm.s32 $0x1400;
	[sflag:s22] =	ssyncadd.s32 $0xFFFFC000  }
0x2d: {  	[spmem:s2] =	stream.indirect.scatter.add.f32 [tilespmem:s20], [sflag:$0x3], $0x80, s30, s19, $0xb8;
	[tilespmem:$0x1E100] =	vst v63  }
0x2e: {  	_ =	swait.ge [sflag:s23], $0x4000  }
0x2f: {  	[sflag:s23] =	ssyncset.done $0x0  }
0x30: {  	s30 =	simm.s32 $0x100;
	[sflag:s23] =	ssyncadd.s32 $0xFFFFC000  }
0x31: {  	[tilespmem:s20], [sflag:$0x1] =	stream.indirect.gather [hbm4b:s1+s19], $0x80, s30, s19, $0xb8;
	[tilespmem:$0x1E100] =	vst v63  }
0x32: {  	_ =	swait.ge [sflag:s24], $0x4000  }
0x33: {  	[sflag:s24] =	ssyncset.done $0x0  }
0x34: {  	s30 =	simm.s32 $0x1480;
	[sflag:s24] =	ssyncadd.s32 $0xFFFFC000  }
0x35: {  	[spmem:s2] =	stream.indirect.scatter.add.f32 [tilespmem:s21], [sflag:$0x4], $0x80, s30, s19, $0xb8;
	[tilespmem:$0x1E100] =	vst v63  }
0x36: {  	_ =	swait.ge [sflag:s25], $0x4000  }
0x37: {  	[sflag:s25] =	ssyncset.done $0x0  }
0x38: {  	s31 =	simm.s32 $0x180;
	s30 =	simm.s32 $0x400;
	[sflag:s25] =	ssyncadd.s32 $0xFFFFC000  }
.LBB2_2:
0x39: {  	[tilespmem:s21], [sflag:$0x2] =	stream.indirect.gather [hbm4b:s1+s19], $0x80, s31, s19, $0xb8;
	[tilespmem:$0x1E100] =	vst v63  }
0x3a: {  	s31 =	smov.u32 s30  }
0x3b: {  	p1 =	sne.s32 s30, $0x4800;
	s30 =	sadd.s32 $0x400, s30;
	_ =	swait.ge [sflag:s22], $0x4000  }
0x3c: {  	s31 =	sshra.s32 s31, $0x2;
	[sflag:s22] =	ssyncset.done $0x0  }
0x3d: {  	s0 =	sadd.s32 $0x1400, s31;
	[sflag:s22] =	ssyncadd.s32 $0xFFFFC000  }
0x3e: {  	[spmem:s2] =	stream.indirect.scatter.add.f32 [tilespmem:s20], [sflag:$0x3], $0x80, s0, s19, $0xb8;
	[tilespmem:$0x1E100] =	vst v63  }
0x3f: {  	_ =	swait.ge [sflag:s23], $0x4000  }
0x40: {  	[sflag:s23] =	ssyncset.done $0x0  }
0x41: {  	s0 =	sadd.s32 $0x100, s31;
	[sflag:s23] =	ssyncadd.s32 $0xFFFFC000  }
0x42: {  	[tilespmem:s20], [sflag:$0x1] =	stream.indirect.gather [hbm4b:s1+s19], $0x80, s0, s19, $0xb8;
	[tilespmem:$0x1E100] =	vst v63  }
0x43: {  	_ =	swait.ge [sflag:s24], $0x4000  }
0x44: {  	[sflag:s24] =	ssyncset.done $0x0  }
.Ltmp0:
0x45: {  	s0 =	sadd.s32 $0x1480, s31;
	[sflag:s24] =	ssyncadd.s32 $0xFFFFC000;
	(pc) =	sbr.rel @p1 .LBB2_2-.Ltmp0, $4  }
0x46: {  	[spmem:s2] =	stream.indirect.scatter.add.f32 [tilespmem:s21], [sflag:$0x4], $0x80, s0, s19, $0xb8;
	[tilespmem:$0x1E100] =	vst v63  }
0x47: {  	_ =	swait.ge [sflag:s25], $0x4000  }
0x48: {  	[sflag:s25] =	ssyncset.done $0x0  }
0x49: {  	s31 =	sadd.s32 $0x180, s31;
	[sflag:s25] =	ssyncadd.s32 $0xFFFFC000  }
0x4a: {  	[tilespmem:s21], [sflag:$0x2] =	stream.indirect.gather [hbm4b:s1+s19], $0x80, s31, s19, $0xb8;
	[tilespmem:$0x1E100] =	vst v63  }
0x4b: {  	_ =	swait.ge [sflag:s22], $0x4000  }
0x4c: {  	[sflag:s22] =	ssyncset.done $0x0  }
0x4d: {  	[sflag:s22] =	ssyncadd.s32 $0xFFFFC000  }
0x4e: {  	[spmem:s2] =	stream.indirect.scatter.add.f32 [tilespmem:s20], [sflag:$0x3], $0x80, s26, s19, $0xb8;
	[tilespmem:$0x1E100] =	vst v63  }
0x4f: {  	_ =	swait.ge [sflag:s24], $0x4000  }
0x50: {  	[sflag:s24] =	ssyncset.done $0x0  }
0x51: {  	[sflag:s24] =	ssyncadd.s32 $0xFFFFC000  }
0x52: {  	[spmem:s2] =	stream.indirect.scatter.add.f32 [tilespmem:s21], [sflag:$0x4], $0x80, s28, s19, $0xb8;
	[tilespmem:$0x1E100] =	vst v63  }
0x53: {  	_ =	swait.ge [sflag:s23], $0x4000  }
0x54: {  	[sflag:s23] =	ssyncset.done $0x0  }
0x55: {  	[sflag:s23] =	ssyncadd.s32 $0xFFFFC000  }
0x56: {  	_ =	swait.ge [sflag:s25], $0x4000  }
0x57: {  	[sflag:s25] =	ssyncset.done $0x0  }
0x58: {  	s0 =	simm.s32 $0x0;
	[sflag:s25] =	ssyncadd.s32 $0xFFFFC000  }
0x59: {  	[tilespmem:s0], [sflag:$0x5] =	stream.linear.gather [hbm4b:s10+s0], $0x1400, $0x38;
	[tilespmem:$0x1E100] =	vst v63  }
0x5a: {  	_ =	swait.ge [sflag:s16], $0x1400  }
0x5b: {  	[sflag:s16] =	ssyncset.done $0x0  }
0x5c: {  	[sflag:s16] =	ssyncadd.s32 $0xFFFFEC00  }
0x5d: {  	[tilespmem:s18], [sflag:$0x5] =	stream.linear.gather [hbm4b:s11+s0], $0x1400, $0x38;
	[tilespmem:$0x1E100] =	vst v63  }
0x5e: {  	_ =	swait.ge [sflag:s16], $0x1400  }
0x5f: {  	[sflag:s16] =	ssyncset.done $0x0  }
0x60: {  	[sflag:s16] =	ssyncadd.s32 $0xFFFFEC00  }
0x61: {  	[tilespmem:s20], [sflag:$0x1] =	stream.indirect.gather [hbm4b:s1+s19], $0x80, s0, s19, $0xb8;
	[tilespmem:$0x1E100] =	vst v63  }
0x62: {  	_ = 	snop  }
0x63: {  	[tilespmem:s21], [sflag:$0x2] =	stream.indirect.gather [hbm4b:s1+s19], $0x80, s19, s19, $0xb8;
	[tilespmem:$0x1E100] =	vst v63  }
0x64: {  	_ =	swait.ge [sflag:s22], $0x4000  }
0x65: {  	[sflag:s22] =	ssyncset.done $0x0  }
0x66: {  	s0 =	simm.s32 $0x1400;
	[sflag:s22] =	ssyncadd.s32 $0xFFFFC000  }
0x67: {  	[spmem:s2] =	stream.indirect.scatter.add.f32 [tilespmem:s20], [sflag:$0x3], $0x80, s0, s19, $0xb8;
	[tilespmem:$0x1E100] =	vst v63  }
0x68: {  	_ =	swait.ge [sflag:s23], $0x4000  }
0x69: {  	[sflag:s23] =	ssyncset.done $0x0  }
0x6a: {  	s0 =	simm.s32 $0x100;
	[sflag:s23] =	ssyncadd.s32 $0xFFFFC000  }
0x6b: {  	[tilespmem:s20], [sflag:$0x1] =	stream.indirect.gather [hbm4b:s1+s19], $0x80, s0, s19, $0xb8;
	[tilespmem:$0x1E100] =	vst v63  }
0x6c: {  	_ =	swait.ge [sflag:s24], $0x4000  }
0x6d: {  	[sflag:s24] =	ssyncset.done $0x0  }
0x6e: {  	s0 =	simm.s32 $0x1480;
	[sflag:s24] =	ssyncadd.s32 $0xFFFFC000  }
0x6f: {  	[spmem:s2] =	stream.indirect.scatter.add.f32 [tilespmem:s21], [sflag:$0x4], $0x80, s0, s19, $0xb8;
	[tilespmem:$0x1E100] =	vst v63  }
0x70: {  	_ =	swait.ge [sflag:s25], $0x4000  }
0x71: {  	[sflag:s25] =	ssyncset.done $0x0  }
0x72: {  	s30 =	simm.s32 $0x400;
	s31 =	simm.s32 $0x180;
	[sflag:s25] =	ssyncadd.s32 $0xFFFFC000  }
.LBB2_4:
0x73: {  	[tilespmem:s21], [sflag:$0x2] =	stream.indirect.gather [hbm4b:s1+s19], $0x80, s31, s19, $0xb8;
	[tilespmem:$0x1E100] =	vst v63  }
0x74: {  	s0 =	smov.u32 s30  }
0x75: {  	p1 =	sne.s32 s30, $0x4800;
	s30 =	sadd.s32 $0x400, s30;
	_ =	swait.ge [sflag:s22], $0x4000  }
0x76: {  	s0 =	sshra.s32 s0, $0x2;
	[sflag:s22] =	ssyncset.done $0x0  }
0x77: {  	s31 =	sadd.s32 $0x1400, s0;
	[sflag:s22] =	ssyncadd.s32 $0xFFFFC000  }
0x78: {  	[spmem:s2] =	stream.indirect.scatter.add.f32 [tilespmem:s20], [sflag:$0x3], $0x80, s31, s19, $0xb8;
	[tilespmem:$0x1E100] =	vst v63  }
0x79: {  	_ =	swait.ge [sflag:s23], $0x4000  }
0x7a: {  	[sflag:s23] =	ssyncset.done $0x0  }
0x7b: {  	s31 =	sadd.s32 $0x100, s0;
	[sflag:s23] =	ssyncadd.s32 $0xFFFFC000  }
0x7c: {  	[tilespmem:s20], [sflag:$0x1] =	stream.indirect.gather [hbm4b:s1+s19], $0x80, s31, s19, $0xb8;
	[tilespmem:$0x1E100] =	vst v63  }
0x7d: {  	_ =	swait.ge [sflag:s24], $0x4000  }
0x7e: {  	[sflag:s24] =	ssyncset.done $0x0  }
.Ltmp1:
0x7f: {  	s31 =	sadd.s32 $0x1480, s0;
	[sflag:s24] =	ssyncadd.s32 $0xFFFFC000;
	(pc) =	sbr.rel @p1 .LBB2_4-.Ltmp1, $4  }
0x80: {  	[spmem:s2] =	stream.indirect.scatter.add.f32 [tilespmem:s21], [sflag:$0x4], $0x80, s31, s19, $0xb8;
	[tilespmem:$0x1E100] =	vst v63  }
0x81: {  	_ =	swait.ge [sflag:s25], $0x4000  }
0x82: {  	[sflag:s25] =	ssyncset.done $0x0  }
0x83: {  	s31 =	sadd.s32 $0x180, s0;
	[sflag:s25] =	ssyncadd.s32 $0xFFFFC000  }
0x84: {  	[tilespmem:s21], [sflag:$0x2] =	stream.indirect.gather [hbm4b:s1+s19], $0x80, s31, s19, $0xb8;
	[tilespmem:$0x1E100] =	vst v63  }
0x85: {  	_ =	swait.ge [sflag:s22], $0x4000  }
0x86: {  	[sflag:s22] =	ssyncset.done $0x0  }
0x87: {  	[sflag:s22] =	ssyncadd.s32 $0xFFFFC000  }
0x88: {  	[spmem:s2] =	stream.indirect.scatter.add.f32 [tilespmem:s20], [sflag:$0x3], $0x80, s26, s19, $0xb8;
	[tilespmem:$0x1E100] =	vst v63  }
0x89: {  	_ =	swait.ge [sflag:s24], $0x4000  }
0x8a: {  	[sflag:s24] =	ssyncset.done $0x0  }
0x8b: {  	[sflag:s24] =	ssyncadd.s32 $0xFFFFC000  }
0x8c: {  	[spmem:s2] =	stream.indirect.scatter.add.f32 [tilespmem:s21], [sflag:$0x4], $0x80, s28, s19, $0xb8;
	[tilespmem:$0x1E100] =	vst v63  }
0x8d: {  	_ =	swait.ge [sflag:s23], $0x4000  }
0x8e: {  	[sflag:s23] =	ssyncset.done $0x0  }
0x8f: {  	[sflag:s23] =	ssyncadd.s32 $0xFFFFC000  }
0x90: {  	_ =	swait.ge [sflag:s25], $0x4000  }
0x91: {  	[sflag:s25] =	ssyncset.done $0x0  }
0x92: {  	[sflag:s25] =	ssyncadd.s32 $0xFFFFC000  }
0x93: {  	[bflag:$0x0] =	sbarrier.arrive $0xFFFF  }
0x94: {  	[hbm:s12], [sflag:s6] =	dma.local [spmem:s15], $0x2700  }
0x95: {  	s29 =	sadd.s32 $0x1, s29;
	_ =	swait.ge [sflag:s16], $0x2700  }
0x96: {  	p1 =	sne.s32 s29, s14;
	[sflag:s16] =	ssyncset.done $0x0  }
.Ltmp2:
0x97: {  	s0 =	simm.s32 @!p0 $0x5;
	[sflag:s16] =	ssyncadd.s32 $0xFFFFD900;
	(pc) =	sbr.rel @p1 .LBB2_1-.Ltmp2, $4  }
0x98: {  	[hbm:s13], [sflag:s6] =	dma.local @!p0 [spmem:s17], $0x100  }
0x99: {  	_ =	swait.ge @!p0 [sflag:s0], $0x100  }
0x9a: {  	[sflag:s0] =	ssyncset.done @!p0 $0x0  }
0x9b: {  	[sflag:s0] =	ssyncadd.s32 @!p0 $0xFFFFFF00  }
0x9c: {  	_ =	sfence.sel $0x180000  }
0x9d: {  	[bflag:$0x0] =	sbarrier.arrive $0xFFFF  }
0x9e: {  	_ =	strace $0x90000047  }
0x9f: {  	[bflag:$0x2] =	sbarrier.arrive $0xFFFF  }
0xa0: {  	p0 =	sne.s32 s3, $0x0;
	s0 =	rddreg [dreg:$0x4]  }
0xa1: {  	s0 =	sadd.s32 @!p0 $0x100000, s0  }
0xa2: {  	[sflag:s0] =	ssyncadd.tile.s32 @!p0 $0x1;
	_ =	shalt  }
.Lfunc_end2:
_tile_overlayer_lowered:
.L_overlay_start_2:
0xa3: {  	(tag) =	ssettag $0x2  }
0xa4: {  	s0 =	rddreg [dreg:$0x0];
	s2 =	stileid.u32  }
0xa5: {  	s1 =	rddreg [dreg:$0x1];
	p0 =	sne.s32 s2, $0x0  }
0xa6: {  	s3 =	rddreg [dreg:$0x2];
	[bflag:$0x3] =	sbarrier.arrive $0xFFFF;
	s2 =	simm.s32 @!p0 $0x1C05  }
0xa7: {  	[timem:s3], [sflag:s2] =	dma.local @!p0 [hbm:s0], s1  }
0xa8: {  	s0 =	simm.s32 @!p0 $0x5  }
0xa9: {  	_ =	swait.ge @!p0 [sflag:s0], s1  }
0xaa: {  	s1 =	ssub.s32 @!p0 $0x0, s1;
	[sflag:s0] =	ssyncset.done @!p0 $0x0  }
0xab: {  	[sflag:s0] =	ssyncadd.s32 @!p0 s1  }
0xac: {  	[bflag:$0x3] =	sbarrier.arrive $0xFFFF  }
0xad: {  	_ =	shalt  }

// kernel: kernel.9.cloned.1.call-start
scs
__scs_entry_jumppad:
0x0: {  	(pc) =	sbr.rel $0x88, $3  }
0x1: {  	(tag) =	ssettag $0x0;
	lr =	simm.s32 $0x1  }
0x2: {  	[smem:$0x3F96] =	sst lr;
	_ =	strace $0xD0000000  }
0x3: {  	_ = 	snop  }
0x4: {  	_ = 	snop  }
0x5: {  	_ = 	snop  }
0x6: {  	_ = 	snop  }
0x7: {  	_ = 	snop  }
__scs_overlays_trampoline_lowered:
0x8: {  	[smem:$0x3FA5] =	sst s0  }
0x9: {  	[smem:$0x3FA6] =	sst s1  }
0xa: {  	[smem:$0x3FA7] =	sst s2  }
0xb: {  	[smem:$0x3FA8] =	sst s3  }
0xc: {  	[smem:$0x3FA9] =	sst s4  }
0xd: {  	[smem:$0x3FAA] =	sst s5  }
0xe: {  	[smem:$0x3FAB] =	sst s6  }
0xf: {  	[smem:$0x3FAC] =	sst s7  }
0x10: {  	[smem:$0x3FAD] =	sst s8  }
0x11: {  	[smem:$0x3FAE] =	sst s9;
	s0 =	simm.s32 @!p0 $0x0  }
0x12: {  	s1 =	sld [smem:$0x3F94];
	s0 =	simm.s32 @p0 $0x1  }
0x13: {  	[smem:$0x3FAF] =	sst s0;
	s0 =	simm.s32 @!p1 $0x0  }
0x14: {  	s2 =	sld [smem:$0x3F93];
	s0 =	simm.s32 @p1 $0x1  }
0x15: {  	[smem:$0x3FB0] =	sst s0;
	s0 =	simm.s32 @!p2 $0x0  }
0x16: {  	s3 =	sld [smem:$0x3FDB];
	s0 =	simm.s32 @p2 $0x1  }
0x17: {  	s4 =	simm.s32 $0x1BF5;
	[smem:$0x3FB2] =	sst s0  }
0x18: {  	s0 =	sld [smem:$0x3F95];
	_ =	swait.ge [sflag:s4], $0x0  }
0x19: {  	s7 =	sld [smem:$0x3F96]  }
0x1a: {  	s8 =	sadd.s32 $0xFFFFE003, lr  }
0x1b: {  	s9 =	sadd.s32 $0xFFFFFEF7, lr;
	s5 =	simm.s32 $0xFFFFFFFF;
	p2 =	slt.u32 s8, $0xFFFFF086  }
0x1c: {  	p1 =	slt.u32 s9, $0xF7A;
	s5 =	simm.s32 @!p2 $0x0  }
0x1d: {  	s5 =	simm.s32 @p1 $0x1;
	p0 =	seq.s32 s7, s2  }
0x1e: {  	s7 =	smul.u32 @!p0 $0xF7A, s2;
	p2 =	seq.s32 @!p0 s5, $0x0  }
0x1f: {  	s9 =	smul.u32 $0xF7A, s1;
	s8 =	simm.s32 @!p0 $0x1BF5;
	p2 =	por !p2, p0  }
0x20: {  	[sflag:s8] =	ssyncset.s32 @!p0 $0xFFFFF086;
	s6 =	sadd.s32 @!p0 s3, s7;
	s7 =	simm.s32 @!p0 $0x108  }
0x21: {  	s3 =	sadd.s32 s3, s9;
	s6 =	sadd.s32 @!p0 $0x88, s6;
	s7 =	simm.s32 @p2 $0x1082  }
0x22: {  	[simem:s7], [sflag:s8] =	dma.local @!p0 [hbm:s6], $0xF7A  }
0x23: {  	s9 =	sor.u32 $0xD0000000, s2;
	s6 =	simm.s32 $0x108;
	_ =	swait.ge @!p0 [sflag:s8], $0x0  }
0x24: {  	s3 =	sadd.s32 $0x88, s3;
	s6 =	simm.s32 @!p1 $0x1082;
	[sflag:s4] =	ssyncset.s32 $0xFFFFF086  }
0x25: {  	[simem:s6], [sflag:s4] =	dma.local [hbm:s3], $0xF7A  }
0x26: {  	[smem:$0x3F96] =	sst s1;
	(tag) =	ssettag s2;
	_ =	strace s9  }
0x27: {  	s1 =	sld [smem:$0x3FA6]  }
0x28: {  	s2 =	sld [smem:$0x3FA7]  }
0x29: {  	s4 =	sld [smem:$0x3FA9]  }
0x2a: {  	p0 =	seq.s32 s5, $0x0;
	s5 =	sld [smem:$0x3FAA]  }
0x2b: {  	s6 =	sld [smem:$0x3FAB]  }
0x2c: {  	s7 =	sld [smem:$0x3FAC]  }
0x2d: {  	s3 =	simm.s32 $0x108;
	s8 =	sld [smem:$0x3FAD]  }
0x2e: {  	s3 =	simm.s32 @!p0 $0x1082;
	s9 =	sld [smem:$0x3FAE]  }
0x2f: {  	lr =	sadd.s32 s0, s3;
	s0 =	sld [smem:$0x3FA5]  }
0x30: {  	s3 =	sld [smem:$0x3FA8]  }
0x31: {  	[smem:$0x3FB1] =	sst s10  }
0x32: {  	s10 =	sld [smem:$0x3FAF];
	_ =	sdelay $0x3  }
0x33: {  	p0 =	seq.s32 s10, $0x1;
	s10 =	sld [smem:$0x3FB1];
	_ =	sdelay $0x3  }
0x34: {  	[smem:$0x3FB1] =	sst s10  }
0x35: {  	s10 =	sld [smem:$0x3FB0];
	_ =	sdelay $0x3  }
0x36: {  	p1 =	seq.s32 s10, $0x1;
	s10 =	sld [smem:$0x3FB1];
	_ =	sdelay $0x3  }
0x37: {  	[smem:$0x3FB1] =	sst s10  }
0x38: {  	s10 =	sld [smem:$0x3FB2]  }
0x39: {  	_ = 	snop;
	(pc) =	sbr.ind lr, $3  }
0x3a: {  	_ = 	snop  }
0x3b: {  	_ = 	snop  }
0x3c: {  	p2 =	seq.s32 s10, $0x1;
	s10 =	sld [smem:$0x3FB1]  }
0x3d: {  	_ =	shalt  }
0x3e: {  	_ =	shalt  }
0x3f: {  	_ =	shalt  }
0x40: {  	_ =	shalt  }
0x41: {  	_ =	shalt  }
0x42: {  	_ =	shalt  }
0x43: {  	_ =	shalt  }
0x44: {  	_ =	shalt  }
0x45: {  	_ =	shalt  }
0x46: {  	_ =	shalt  }
0x47: {  	_ =	shalt  }
0x48: {  	_ =	shalt  }
0x49: {  	_ =	shalt  }
0x4a: {  	_ =	shalt  }
0x4b: {  	_ =	shalt  }
0x4c: {  	_ =	shalt  }
0x4d: {  	_ =	shalt  }
0x4e: {  	_ =	shalt  }
0x4f: {  	_ =	shalt  }
0x50: {  	_ =	shalt  }
0x51: {  	_ =	shalt  }
0x52: {  	_ =	shalt  }
0x53: {  	_ =	shalt  }
0x54: {  	_ =	shalt  }
0x55: {  	_ =	shalt  }
0x56: {  	_ =	shalt  }
0x57: {  	_ =	shalt  }
0x58: {  	_ =	shalt  }
0x59: {  	_ =	shalt  }
0x5a: {  	_ =	shalt  }
0x5b: {  	_ =	shalt  }
0x5c: {  	_ =	shalt  }
0x5d: {  	_ =	shalt  }
0x5e: {  	_ =	shalt  }
0x5f: {  	_ =	shalt  }
0x60: {  	_ =	shalt  }
0x61: {  	_ =	shalt  }
0x62: {  	_ =	shalt  }
0x63: {  	_ =	shalt  }
0x64: {  	_ =	shalt  }
0x65: {  	_ =	shalt  }
0x66: {  	_ =	shalt  }
0x67: {  	_ =	shalt  }
0x68: {  	_ =	shalt  }
0x69: {  	_ =	shalt  }
0x6a: {  	_ =	shalt  }
0x6b: {  	_ =	shalt  }
0x6c: {  	_ =	shalt  }
0x6d: {  	_ =	shalt  }
0x6e: {  	_ =	shalt  }
0x6f: {  	_ =	shalt  }
0x70: {  	_ =	shalt  }
0x71: {  	_ =	shalt  }
0x72: {  	_ =	shalt  }
0x73: {  	_ =	shalt  }
0x74: {  	_ =	shalt  }
0x75: {  	_ =	shalt  }
0x76: {  	_ =	shalt  }
0x77: {  	_ =	shalt  }
0x78: {  	_ =	shalt  }
0x79: {  	_ =	shalt  }
0x7a: {  	_ =	shalt  }
0x7b: {  	_ =	shalt  }
0x7c: {  	_ =	shalt  }
0x7d: {  	_ =	shalt  }
0x7e: {  	_ =	shalt  }
0x7f: {  	_ =	shalt  }
0x80: {  	_ =	shalt  }
0x81: {  	_ =	shalt  }
0x82: {  	_ =	shalt  }
0x83: {  	_ =	shalt  }
0x84: {  	_ =	shalt  }
0x85: {  	_ =	shalt  }
0x86: {  	_ =	shalt  }
0x87: {  	_ =	shalt  }
.Lfunc_end0:
.L_simem_size_0:
called_computation.1_lowered:
.L_overlay_start_0:
0x88: {  	s2 =	sld [smem:$0x3FD9]  }
0x89: {  	s3 =	sld [smem:$0x3FFE];
	_ =	sdelay $0x1  }
0x8a: {  	s1 =	srdreg.scid  }
0x8b: {  	s0 =	sand.u32 $0x1, s1  }
0x8c: {  	s14 =	sshll.u32 s0, $0xA;
	s2 =	sadd.s32 s3, s2  }
0x8d: {  	s2 =	sadd.s32 s2, s14  }
0x8e: {  	[smem:$0x3FBD] =	sst s2  }
0x8f: {  	_ = 	snop  }
0x90: {  	s2 =	sld [smem:$0x3FD0];
	_ =	sdelay $0x2  }
0x91: {  	s15 =	simm.s32 $0xA;
	s4 =	simm.s32 $0x10  }
0x92: {  	[smem:s4], [sflag:s15] =	dma.local [hbm:s2], $0x1  }
0x93: {  	_ =	swait.eq [sflag:s15], $0x1  }
0x94: {  	s16 =	sld [smem:$0x11];
	[sflag:s15] =	ssyncset.done $0x0  }
0x95: {  	s17 =	sld [smem:$0x12];
	[sflag:s15] =	ssyncadd.s32 $0xFFFFFFFF  }
0x96: {  	s18 =	sld [smem:$0x13];
	(tm) =	ssettm $0x1  }
0x97: {  	s5 =	sld [smem:$0x3FFB];
	_ =	sdelay $0x3  }
0x98: {  	_ =	strace s5  }
0x99: {  	s5 =	sld [smem:$0x3FFC];
	_ =	sdelay $0x3  }
0x9a: {  	_ =	strace s5  }
0x9b: {  	s5 =	sld [smem:$0x3FFD];
	_ =	sdelay $0x3  }
0x9c: {  	_ =	strace s5  }
0x9d: {  	_ =	strace $0x8FFFFFFF  }
0x9e: {  	s19 =	sld [smem:$0x3FDB];
	_ =	sdelay $0x1  }
0x9f: {  	s6 =	simm.s32 $_scs_section_size  }
0xa0: {  	s7 =	simm.s32 $_size__tile_overlayer_lowered;
	s8 =	simm.s32 $_tile_overlayer_lowered  }
0xa1: {  	s22 =	simm.s32 $0x1BFF;
	s21 =	sshll.u32 s8, $0x1;
	s5 =	sadd.s32 s6, s19  }
0xa2: {  	s9 =	simm.s32 $0x0;
	s20 =	sshll.u32 s7, $0x1;
	s7 =	sadd.s32 s21, s5  }
0xa3: {  	[timem:s9], [sflag:s22] =	dma.local [hbm:s7], s20  }
0xa4: {  	_ =	swait.ge [sflag:s22], s20  }
0xa5: {  	s6 =	ssub.s32 $0x0, s20;
	[sflag:s22] =	ssyncset.done $0x0  }
0xa6: {  	[sflag:s22] =	ssyncadd.s32 s6;
	_ =	sdelay $0x1  }
0xa7: {  	s23 =	simm.s32 $0x1B8B  }
0xa8: {  	_ =	swait.ge [sflag:s23], $0x1  }
0xa9: {  	[sflag:s23] =	ssyncset.done $0x0  }
0xaa: {  	s25 =	simm.s32 $0x1B8E;
	s24 =	sld [smem:$0x3FFE];
	[sflag:s23] =	ssyncadd.s32 $0xFFFFFFFF  }
0xab: {  	s26 =	simm.s32 $execute0_lowered;
	[smem:$0x3FD2] =	sst s25  }
0xac: {  	s7 =	sshll.u32 s26, $0x1;
	_ =	strace $0x80000049;
	[dreg:$0x1] =	wrdreg $0xFFFFFFFF  }
0xad: {  	s28 =	simm.s32 $_size_execute0_lowered;
	s5 =	sadd.s32 s5, s7;
	[dreg:$0x0] =	wrdreg $0x0  }
0xae: {  	s7 =	sshll.u32 s28, $0x1;
	[dreg:$0x2] =	wrdreg s5  }
0xaf: {  	[dreg:$0x3] =	wrdreg s7  }
0xb0: {  	[dreg:$0x4] =	wrdreg $0xC0  }
0xb1: {  	_ =	task [dreg:s9], $0x5FFFF  }
0xb2: {  	[dreg:$0x1] =	wrdreg $0xFFFFFFFF  }
0xb3: {  	[dreg:$0x0] =	wrdreg $0x60  }
0xb4: {  	[dreg:$0x2] =	wrdreg s16  }
0xb5: {  	[dreg:$0x3] =	wrdreg s18  }
0xb6: {  	[dreg:$0x4] =	wrdreg s24  }
0xb7: {  	[dreg:$0x5] =	wrdreg s17  }
0xb8: {  	[dreg:$0x6] =	wrdreg $0x54800  }
0xb9: {  	[dreg:$0x7] =	wrdreg $0x56F80  }
0xba: {  	[dreg:$0x8] =	wrdreg $0x9  }
0xbb: {  	_ =	task.clear_ibuf [dreg:s9], $0x9FFFF;
	_ =	strace $0x90000049  }
0xbc: {  	s29 =	simm.s32 $0x9;
	_ =	strace $0x8000004B  }
0xbd: {  	_ =	swait.ge [sflag:s29], $0x1  }
0xbe: {  	[sflag:s29] =	ssyncadd.s32 $0xFFFFFFFF  }
0xbf: {  	_ =	strace $0x9000004B  }
0xc0: {  	_ =	sfence  }
0xc1: {  	s30 =	sld [smem:$0x0];
	_ =	sdelay $0x2  }
0xc2: {  	s31 =	sshll.u32 s1, $0xD;
	s1 =	sshrl.u32 s1, $0x2  }
0xc3: {  	s3 =	sand.u32 $0x4000, s31;
	s1 =	sadd.s32 s1, s30  }
0xc4: {  	s0 =	sor.u32 s3, s0;
	s1 =	sshll.u32 s1, $0x11  }
0xc5: {  	s0 =	sor.u32 s1, s0  }
0xc6: {  	s0 =	sadd.s32 $0x8F2B, s0  }
0xc7: {  	[sflag:s0] =	ssyncadd.remote.s32 $0x1  }
0xc8: {  	_ =	sfence.sel $0xFFFF  }
0xc9: {  	[dreg:$0x0] =	wrdreg $0xFFFFFFFF;
	(pc) =	sbr.abs _section_cstart, $3  }
0xca: {  	[dreg:$0x1] =	wrdreg $0xFFFFFFFF  }
0xcb: {  	_ =	task.clear_ibuf [dreg:s9], $0x2FFFF;
	_ =	strace $0x9FFFFFFF  }
0xcc: {  	(tm) =	ssettm $0x7FFFFFFF  }
0xcd: {  	_ =	shalt  }
tec
execute0_lowered:
.L_overlay_start_1:
0x0: {  	(tag) =	ssettag $0x1  }
0x1: {  	s0 =	rddreg [dreg:$0x0]  }
0x2: {  	s2 =	rddreg [dreg:$0x1]  }
0x3: {  	s5 =	rddreg [dreg:$0x2]  }
0x4: {  	s13 =	rddreg [dreg:$0x3]  }
0x5: {  	s1 =	rddreg [dreg:$0x4];
	s4 =	srdreg.scid  }
0x6: {  	s3 =	rddreg [dreg:$0x5];
	s16 =	stileid.u32  }
0x7: {  	s17 =	simm.s32 $0x9;
	s19 =	simm.s32 $0x80;
	s20 =	simm.s32 $0x5000  }
0x8: {  	s21 =	simm.s32 $0x5080;
	s28 =	simm.s32 $0x5;
	s29 =	simm.s32 $0x2  }
0x9: {  	s30 =	simm.s32 $0x6;
	s31 =	simm.s32 $0x3;
	s18 =	simm.s32 $0x8  }
0xa: {  	s8 =	sand.u32 $0x1, s4;
	s4 =	simm.s32 $0x0;
	s12 =	smul.u32 $0x270, s16  }
0xb: {  	s10 =	sadd.s32 $0x2700, s3;
	p0 =	sne.s32 s16, $0xF;
	s6 =	sshll.u32 s8, $0x4  }
0xc: {  	[smem:$0x7FF] =	sst s4;
	s22 =	ssub.s32 $0x2, s8;
	s14 =	smul.u32 $0x2710, s8  }
0xd: {  	s8 =	sadd.s32 $0x4E0, s0;
	s6 =	sor.u32 s16, s6;
	_ =	strace $0x8000004A  }
0xe: {  	s7 =	sshrl.u32 s22, $0x1;
	s9 =	sshrl.u32 s12, $0x3;
	s24 =	sadd.s32 s12, s3  }
0xf: {  	s16 =	simm.s32 $0x5200;
	s11 =	smul.u32 $0x500, s6;
	s15 =	ssub.s32 s22, s7  }
0x10: {  	s23 =	sadd.s32 s0, s9;
	s6 =	sadd.s32 s12, s1;
	[dreg:$0x8] =	wrdreg s24  }
0x11: {  	s9 =	sadd.s32 $0x2700, s1;
	s25 =	sadd.s32 s12, s14;
	s26 =	sshrl.u32 s14, $0x3  }
0x12: {  	s22 =	simm.s32 $0x0;
	[dreg:$0x7] =	wrdreg s23;
	s0 =	sshrl.u32 s25, $0x3  }
0x13: {  	s15 =	smax.u32 s15, $0x1;
	s23 =	simm.s32 $0x5100;
	s25 =	simm.s32 $0x5180  }
0x14: {  	s5 =	sadd.s32 s11, s5;
	s11 =	sadd.s32 s2, s11;
	s2 =	sadd.s32 s13, s26  }
0x15: {  	s13 =	sadd.s32 s13, s0;
	s26 =	simm.s32 $0x1;
	s0 =	simm.s32 $0x7  }
0x16: {  	s12 =	sadd.s32 $0x1600, s5;
	s14 =	sadd.s32 $0x4E0, s2;
	s2 =	simm.s32 $0x4  }
.LBB2_1:
0x17: {  	s5 =	rddreg [dreg:$0x7]  }
0x18: {  	[tilespmem:s16], [sflag:$0x9] =	stream.linear.gather [hbm4b:s5+s4], $0x270, $0x38;
	[tilespmem:$0x5970] =	vst v63  }
0x19: {  	_ =	swait.ge [sflag:s17], $0x270  }
0x1a: {  	[sflag:s17] =	ssyncset.done $0x0  }
0x1b: {  	[sflag:s17] =	ssyncadd.s32 $0xFFFFFD90  }
0x1c: {  	[spmem:s6] =	stream.linear.scatter [tilespmem:s16], [sflag:$0x9], $0x270, $0x38;
	[tilespmem:$0x5970] =	vst v63  }
0x1d: {  	_ =	swait.ge [sflag:s17], $0x270  }
0x1e: {  	[sflag:s17] =	ssyncset.done $0x0  }
0x1f: {  	s24 =	rddreg [dreg:$0x8];
	[sflag:s17] =	ssyncadd.s32 $0xFFFFFD90  }
0x20: {  	[spmem:s24] =	stream.linear.scatter [tilespmem:s16], [sflag:$0x9], $0x270, $0x38;
	[tilespmem:$0x5970] =	vst v63  }
0x21: {  	_ =	swait.ge [sflag:s17], $0x270  }
0x22: {  	[sflag:s17] =	ssyncset.done $0x0  }
0x23: {  	s5 =	simm.s32 @!p0 $0x0;
	s24 =	simm.s32 @!p0 $0x5470;
	[sflag:s17] =	ssyncadd.s32 $0xFFFFFD90  }
0x24: {  	[tilespmem:s24], [sflag:$0x9] =	stream.linear.gather @!p0 [hbm4b:s8+s5], $0x10, $0x38;
	[tilespmem:$0x5970] =	vst v63  }
0x25: {  	s5 =	simm.s32 @!p0 $0x9  }
0x26: {  	_ =	swait.ge @!p0 [sflag:s5], $0x10  }
0x27: {  	[sflag:s5] =	ssyncset.done @!p0 $0x0  }
0x28: {  	[sflag:s5] =	ssyncadd.s32 @!p0 $0xFFFFFFF0  }
0x29: {  	[spmem:s9] =	stream.linear.scatter @!p0 [tilespmem:s24], [sflag:$0x9], $0x10, $0x38;
	[tilespmem:$0x5970] =	vst v63  }
0x2a: {  	_ =	swait.ge @!p0 [sflag:s5], $0x10  }
0x2b: {  	[sflag:s5] =	ssyncset.done @!p0 $0x0  }
0x2c: {  	[sflag:s5] =	ssyncadd.s32 @!p0 $0xFFFFFFF0  }
0x2d: {  	[spmem:s10] =	stream.linear.scatter @!p0 [tilespmem:s24], [sflag:$0x9], $0x10, $0x38;
	[tilespmem:$0x5970] =	vst v63  }
0x2e: {  	_ =	swait.ge @!p0 [sflag:s5], $0x10  }
0x2f: {  	[sflag:s5] =	ssyncset.done @!p0 $0x0  }
0x30: {  	[sflag:s5] =	ssyncadd.s32 @!p0 $0xFFFFFFF0  }
0x31: {  	[tilespmem:s4], [sflag:$0x9] =	stream.linear.gather [hbm4b:s11+s4], $0x2800, $0x38;
	[tilespmem:$0x5970] =	vst v63  }
0x32: {  	_ =	swait.ge [sflag:s17], $0x2800  }
0x33: {  	[sflag:s17] =	ssyncset.done $0x0  }
0x34: {  	s7 =	simm.s32 $0x2800;
	[sflag:s17] =	ssyncadd.s32 $0xFFFFD800  }
0x35: {  	[tilespmem:s7], [sflag:$0x9] =	stream.linear.gather [hbm4b:s12+s4], $0x2800, $0x38;
	[tilespmem:$0x5970] =	vst v63  }
0x36: {  	_ =	swait.ge [sflag:s17], $0x2800  }
0x37: {  	[sflag:s17] =	ssyncset.done $0x0  }
0x38: {  	[sflag:s17] =	ssyncadd.s32 $0xFFFFD800  }
0x39: {  	[bflag:$0x0] =	sbarrier.arrive $0xFFFF  }
0x3a: {  	[tilespmem:s20], [sflag:$0x1] =	stream.indirect.gather [spmem:s3], $0x1, s4, s19, $0xb8;
	[tilespmem:$0x5970] =	vst v63  }
0x3b: {  	_ = 	snop  }
0x3c: {  	[tilespmem:s21], [sflag:$0x2] =	stream.indirect.gather [spmem:s3], $0x1, s19, s19, $0xb8;
	[tilespmem:$0x5970] =	vst v63  }
0x3d: {  	s24 =	simm.s32 $0x100  }
0x3e: {  	[tilespmem:s23], [sflag:$0x3] =	stream.indirect.gather [spmem:s3], $0x1, s24, s19, $0xb8;
	[tilespmem:$0x5970] =	vst v63  }
0x3f: {  	s7 =	simm.s32 $0x180  }
0x40: {  	[tilespmem:s25], [sflag:$0x4] =	stream.indirect.gather [spmem:s3], $0x1, s7, s19, $0xb8;
	[tilespmem:$0x5970] =	vst v63  }
0x41: {  	_ =	swait.ge [sflag:s26], $0x80  }
0x42: {  	[sflag:s26] =	ssyncset.done $0x0  }
0x43: {  	s24 =	simm.s32 $0x2800;
	[sflag:s26] =	ssyncadd.s32 $0xFFFFFF80  }
0x44: {  	[spmem:s1] =	stream.indirect.scatter.add.f32 [tilespmem:s20], [sflag:$0x5], $0x1, s24, s19, $0xb8;
	[tilespmem:$0x5970] =	vst v63  }
0x45: {  	_ =	swait.ge [sflag:s28], $0x80  }
0x46: {  	[sflag:s28] =	ssyncset.done $0x0  }
0x47: {  	s7 =	simm.s32 $0x200;
	[sflag:s28] =	ssyncadd.s32 $0xFFFFFF80  }
0x48: {  	[tilespmem:s20], [sflag:$0x1] =	stream.indirect.gather [spmem:s3], $0x1, s7, s19, $0xb8;
	[tilespmem:$0x5970] =	vst v63  }
0x49: {  	_ =	swait.ge [sflag:s29], $0x80  }
0x4a: {  	[sflag:s29] =	ssyncset.done $0x0  }
0x4b: {  	s24 =	simm.s32 $0x2880;
	[sflag:s29] =	ssyncadd.s32 $0xFFFFFF80  }
0x4c: {  	[spmem:s1] =	stream.indirect.scatter.add.f32 [tilespmem:s21], [sflag:$0x6], $0x1, s24, s19, $0xb8;
	[tilespmem:$0x5970] =	vst v63  }
0x4d: {  	_ =	swait.ge [sflag:s30], $0x80  }
0x4e: {  	[sflag:s30] =	ssyncset.done $0x0  }
0x4f: {  	s7 =	simm.s32 $0x280;
	[sflag:s30] =	ssyncadd.s32 $0xFFFFFF80  }
0x50: {  	[tilespmem:s21], [sflag:$0x2] =	stream.indirect.gather [spmem:s3], $0x1, s7, s19, $0xb8;
	[tilespmem:$0x5970] =	vst v63  }
0x51: {  	_ =	swait.ge [sflag:s31], $0x80  }
0x52: {  	[sflag:s31] =	ssyncset.done $0x0  }
0x53: {  	s24 =	simm.s32 $0x2900;
	[sflag:s31] =	ssyncadd.s32 $0xFFFFFF80  }
0x54: {  	[spmem:s1] =	stream.indirect.scatter.add.f32 [tilespmem:s23], [sflag:$0x7], $0x1, s24, s19, $0xb8;
	[tilespmem:$0x5970] =	vst v63  }
0x55: {  	_ =	swait.ge [sflag:s0], $0x80  }
0x56: {  	[sflag:s0] =	ssyncset.done $0x0  }
0x57: {  	s7 =	simm.s32 $0x300;
	[sflag:s0] =	ssyncadd.s32 $0xFFFFFF80  }
0x58: {  	[tilespmem:s23], [sflag:$0x3] =	stream.indirect.gather [spmem:s3], $0x1, s7, s19, $0xb8;
	[tilespmem:$0x5970] =	vst v63  }
0x59: {  	_ =	swait.ge [sflag:s2], $0x80  }
0x5a: {  	[sflag:s2] =	ssyncset.done $0x0  }
0x5b: {  	s24 =	simm.s32 $0x2980;
	[sflag:s2] =	ssyncadd.s32 $0xFFFFFF80  }
0x5c: {  	[spmem:s1] =	stream.indirect.scatter.add.f32 [tilespmem:s25], [sflag:$0x8], $0x1, s24, s19, $0xb8;
	[tilespmem:$0x5970] =	vst v63  }
0x5d: {  	_ =	swait.ge [sflag:s18], $0x80  }
0x5e: {  	[sflag:s18] =	ssyncset.done $0x0  }
0x5f: {  	s5 =	simm.s32 $0x380;
	s24 =	simm.s32 $0x800;
	[sflag:s18] =	ssyncadd.s32 $0xFFFFFF80  }
.LBB2_2:
0x60: {  	[tilespmem:s25], [sflag:$0x4] =	stream.indirect.gather [spmem:s3], $0x1, s5, s19, $0xb8;
	[tilespmem:$0x5970] =	vst v63  }
0x61: {  	s5 =	smov.u32 s24  }
0x62: {  	p1 =	sne.s32 s24, $0x9000;
	s24 =	sadd.s32 $0x800, s24;
	_ =	swait.ge [sflag:s26], $0x80  }
0x63: {  	s5 =	sshra.s32 s5, $0x2;
	[sflag:s26] =	ssyncset.done $0x0  }
0x64: {  	s7 =	sadd.s32 $0x2800, s5;
	[sflag:s26] =	ssyncadd.s32 $0xFFFFFF80  }
0x65: {  	[spmem:s1] =	stream.indirect.scatter.add.f32 [tilespmem:s20], [sflag:$0x5], $0x1, s7, s19, $0xb8;
	[tilespmem:$0x5970] =	vst v63  }
0x66: {  	_ =	swait.ge [sflag:s28], $0x80  }
0x67: {  	[sflag:s28] =	ssyncset.done $0x0  }
0x68: {  	s7 =	sadd.s32 $0x200, s5;
	[sflag:s28] =	ssyncadd.s32 $0xFFFFFF80  }
0x69: {  	[tilespmem:s20], [sflag:$0x1] =	stream.indirect.gather [spmem:s3], $0x1, s7, s19, $0xb8;
	[tilespmem:$0x5970] =	vst v63  }
0x6a: {  	_ =	swait.ge [sflag:s29], $0x80  }
0x6b: {  	[sflag:s29] =	ssyncset.done $0x0  }
0x6c: {  	s7 =	sadd.s32 $0x2880, s5;
	[sflag:s29] =	ssyncadd.s32 $0xFFFFFF80  }
0x6d: {  	[spmem:s1] =	stream.indirect.scatter.add.f32 [tilespmem:s21], [sflag:$0x6], $0x1, s7, s19, $0xb8;
	[tilespmem:$0x5970] =	vst v63  }
0x6e: {  	_ =	swait.ge [sflag:s30], $0x80  }
0x6f: {  	[sflag:s30] =	ssyncset.done $0x0  }
0x70: {  	s7 =	sadd.s32 $0x280, s5;
	[sflag:s30] =	ssyncadd.s32 $0xFFFFFF80  }
0x71: {  	[tilespmem:s21], [sflag:$0x2] =	stream.indirect.gather [spmem:s3], $0x1, s7, s19, $0xb8;
	[tilespmem:$0x5970] =	vst v63  }
0x72: {  	_ =	swait.ge [sflag:s31], $0x80  }
0x73: {  	[sflag:s31] =	ssyncset.done $0x0  }
0x74: {  	s7 =	sadd.s32 $0x2900, s5;
	[sflag:s31] =	ssyncadd.s32 $0xFFFFFF80  }
0x75: {  	[spmem:s1] =	stream.indirect.scatter.add.f32 [tilespmem:s23], [sflag:$0x7], $0x1, s7, s19, $0xb8;
	[tilespmem:$0x5970] =	vst v63  }
0x76: {  	_ =	swait.ge [sflag:s0], $0x80  }
0x77: {  	[sflag:s0] =	ssyncset.done $0x0  }
0x78: {  	s7 =	sadd.s32 $0x300, s5;
	[sflag:s0] =	ssyncadd.s32 $0xFFFFFF80  }
0x79: {  	[tilespmem:s23], [sflag:$0x3] =	stream.indirect.gather [spmem:s3], $0x1, s7, s19, $0xb8;
	[tilespmem:$0x5970] =	vst v63  }
0x7a: {  	_ =	swait.ge [sflag:s2], $0x80  }
0x7b: {  	[sflag:s2] =	ssyncset.done $0x0  }
.Ltmp0:
0x7c: {  	s7 =	sadd.s32 $0x2980, s5;
	[sflag:s2] =	ssyncadd.s32 $0xFFFFFF80;
	(pc) =	sbr.rel @p1 .LBB2_2-.Ltmp0, $4  }
0x7d: {  	[spmem:s1] =	stream.indirect.scatter.add.f32 [tilespmem:s25], [sflag:$0x8], $0x1, s7, s19, $0xb8;
	[tilespmem:$0x5970] =	vst v63  }
0x7e: {  	_ =	swait.ge [sflag:s18], $0x80  }
0x7f: {  	[sflag:s18] =	ssyncset.done $0x0  }
0x80: {  	s5 =	sadd.s32 $0x380, s5;
	[sflag:s18] =	ssyncadd.s32 $0xFFFFFF80  }
0x81: {  	[tilespmem:s25], [sflag:$0x4] =	stream.indirect.gather [spmem:s3], $0x1, s5, s19, $0xb8;
	[tilespmem:$0x5970] =	vst v63  }
0x82: {  	_ =	swait.ge [sflag:s26], $0x80  }
0x83: {  	[sflag:s26] =	ssyncset.done $0x0  }
0x84: {  	s7 =	simm.s32 $0x4E00;
	[sflag:s26] =	ssyncadd.s32 $0xFFFFFF80  }
0x85: {  	[spmem:s1] =	stream.indirect.scatter.add.f32 [tilespmem:s20], [sflag:$0x5], $0x1, s7, s19, $0xb8;
	[tilespmem:$0x5970] =	vst v63  }
0x86: {  	_ =	swait.ge [sflag:s29], $0x80  }
0x87: {  	[sflag:s29] =	ssyncset.done $0x0  }
0x88: {  	s24 =	simm.s32 $0x4E80;
	[sflag:s29] =	ssyncadd.s32 $0xFFFFFF80  }
0x89: {  	[spmem:s1] =	stream.indirect.scatter.add.f32 [tilespmem:s21], [sflag:$0x6], $0x1, s24, s19, $0xb8;
	[tilespmem:$0x5970] =	vst v63  }
0x8a: {  	_ =	swait.ge [sflag:s31], $0x80  }
0x8b: {  	[sflag:s31] =	ssyncset.done $0x0  }
0x8c: {  	s7 =	simm.s32 $0x4F00;
	[sflag:s31] =	ssyncadd.s32 $0xFFFFFF80  }
0x8d: {  	[spmem:s1] =	stream.indirect.scatter.add.f32 [tilespmem:s23], [sflag:$0x7], $0x1, s7, s19, $0xb8;
	[tilespmem:$0x5970] =	vst v63  }
0x8e: {  	_ =	swait.ge [sflag:s2], $0x80  }
0x8f: {  	[sflag:s2] =	ssyncset.done $0x0  }
0x90: {  	s24 =	simm.s32 $0x4F80;
	[sflag:s2] =	ssyncadd.s32 $0xFFFFFF80  }
0x91: {  	[spmem:s1] =	stream.indirect.scatter.add.f32 [tilespmem:s25], [sflag:$0x8], $0x1, s24, s19, $0xb8;
	[tilespmem:$0x5970] =	vst v63  }
0x92: {  	_ =	swait.ge [sflag:s28], $0x80  }
0x93: {  	[sflag:s28] =	ssyncset.done $0x0  }
0x94: {  	[sflag:s28] =	ssyncadd.s32 $0xFFFFFF80  }
0x95: {  	_ =	swait.ge [sflag:s30], $0x80  }
0x96: {  	[sflag:s30] =	ssyncset.done $0x0  }
0x97: {  	[sflag:s30] =	ssyncadd.s32 $0xFFFFFF80  }
0x98: {  	_ =	swait.ge [sflag:s0], $0x80  }
0x99: {  	[sflag:s0] =	ssyncset.done $0x0  }
0x9a: {  	[sflag:s0] =	ssyncadd.s32 $0xFFFFFF80  }
0x9b: {  	_ =	swait.ge [sflag:s18], $0x80  }
0x9c: {  	[sflag:s18] =	ssyncset.done $0x0  }
0x9d: {  	[sflag:s18] =	ssyncadd.s32 $0xFFFFFF80  }
0x9e: {  	[bflag:$0x0] =	sbarrier.arrive $0xFFFF  }
0x9f: {  	[tilespmem:s16], [sflag:$0x9] =	stream.linear.gather [spmem:s6], $0x270, $0x38;
	[tilespmem:$0x5970] =	vst v63  }
0xa0: {  	_ =	swait.ge [sflag:s17], $0x270  }
0xa1: {  	[sflag:s17] =	ssyncset.done $0x0  }
0xa2: {  	[sflag:s17] =	ssyncadd.s32 $0xFFFFFD90  }
0xa3: {  	[hbm4b:s13+s4] =	stream.linear.scatter [tilespmem:s16], [sflag:$0x9], $0x270, $0x38;
	[tilespmem:$0x5970] =	vst v63  }
0xa4: {  	_ =	swait.ge [sflag:s17], $0x270  }
0xa5: {  	[sflag:s17] =	ssyncset.done $0x0  }
0xa6: {  	s5 =	simm.s32 @!p0 $0x5470;
	s7 =	simm.s32 @!p0 $0x9;
	[sflag:s17] =	ssyncadd.s32 $0xFFFFFD90  }
0xa7: {  	[tilespmem:s5], [sflag:$0x9] =	stream.linear.gather @!p0 [spmem:s9], $0x10, $0x38;
	[tilespmem:$0x5970] =	vst v63  }
0xa8: {  	s22 =	sadd.s32 $0x1, s22;
	_ =	swait.ge @!p0 [sflag:s7], $0x10  }
0xa9: {  	p1 =	sne.s32 s22, s15;
	[sflag:s7] =	ssyncset.done @!p0 $0x0  }
.Ltmp1:
0xaa: {  	s24 =	simm.s32 @!p0 $0x0;
	[sflag:s7] =	ssyncadd.s32 @!p0 $0xFFFFFFF0;
	(pc) =	sbr.rel @p1 .LBB2_1-.Ltmp1, $4  }
0xab: {  	[hbm4b:s14+s24] =	stream.linear.scatter @!p0 [tilespmem:s5], [sflag:$0x9], $0x10, $0x38;
	[tilespmem:$0x5970] =	vst v63  }
0xac: {  	_ =	swait.ge @!p0 [sflag:s7], $0x10  }
0xad: {  	[sflag:s7] =	ssyncset.done @!p0 $0x0  }
0xae: {  	[sflag:s7] =	ssyncadd.s32 @!p0 $0xFFFFFFF0  }
0xaf: {  	_ =	sfence.sel $0x180000  }
0xb0: {  	[bflag:$0x0] =	sbarrier.arrive $0xFFFF  }
0xb1: {  	_ =	strace $0x9000004A  }
0xb2: {  	s0 =	stileid.u32;
	[bflag:$0x2] =	sbarrier.arrive $0xFFFF  }
0xb3: {  	p0 =	sne.s32 s0, $0x0;
	s0 =	rddreg [dreg:$0x6]  }
0xb4: {  	s0 =	sadd.s32 @!p0 $0x100000, s0  }
0xb5: {  	[sflag:s0] =	ssyncadd.tile.s32 @!p0 $0x1;
	_ =	shalt  }
.Lfunc_end2:
_tile_overlayer_lowered:
.L_overlay_start_2:
0xb6: {  	(tag) =	ssettag $0x2  }
0xb7: {  	s0 =	rddreg [dreg:$0x0];
	s2 =	stileid.u32  }
0xb8: {  	s1 =	rddreg [dreg:$0x1];
	p0 =	sne.s32 s2, $0x0  }
0xb9: {  	s3 =	rddreg [dreg:$0x2];
	[bflag:$0x3] =	sbarrier.arrive $0xFFFF;
	s2 =	simm.s32 @!p0 $0x1C09  }
0xba: {  	[timem:s3], [sflag:s2] =	dma.local @!p0 [hbm:s0], s1  }
0xbb: {  	s0 =	simm.s32 @!p0 $0x9  }
0xbc: {  	_ =	swait.ge @!p0 [sflag:s0], s1  }
0xbd: {  	s1 =	ssub.s32 @!p0 $0x0, s1;
	[sflag:s0] =	ssyncset.done @!p0 $0x0  }
0xbe: {  	[sflag:s0] =	ssyncadd.s32 @!p0 s1  }
0xbf: {  	[bflag:$0x3] =	sbarrier.arrive $0xFFFF  }
0xc0: {  	_ =	shalt  }

</sc_bundles>
